<compile_context>
chip_gen: v7x
topology: tpu7x:2x2x1
jax: 0.10.2.dev20260603
libtpu: 0.0.44.dev20260713+nightly
codegen_flags: <defaults>
</compile_context>

<pallas_src>
import functools

import jax
import jax.numpy as jnp
from jax import lax
from jax.experimental import pallas as pl
from jax.experimental.pallas import tpu as pltpu
from jax.experimental.pallas import tpu_sc as plsc

N_NODES = 10000
N_EDGES = 320000
D_FEAT = 128
LATENT = 32

NC = 2
NS = 16
NW = NC * NS

CHUNK = 128
EROWS = N_EDGES // CHUNK
NCHUNK = EROWS // NW
NEXTRA = EROWS - NCHUNK * NW
NBUF = 8
ROWS_PER_SUB = N_NODES // NS


def _sc_body(y_hbm, ei_hbm, zeros_hbm, out_hbm,
             src_v, dst_v, rows_v, zacc, y_sp,
             gsem0, gsem1, gsem2, gsem3, gsem4, gsem5, gsem6, gsem7,
             ssem0, ssem1, ssem2, ssem3, ssem4, ssem5, ssem6, ssem7):
    core = lax.axis_index("c")
    sid = lax.axis_index("s")
    w = core * NS + sid
    gsems = (gsem0, gsem1, gsem2, gsem3, gsem4, gsem5, gsem6, gsem7)
    ssems = (ssem0, ssem1, ssem2, ssem3, ssem4, ssem5, ssem6, ssem7)

    sl = pl.ds(sid * ROWS_PER_SUB, ROWS_PER_SUB)
    pltpu.sync_copy(zeros_hbm.at[sl], zacc.at[sl])
    pltpu.sync_copy(y_hbm.at[sl], y_sp.at[sl])

    pltpu.sync_copy(ei_hbm.at[0, pl.ds(w * NCHUNK, NCHUNK)],
                    src_v.at[pl.ds(0, NCHUNK)])
    pltpu.sync_copy(ei_hbm.at[1, pl.ds(w * NCHUNK, NCHUNK)],
                    dst_v.at[pl.ds(0, NCHUNK)])

    @pl.when(w < NEXTRA)
    def _():
        pltpu.sync_copy(ei_hbm.at[0, pl.ds(NCHUNK * NW + w, 1)],
                        src_v.at[pl.ds(NCHUNK, 1)])
        pltpu.sync_copy(ei_hbm.at[1, pl.ds(NCHUNK * NW + w, 1)],
                        dst_v.at[pl.ds(NCHUNK, 1)])

    plsc.subcore_barrier()

    def gather_start(j, b):
        pltpu.async_copy(y_sp.at[src_v.at[j]], rows_v.at[b], gsems[b])

    def gather_wait(j, b):
        pltpu.make_async_copy(
            y_sp.at[src_v.at[j]], rows_v.at[b], gsems[b]).wait()

    def scat_start(j, b):
        pltpu.async_copy(rows_v.at[b], zacc.at[dst_v.at[j]], ssems[b],
                         add=True)

    def scat_wait(j, b):
        pltpu.make_async_copy(rows_v.at[b], zacc.at[dst_v.at[j]],
                              ssems[b]).wait()

    for b in range(NBUF - 1):
        gather_start(b, b)

    def static_step(j):
        b = j % NBUF
        gather_wait(j, b)
        scat_start(j, b)
        k = j + NBUF - 1
        if k < NCHUNK:
            bk = (b - 1) % NBUF
            if j >= 1:
                scat_wait(j - 1, bk)
            gather_start(k, bk)

    for j in range(NBUF):
        static_step(j)

    def body(g, carry):
        for b in range(NBUF):
            j = g * NBUF + b
            gather_wait(j, b)
            scat_start(j, b)
            bk = (b - 1) % NBUF
            scat_wait(j - 1, bk)
            gather_start(j + NBUF - 1, bk)
        return carry

    _G_END = (NCHUNK - 2 * NBUF) // NBUF + 1
    lax.fori_loop(1, _G_END, body, 0)

    for j in range(_G_END * NBUF, NCHUNK):
        static_step(j)
    for j in range(NCHUNK - NBUF, NCHUNK):
        scat_wait(j, j % NBUF)

    @pl.when(w < NEXTRA)
    def _():
        pltpu.async_copy(
            y_sp.at[src_v.at[NCHUNK]], rows_v.at[0], gsems[0]).wait()
        pltpu.sync_copy(rows_v.at[0], zacc.at[dst_v.at[NCHUNK]], add=True)

    plsc.subcore_barrier()
    pltpu.sync_copy(zacc.at[sl], out_hbm.at[core, sl])


_sc_scatter = functools.partial(
    pl.kernel,
    out_type=jax.ShapeDtypeStruct((NC, N_NODES, LATENT), jnp.float32),
    mesh=plsc.VectorSubcoreMesh(core_axis_name="c", subcore_axis_name="s"),
    scratch_types=[
        pltpu.VMEM((NCHUNK + 1, CHUNK), jnp.int32),
        pltpu.VMEM((NCHUNK + 1, CHUNK), jnp.int32),
        pltpu.VMEM((NBUF, CHUNK, LATENT), jnp.float32),
        pltpu.VMEM_SHARED((N_NODES, LATENT), jnp.float32),
        pltpu.VMEM_SHARED((N_NODES, LATENT), jnp.float32),
    ] + [pltpu.SemaphoreType.DMA] * 16,
    compiler_params=pltpu.CompilerParams(use_tc_tiling_on_sc=False),
)(_sc_body)


def _enc_body(x_ref, w_ref, y_ref):
    y_ref[...] = jnp.dot(x_ref[...], w_ref[...],
                         preferred_element_type=jnp.float32)


def _tail_body(zp_ref, benc_ref, wdec_ref, bdec_ref, uw_ref,
               lat_ref, rec_ref, util_ref, prob_ref):
    z = zp_ref[0] + zp_ref[1] + benc_ref[...]
    lat = jnp.maximum(z, 0.0)
    lat_ref[...] = lat
    rec = jnp.dot(lat, wdec_ref[...],
                  preferred_element_type=jnp.float32) + bdec_ref[...]
    rec_ref[...] = rec
    util_ref[...] = jnp.dot(rec, uw_ref[...],
                            preferred_element_type=jnp.float32)
    e = jnp.exp(rec)
    prob_ref[...] = e / jnp.sum(e, axis=1, keepdims=True)


_RB = 2000


def kernel(x, edge_index, W_enc, b_enc, W_dec, b_dec, utility_w):
    f32 = jnp.float32

    y = pl.pallas_call(
        _enc_body,
        grid=(N_NODES // _RB,),
        in_specs=[
            pl.BlockSpec((_RB, D_FEAT), lambda i: (i, 0)),
            pl.BlockSpec((D_FEAT, LATENT), lambda i: (0, 0)),
        ],
        out_specs=pl.BlockSpec((_RB, LATENT), lambda i: (i, 0)),
        out_shape=jax.ShapeDtypeStruct((N_NODES, LATENT), f32),
    )(x, W_enc)

    ei = edge_index.reshape(2, EROWS, CHUNK)
    zeros = jnp.zeros((N_NODES, LATENT), f32)
    partials = _sc_scatter(y, ei, zeros)

    uw_pad = jnp.concatenate(
        [utility_w, jnp.zeros((D_FEAT - 2,), f32)]).reshape(D_FEAT, 1)
    latent, recon, util2d, prob = pl.pallas_call(
        _tail_body,
        grid=(N_NODES // _RB,),
        in_specs=[
            pl.BlockSpec((NC, _RB, LATENT), lambda i: (0, i, 0)),
            pl.BlockSpec((1, LATENT), lambda i: (0, 0)),
            pl.BlockSpec((LATENT, D_FEAT), lambda i: (0, 0)),
            pl.BlockSpec((1, D_FEAT), lambda i: (0, 0)),
            pl.BlockSpec((D_FEAT, 1), lambda i: (0, 0)),
        ],
        out_specs=[
            pl.BlockSpec((_RB, LATENT), lambda i: (i, 0)),
            pl.BlockSpec((_RB, D_FEAT), lambda i: (i, 0)),
            pl.BlockSpec((_RB, 1), lambda i: (i, 0)),
            pl.BlockSpec((_RB, D_FEAT), lambda i: (i, 0)),
        ],
        out_shape=[
            jax.ShapeDtypeStruct((N_NODES, LATENT), f32),
            jax.ShapeDtypeStruct((N_NODES, D_FEAT), f32),
            jax.ShapeDtypeStruct((N_NODES, 1), f32),
            jax.ShapeDtypeStruct((N_NODES, D_FEAT), f32),
        ],
    )(partials, b_enc.reshape(1, LATENT), W_dec, b_dec.reshape(1, D_FEAT),
      uw_pad)

    return latent, recon, util2d.reshape(N_NODES), prob

# --- scband reference (transcript-rebuilt; emitter-appended) ---
"""Pipeline reference for scband-net-0207-21431886807156 (READ-ONLY COPY).

The authoritative reference and input builder live on the scoring server;
editing this copy changes nothing except your own understanding.
"""

import jax, jax.numpy as jnp
import numpy as np

N_NODES = 10000
N_EDGES = 320000
D_FEAT = 128
LATENT = 32


def setup_inputs(seed: int = 0) -> dict:
    key = jax.random.key(seed)
    ks = jax.random.split(key, 7)
    x = jax.random.normal(ks[0], (N_NODES, D_FEAT), dtype=jnp.float32)
    edge_index = jax.random.randint(ks[1], (2, N_EDGES), 0, N_NODES)
    W_enc = jax.random.normal(ks[2], (D_FEAT, LATENT), dtype=jnp.float32) * 0.02
    b_enc = jnp.zeros((LATENT,), dtype=jnp.float32)
    W_dec = jax.random.normal(ks[3], (LATENT, D_FEAT), dtype=jnp.float32) * 0.02
    b_dec = jnp.zeros((D_FEAT,), dtype=jnp.float32)
    utility_w = jnp.array([-0.3, -0.573], dtype=jnp.float32)
    return {"x": x, "edge_index": edge_index, "W_enc": W_enc, "b_enc": b_enc,
            "W_dec": W_dec, "b_dec": b_dec, "utility_w": utility_w}


def reference(x, edge_index, W_enc, b_enc, W_dec, b_dec, utility_w):
    # Graph message passing (gather messages from src nodes, scatter-add to dst)
    src = edge_index[0]
    dst = edge_index[1]
    msg = jnp.take(x, src, axis=0)                      # gather  [E, D]
    agg = jax.ops.segment_sum(msg, dst, num_segments=x.shape[0])  # scatter-add [N, D]
    # SimpleAutoencoder: latent = relu(enc(x)); recon = dec(latent)
    latent = jax.nn.relu(agg @ W_enc + b_enc)           # [N, LATENT]
    recon = latent @ W_dec + b_dec                      # [N, D]
    # UtilityLayer: matmul with 2-dim learned weights
    utility = recon[:, :2] @ utility_w                  # [N]
    # LogitLayer: exp / sum(exp) over last dim
    exp_u = jnp.exp(recon)
    prob = exp_u / exp_u.sum(axis=-1, keepdims=True)    # [N, D]
    return latent, recon, utility, prob

if __name__ == "__main__":
    import jax
    _d = setup_inputs()
    print(jax.jit(kernel)(*tuple(_d.values())))

</pallas_src>

<mosaic_0001>
#map = affine_map<(d0, d1) -> (0, 0)>
#map1 = affine_map<(d0, d1) -> (0, 0, 0)>
module attributes {stable_mosaic.version = 14 : i64} {
  func.func @_sc_body(%arg0: i32, %arg1: i32, %arg2: memref<10000x32xf32, #tpu.memory_space<hbm>>, %arg3: memref<2x2500x128xi32, #tpu.memory_space<hbm>>, %arg4: memref<10000x32xf32, #tpu.memory_space<hbm>>, %arg5: memref<2x10000x32xf32, #tpu.memory_space<hbm>>, %arg6: memref<79x128xi32, #tpu.memory_space<vmem>>, %arg7: memref<79x128xi32, #tpu.memory_space<vmem>>, %arg8: memref<8x128x32xf32, #tpu.memory_space<vmem>>, %arg9: memref<10000x32xf32, #tpu.memory_space<vmem_shared>>, %arg10: memref<10000x32xf32, #tpu.memory_space<vmem_shared>>, %arg11: memref<!tpu.dma_semaphore, #tpu.memory_space<semaphore_mem>>, %arg12: memref<!tpu.dma_semaphore, #tpu.memory_space<semaphore_mem>>, %arg13: memref<!tpu.dma_semaphore, #tpu.memory_space<semaphore_mem>>, %arg14: memref<!tpu.dma_semaphore, #tpu.memory_space<semaphore_mem>>, %arg15: memref<!tpu.dma_semaphore, #tpu.memory_space<semaphore_mem>>, %arg16: memref<!tpu.dma_semaphore, #tpu.memory_space<semaphore_mem>>, %arg17: memref<!tpu.dma_semaphore, #tpu.memory_space<semaphore_mem>>, %arg18: memref<!tpu.dma_semaphore, #tpu.memory_space<semaphore_mem>>, %arg19: memref<!tpu.dma_semaphore, #tpu.memory_space<semaphore_mem>>, %arg20: memref<!tpu.dma_semaphore, #tpu.memory_space<semaphore_mem>>, %arg21: memref<!tpu.dma_semaphore, #tpu.memory_space<semaphore_mem>>, %arg22: memref<!tpu.dma_semaphore, #tpu.memory_space<semaphore_mem>>, %arg23: memref<!tpu.dma_semaphore, #tpu.memory_space<semaphore_mem>>, %arg24: memref<!tpu.dma_semaphore, #tpu.memory_space<semaphore_mem>>, %arg25: memref<!tpu.dma_semaphore, #tpu.memory_space<semaphore_mem>>, %arg26: memref<!tpu.dma_semaphore, #tpu.memory_space<semaphore_mem>>) attributes {dimension_semantics = [#tpu.dimension_semantics<core_parallel>, #tpu.dimension_semantics<subcore_parallel>], iteration_bounds = array<i64: 2, 16>, scalar_prefetch = 0 : i64, scratch_operands = 21 : i64, tpu.core_type = #tpu.core_type<sc_vector_subcore>, window_params = [{transform_indices = #map}, {transform_indices = #map1}, {transform_indices = #map}, {transform_indices = #map1}]} {
    %mul3A = arith.constant 16 : i32
    %mul3A_0 = arith.muli %arg0, %mul3A : i32
    %add3A = arith.addi %mul3A_0, %arg1 : i32
    %mul3A_1 = arith.constant 625 : i32
    %mul3A_2 = arith.muli %arg1, %mul3A_1 : i32
    "tpu.region"() ({
      %run_scoped3A_1075 = tpu.sem_alloc : memref<!tpu.dma_semaphore, #tpu.memory_space<semaphore_mem>>
      %dma_start3A_1076 = arith.constant 0 : i32
      %dma_start3A_1077 = tpu.memref_slice %arg9[%mul3A_2, %dma_start3A_1076] : memref<10000x32xf32, #tpu.memory_space<vmem_shared>> -> memref<625x32xf32, #tpu.memory_space<vmem_shared>>
      %dma_start3A_1078 = arith.constant 0 : i32
      %dma_start3A_1079 = tpu.memref_slice %arg4[%mul3A_2, %dma_start3A_1078] : memref<10000x32xf32, #tpu.memory_space<hbm>> -> memref<625x32xf32, #tpu.memory_space<hbm>>
      tpu.enqueue_dma source(%dma_start3A_1079 : memref<625x32xf32, #tpu.memory_space<hbm>>) target(%dma_start3A_1077 : memref<625x32xf32, #tpu.memory_space<vmem_shared>>) target_semaphore(%run_scoped3A_1075 : memref<!tpu.dma_semaphore, #tpu.memory_space<semaphore_mem>>)
      %dma_wait3A_1080 = arith.constant 0 : i32
      %dma_wait3A_1081 = tpu.memref_slice %arg9[%mul3A_2, %dma_wait3A_1080] : memref<10000x32xf32, #tpu.memory_space<vmem_shared>> -> memref<625x32xf32, #tpu.memory_space<vmem_shared>>
      %dma_wait3A_1082 = arith.constant 0 : i32
      %dma_wait3A_1083 = tpu.memref_slice %arg4[%mul3A_2, %dma_wait3A_1082] : memref<10000x32xf32, #tpu.memory_space<hbm>> -> memref<625x32xf32, #tpu.memory_space<hbm>>
      tpu.wait_dma2 semaphore(%run_scoped3A_1075 : memref<!tpu.dma_semaphore, #tpu.memory_space<semaphore_mem>>) src(%dma_wait3A_1083 : memref<625x32xf32, #tpu.memory_space<hbm>>) dst(%dma_wait3A_1081 : memref<625x32xf32, #tpu.memory_space<vmem_shared>>)
      tpu.yield
    }) : () -> ()
    "tpu.region"() ({
      %run_scoped3A_1075 = tpu.sem_alloc : memref<!tpu.dma_semaphore, #tpu.memory_space<semaphore_mem>>
      %dma_start3A_1076 = arith.constant 0 : i32
      %dma_start3A_1077 = tpu.memref_slice %arg10[%mul3A_2, %dma_start3A_1076] : memref<10000x32xf32, #tpu.memory_space<vmem_shared>> -> memref<625x32xf32, #tpu.memory_space<vmem_shared>>
      %dma_start3A_1078 = arith.constant 0 : i32
      %dma_start3A_1079 = tpu.memref_slice %arg2[%mul3A_2, %dma_start3A_1078] : memref<10000x32xf32, #tpu.memory_space<hbm>> -> memref<625x32xf32, #tpu.memory_space<hbm>>
      tpu.enqueue_dma source(%dma_start3A_1079 : memref<625x32xf32, #tpu.memory_space<hbm>>) target(%dma_start3A_1077 : memref<625x32xf32, #tpu.memory_space<vmem_shared>>) target_semaphore(%run_scoped3A_1075 : memref<!tpu.dma_semaphore, #tpu.memory_space<semaphore_mem>>)
      %dma_wait3A_1080 = arith.constant 0 : i32
      %dma_wait3A_1081 = tpu.memref_slice %arg10[%mul3A_2, %dma_wait3A_1080] : memref<10000x32xf32, #tpu.memory_space<vmem_shared>> -> memref<625x32xf32, #tpu.memory_space<vmem_shared>>
      %dma_wait3A_1082 = arith.constant 0 : i32
      %dma_wait3A_1083 = tpu.memref_slice %arg2[%mul3A_2, %dma_wait3A_1082] : memref<10000x32xf32, #tpu.memory_space<hbm>> -> memref<625x32xf32, #tpu.memory_space<hbm>>
      tpu.wait_dma2 semaphore(%run_scoped3A_1075 : memref<!tpu.dma_semaphore, #tpu.memory_space<semaphore_mem>>) src(%dma_wait3A_1083 : memref<625x32xf32, #tpu.memory_space<hbm>>) dst(%dma_wait3A_1081 : memref<625x32xf32, #tpu.memory_space<vmem_shared>>)
      tpu.yield
    }) : () -> ()
    %mul3A_3 = arith.constant 78 : i32
    %mul3A_4 = arith.muli %add3A, %mul3A_3 : i32
    %run_scoped3A = arith.constant 0 : i32
    "tpu.region"() ({
      %run_scoped3A_1075 = tpu.sem_alloc : memref<!tpu.dma_semaphore, #tpu.memory_space<semaphore_mem>>
      %dma_start3A_1076 = arith.constant 0 : i32
      %dma_start3A_1077 = arith.constant 0 : i32
      %dma_start3A_1078 = tpu.memref_slice %arg6[%dma_start3A_1076, %dma_start3A_1077] : memref<79x128xi32, #tpu.memory_space<vmem>> -> memref<78x128xi32, #tpu.memory_space<vmem>>
      %dma_start3A_1079 = arith.constant 0 : i32
      %dma_start3A_1080 = tpu.memref_slice %arg3[%run_scoped3A, %mul3A_4, %dma_start3A_1079] : memref<2x2500x128xi32, #tpu.memory_space<hbm>> -> memref<1x78x128xi32, #tpu.memory_space<hbm>>
      %dma_start3A_1081 = tpu.memref_squeeze %dma_start3A_1080 : memref<1x78x128xi32, #tpu.memory_space<hbm>> -> memref<78x128xi32, #tpu.memory_space<hbm>>
      %dma_start3A_1082 = arith.constant 0 : i32
      %dma_start3A_1083 = arith.constant 0 : i32
      %dma_start3A_1084 = tpu.memref_slice %arg6[%dma_start3A_1082, %dma_start3A_1083] : memref<79x128xi32, #tpu.memory_space<vmem>> -> memref<78x128xi32, #tpu.memory_space<vmem>>
      %dma_start3A_1085 = arith.constant 0 : i32
      %dma_start3A_1086 = tpu.memref_slice %arg3[%run_scoped3A, %mul3A_4, %dma_start3A_1085] : memref<2x2500x128xi32, #tpu.memory_space<hbm>> -> memref<1x78x128xi32, #tpu.memory_space<hbm>>
      %dma_start3A_1087 = tpu.memref_squeeze %dma_start3A_1086 : memref<1x78x128xi32, #tpu.memory_space<hbm>> -> memref<78x128xi32, #tpu.memory_space<hbm>>
      tpu.enqueue_dma source(%dma_start3A_1087 : memref<78x128xi32, #tpu.memory_space<hbm>>) target(%dma_start3A_1084 : memref<78x128xi32, #tpu.memory_space<vmem>>) target_semaphore(%run_scoped3A_1075 : memref<!tpu.dma_semaphore, #tpu.memory_space<semaphore_mem>>)
      %dma_wait3A_1088 = arith.constant 0 : i32
      %dma_wait3A_1089 = arith.constant 0 : i32
      %dma_wait3A_1090 = tpu.memref_slice %arg6[%dma_wait3A_1088, %dma_wait3A_1089] : memref<79x128xi32, #tpu.memory_space<vmem>> -> memref<78x128xi32, #tpu.memory_space<vmem>>
      %dma_wait3A_1091 = arith.constant 0 : i32
      %dma_wait3A_1092 = tpu.memref_slice %arg3[%run_scoped3A, %mul3A_4, %dma_wait3A_1091] : memref<2x2500x128xi32, #tpu.memory_space<hbm>> -> memref<1x78x128xi32, #tpu.memory_space<hbm>>
      %dma_wait3A_1093 = tpu.memref_squeeze %dma_wait3A_1092 : memref<1x78x128xi32, #tpu.memory_space<hbm>> -> memref<78x128xi32, #tpu.memory_space<hbm>>
      %dma_wait3A_1094 = arith.constant 0 : i32
      %dma_wait3A_1095 = arith.constant 0 : i32
      %dma_wait3A_1096 = tpu.memref_slice %arg6[%dma_wait3A_1094, %dma_wait3A_1095] : memref<79x128xi32, #tpu.memory_space<vmem>> -> memref<78x128xi32, #tpu.memory_space<vmem>>
      %dma_wait3A_1097 = arith.constant 0 : i32
      %dma_wait3A_1098 = tpu.memref_slice %arg3[%run_scoped3A, %mul3A_4, %dma_wait3A_1097] : memref<2x2500x128xi32, #tpu.memory_space<hbm>> -> memref<1x78x128xi32, #tpu.memory_space<hbm>>
      %dma_wait3A_1099 = tpu.memref_squeeze %dma_wait3A_1098 : memref<1x78x128xi32, #tpu.memory_space<hbm>> -> memref<78x128xi32, #tpu.memory_space<hbm>>
      tpu.wait_dma2 semaphore(%run_scoped3A_1075 : memref<!tpu.dma_semaphore, #tpu.memory_space<semaphore_mem>>) src(%dma_wait3A_1099 : memref<78x128xi32, #tpu.memory_space<hbm>>) dst(%dma_wait3A_1096 : memref<78x128xi32, #tpu.memory_space<vmem>>)
      tpu.yield
    }) : () -> ()
    %mul3A_5 = arith.constant 78 : i32
    %mul3A_6 = arith.muli %add3A, %mul3A_5 : i32
    %run_scoped3A_7 = arith.constant 1 : i32
    "tpu.region"() ({
      %run_scoped3A_1075 = tpu.sem_alloc : memref<!tpu.dma_semaphore, #tpu.memory_space<semaphore_mem>>
      %dma_start3A_1076 = arith.constant 0 : i32
      %dma_start3A_1077 = arith.constant 0 : i32
      %dma_start3A_1078 = tpu.memref_slice %arg7[%dma_start3A_1076, %dma_start3A_1077] : memref<79x128xi32, #tpu.memory_space<vmem>> -> memref<78x128xi32, #tpu.memory_space<vmem>>
      %dma_start3A_1079 = arith.constant 0 : i32
      %dma_start3A_1080 = tpu.memref_slice %arg3[%run_scoped3A_7, %mul3A_6, %dma_start3A_1079] : memref<2x2500x128xi32, #tpu.memory_space<hbm>> -> memref<1x78x128xi32, #tpu.memory_space<hbm>>
      %dma_start3A_1081 = tpu.memref_squeeze %dma_start3A_1080 : memref<1x78x128xi32, #tpu.memory_space<hbm>> -> memref<78x128xi32, #tpu.memory_space<hbm>>
      %dma_start3A_1082 = arith.constant 0 : i32
      %dma_start3A_1083 = arith.constant 0 : i32
      %dma_start3A_1084 = tpu.memref_slice %arg7[%dma_start3A_1082, %dma_start3A_1083] : memref<79x128xi32, #tpu.memory_space<vmem>> -> memref<78x128xi32, #tpu.memory_space<vmem>>
      %dma_start3A_1085 = arith.constant 0 : i32
      %dma_start3A_1086 = tpu.memref_slice %arg3[%run_scoped3A_7, %mul3A_6, %dma_start3A_1085] : memref<2x2500x128xi32, #tpu.memory_space<hbm>> -> memref<1x78x128xi32, #tpu.memory_space<hbm>>
      %dma_start3A_1087 = tpu.memref_squeeze %dma_start3A_1086 : memref<1x78x128xi32, #tpu.memory_space<hbm>> -> memref<78x128xi32, #tpu.memory_space<hbm>>
      tpu.enqueue_dma source(%dma_start3A_1087 : memref<78x128xi32, #tpu.memory_space<hbm>>) target(%dma_start3A_1084 : memref<78x128xi32, #tpu.memory_space<vmem>>) target_semaphore(%run_scoped3A_1075 : memref<!tpu.dma_semaphore, #tpu.memory_space<semaphore_mem>>)
      %dma_wait3A_1088 = arith.constant 0 : i32
      %dma_wait3A_1089 = arith.constant 0 : i32
      %dma_wait3A_1090 = tpu.memref_slice %arg7[%dma_wait3A_1088, %dma_wait3A_1089] : memref<79x128xi32, #tpu.memory_space<vmem>> -> memref<78x128xi32, #tpu.memory_space<vmem>>
      %dma_wait3A_1091 = arith.constant 0 : i32
      %dma_wait3A_1092 = tpu.memref_slice %arg3[%run_scoped3A_7, %mul3A_6, %dma_wait3A_1091] : memref<2x2500x128xi32, #tpu.memory_space<hbm>> -> memref<1x78x128xi32, #tpu.memory_space<hbm>>
      %dma_wait3A_1093 = tpu.memref_squeeze %dma_wait3A_1092 : memref<1x78x128xi32, #tpu.memory_space<hbm>> -> memref<78x128xi32, #tpu.memory_space<hbm>>
      %dma_wait3A_1094 = arith.constant 0 : i32
      %dma_wait3A_1095 = arith.constant 0 : i32
      %dma_wait3A_1096 = tpu.memref_slice %arg7[%dma_wait3A_1094, %dma_wait3A_1095] : memref<79x128xi32, #tpu.memory_space<vmem>> -> memref<78x128xi32, #tpu.memory_space<vmem>>
      %dma_wait3A_1097 = arith.constant 0 : i32
      %dma_wait3A_1098 = tpu.memref_slice %arg3[%run_scoped3A_7, %mul3A_6, %dma_wait3A_1097] : memref<2x2500x128xi32, #tpu.memory_space<hbm>> -> memref<1x78x128xi32, #tpu.memory_space<hbm>>
      %dma_wait3A_1099 = tpu.memref_squeeze %dma_wait3A_1098 : memref<1x78x128xi32, #tpu.memory_space<hbm>> -> memref<78x128xi32, #tpu.memory_space<hbm>>
      tpu.wait_dma2 semaphore(%run_scoped3A_1075 : memref<!tpu.dma_semaphore, #tpu.memory_space<semaphore_mem>>) src(%dma_wait3A_1099 : memref<78x128xi32, #tpu.memory_space<hbm>>) dst(%dma_wait3A_1096 : memref<78x128xi32, #tpu.memory_space<vmem>>)
      tpu.yield
    }) : () -> ()
    %lt3A = arith.constant 4 : i32
    %lt3A_8 = arith.cmpi slt, %add3A, %lt3A : i32
    %convert_element_type3A = arith.extui %lt3A_8 : i1 to i32
    %cond3A = arith.constant 0 : i32
    %cond3A_9 = arith.cmpi ne, %convert_element_type3A, %cond3A : i32
    scf.if %cond3A_9 {
      %add3A_1075 = arith.constant 2496 : i32
      %add3A_1076 = arith.addi %add3A_1075, %add3A : i32
      %run_scoped3A_1077 = arith.constant 0 : i32
      "tpu.region"() ({
        %run_scoped3A_1081 = tpu.sem_alloc : memref<!tpu.dma_semaphore, #tpu.memory_space<semaphore_mem>>
        %dma_start3A_1082 = arith.constant 78 : i32
        %dma_start3A_1083 = arith.constant 0 : i32
        %dma_start3A_1084 = tpu.memref_slice %arg6[%dma_start3A_1082, %dma_start3A_1083] : memref<79x128xi32, #tpu.memory_space<vmem>> -> memref<1x128xi32, #tpu.memory_space<vmem>>
        %dma_start3A_1085 = arith.constant 0 : i32
        %dma_start3A_1086 = tpu.memref_slice %arg3[%run_scoped3A_1077, %add3A_1076, %dma_start3A_1085] : memref<2x2500x128xi32, #tpu.memory_space<hbm>> -> memref<1x1x128xi32, #tpu.memory_space<hbm>>
        %dma_start3A_1087 = tpu.memref_squeeze %dma_start3A_1086 : memref<1x1x128xi32, #tpu.memory_space<hbm>> -> memref<1x128xi32, #tpu.memory_space<hbm>>
        %dma_start3A_1088 = arith.constant 78 : i32
        %dma_start3A_1089 = arith.constant 0 : i32
        %dma_start3A_1090 = tpu.memref_slice %arg6[%dma_start3A_1088, %dma_start3A_1089] : memref<79x128xi32, #tpu.memory_space<vmem>> -> memref<1x128xi32, #tpu.memory_space<vmem>>
        %dma_start3A_1091 = arith.constant 0 : i32
        %dma_start3A_1092 = tpu.memref_slice %arg3[%run_scoped3A_1077, %add3A_1076, %dma_start3A_1091] : memref<2x2500x128xi32, #tpu.memory_space<hbm>> -> memref<1x1x128xi32, #tpu.memory_space<hbm>>
        %dma_start3A_1093 = tpu.memref_squeeze %dma_start3A_1092 : memref<1x1x128xi32, #tpu.memory_space<hbm>> -> memref<1x128xi32, #tpu.memory_space<hbm>>
        tpu.enqueue_dma source(%dma_start3A_1093 : memref<1x128xi32, #tpu.memory_space<hbm>>) target(%dma_start3A_1090 : memref<1x128xi32, #tpu.memory_space<vmem>>) target_semaphore(%run_scoped3A_1081 : memref<!tpu.dma_semaphore, #tpu.memory_space<semaphore_mem>>)
        %dma_wait3A_1094 = arith.constant 78 : i32
        %dma_wait3A_1095 = arith.constant 0 : i32
        %dma_wait3A_1096 = tpu.memref_slice %arg6[%dma_wait3A_1094, %dma_wait3A_1095] : memref<79x128xi32, #tpu.memory_space<vmem>> -> memref<1x128xi32, #tpu.memory_space<vmem>>
        %dma_wait3A_1097 = arith.constant 0 : i32
        %dma_wait3A_1098 = tpu.memref_slice %arg3[%run_scoped3A_1077, %add3A_1076, %dma_wait3A_1097] : memref<2x2500x128xi32, #tpu.memory_space<hbm>> -> memref<1x1x128xi32, #tpu.memory_space<hbm>>
        %dma_wait3A_1099 = tpu.memref_squeeze %dma_wait3A_1098 : memref<1x1x128xi32, #tpu.memory_space<hbm>> -> memref<1x128xi32, #tpu.memory_space<hbm>>
        %dma_wait3A_1100 = arith.constant 78 : i32
        %dma_wait3A_1101 = arith.constant 0 : i32
        %dma_wait3A_1102 = tpu.memref_slice %arg6[%dma_wait3A_1100, %dma_wait3A_1101] : memref<79x128xi32, #tpu.memory_space<vmem>> -> memref<1x128xi32, #tpu.memory_space<vmem>>
        %dma_wait3A_1103 = arith.constant 0 : i32
        %dma_wait3A_1104 = tpu.memref_slice %arg3[%run_scoped3A_1077, %add3A_1076, %dma_wait3A_1103] : memref<2x2500x128xi32, #tpu.memory_space<hbm>> -> memref<1x1x128xi32, #tpu.memory_space<hbm>>
        %dma_wait3A_1105 = tpu.memref_squeeze %dma_wait3A_1104 : memref<1x1x128xi32, #tpu.memory_space<hbm>> -> memref<1x128xi32, #tpu.memory_space<hbm>>
        tpu.wait_dma2 semaphore(%run_scoped3A_1081 : memref<!tpu.dma_semaphore, #tpu.memory_space<semaphore_mem>>) src(%dma_wait3A_1105 : memref<1x128xi32, #tpu.memory_space<hbm>>) dst(%dma_wait3A_1102 : memref<1x128xi32, #tpu.memory_space<vmem>>)
        tpu.yield
      }) : () -> ()
      %add3A_1078 = arith.constant 2496 : i32
      %add3A_1079 = arith.addi %add3A_1078, %add3A : i32
      %run_scoped3A_1080 = arith.constant 1 : i32
      "tpu.region"() ({
        %run_scoped3A_1081 = tpu.sem_alloc : memref<!tpu.dma_semaphore, #tpu.memory_space<semaphore_mem>>
        %dma_start3A_1082 = arith.constant 78 : i32
        %dma_start3A_1083 = arith.constant 0 : i32
        %dma_start3A_1084 = tpu.memref_slice %arg7[%dma_start3A_1082, %dma_start3A_1083] : memref<79x128xi32, #tpu.memory_space<vmem>> -> memref<1x128xi32, #tpu.memory_space<vmem>>
        %dma_start3A_1085 = arith.constant 0 : i32
        %dma_start3A_1086 = tpu.memref_slice %arg3[%run_scoped3A_1080, %add3A_1079, %dma_start3A_1085] : memref<2x2500x128xi32, #tpu.memory_space<hbm>> -> memref<1x1x128xi32, #tpu.memory_space<hbm>>
        %dma_start3A_1087 = tpu.memref_squeeze %dma_start3A_1086 : memref<1x1x128xi32, #tpu.memory_space<hbm>> -> memref<1x128xi32, #tpu.memory_space<hbm>>
        %dma_start3A_1088 = arith.constant 78 : i32
        %dma_start3A_1089 = arith.constant 0 : i32
        %dma_start3A_1090 = tpu.memref_slice %arg7[%dma_start3A_1088, %dma_start3A_1089] : memref<79x128xi32, #tpu.memory_space<vmem>> -> memref<1x128xi32, #tpu.memory_space<vmem>>
        %dma_start3A_1091 = arith.constant 0 : i32
        %dma_start3A_1092 = tpu.memref_slice %arg3[%run_scoped3A_1080, %add3A_1079, %dma_start3A_1091] : memref<2x2500x128xi32, #tpu.memory_space<hbm>> -> memref<1x1x128xi32, #tpu.memory_space<hbm>>
        %dma_start3A_1093 = tpu.memref_squeeze %dma_start3A_1092 : memref<1x1x128xi32, #tpu.memory_space<hbm>> -> memref<1x128xi32, #tpu.memory_space<hbm>>
        tpu.enqueue_dma source(%dma_start3A_1093 : memref<1x128xi32, #tpu.memory_space<hbm>>) target(%dma_start3A_1090 : memref<1x128xi32, #tpu.memory_space<vmem>>) target_semaphore(%run_scoped3A_1081 : memref<!tpu.dma_semaphore, #tpu.memory_space<semaphore_mem>>)
        %dma_wait3A_1094 = arith.constant 78 : i32
        %dma_wait3A_1095 = arith.constant 0 : i32
        %dma_wait3A_1096 = tpu.memref_slice %arg7[%dma_wait3A_1094, %dma_wait3A_1095] : memref<79x128xi32, #tpu.memory_space<vmem>> -> memref<1x128xi32, #tpu.memory_space<vmem>>
        %dma_wait3A_1097 = arith.constant 0 : i32
        %dma_wait3A_1098 = tpu.memref_slice %arg3[%run_scoped3A_1080, %add3A_1079, %dma_wait3A_1097] : memref<2x2500x128xi32, #tpu.memory_space<hbm>> -> memref<1x1x128xi32, #tpu.memory_space<hbm>>
        %dma_wait3A_1099 = tpu.memref_squeeze %dma_wait3A_1098 : memref<1x1x128xi32, #tpu.memory_space<hbm>> -> memref<1x128xi32, #tpu.memory_space<hbm>>
        %dma_wait3A_1100 = arith.constant 78 : i32
        %dma_wait3A_1101 = arith.constant 0 : i32
        %dma_wait3A_1102 = tpu.memref_slice %arg7[%dma_wait3A_1100, %dma_wait3A_1101] : memref<79x128xi32, #tpu.memory_space<vmem>> -> memref<1x128xi32, #tpu.memory_space<vmem>>
        %dma_wait3A_1103 = arith.constant 0 : i32
        %dma_wait3A_1104 = tpu.memref_slice %arg3[%run_scoped3A_1080, %add3A_1079, %dma_wait3A_1103] : memref<2x2500x128xi32, #tpu.memory_space<hbm>> -> memref<1x1x128xi32, #tpu.memory_space<hbm>>
        %dma_wait3A_1105 = tpu.memref_squeeze %dma_wait3A_1104 : memref<1x1x128xi32, #tpu.memory_space<hbm>> -> memref<1x128xi32, #tpu.memory_space<hbm>>
        tpu.wait_dma2 semaphore(%run_scoped3A_1081 : memref<!tpu.dma_semaphore, #tpu.memory_space<semaphore_mem>>) src(%dma_wait3A_1105 : memref<1x128xi32, #tpu.memory_space<hbm>>) dst(%dma_wait3A_1102 : memref<1x128xi32, #tpu.memory_space<vmem>>)
        tpu.yield
      }) : () -> ()
    } else {
    }
    %barrier3A = arith.constant 0 : index
    tpu.barrier barrier_id(%barrier3A)
    %dma_start3A = arith.constant 0 : i32
    %dma_start3A_10 = arith.constant 0 : i32
    %dma_start3A_11 = arith.constant 0 : i32
    %dma_start3A_12 = arith.constant 0 : i32
    %dma_start3A_13 = tpu.memref_slice %arg8[%dma_start3A_10, %dma_start3A_11, %dma_start3A_12] : memref<8x128x32xf32, #tpu.memory_space<vmem>> -> memref<1x128x32xf32, #tpu.memory_space<vmem>>
    %dma_start3A_14 = tpu.memref_squeeze %dma_start3A_13 : memref<1x128x32xf32, #tpu.memory_space<vmem>> -> memref<128x32xf32, #tpu.memory_space<vmem>>
    %dma_start3A_15 = arith.constant 0 : i32
    %dma_start3A_16 = tpu.memref_slice %arg6[%dma_start3A, %dma_start3A_15] : memref<79x128xi32, #tpu.memory_space<vmem>> -> memref<1x128xi32, #tpu.memory_space<vmem>>
    %dma_start3A_17 = tpu.memref_squeeze %dma_start3A_16 : memref<1x128xi32, #tpu.memory_space<vmem>> -> memref<128xi32, #tpu.memory_space<vmem>>
    %dma_start3A_18 = arith.constant 0 : i32
    %dma_start3A_19 = arith.constant 0 : i32
    %dma_start3A_20 = tpu.memref_slice %arg10[%dma_start3A_18, %dma_start3A_19] : memref<10000x32xf32, #tpu.memory_space<vmem_shared>> -> memref<10000x32xf32, #tpu.memory_space<vmem_shared>>
    tpu.enqueue_indirect_dma source(%dma_start3A_20 : memref<10000x32xf32, #tpu.memory_space<vmem_shared>>) target(%dma_start3A_14 : memref<128x32xf32, #tpu.memory_space<vmem>>) offsets(%dma_start3A_17 : memref<128xi32, #tpu.memory_space<vmem>>) semaphore(%arg11 : memref<!tpu.dma_semaphore, #tpu.memory_space<semaphore_mem>>)
    %dma_start3A_21 = arith.constant 1 : i32
    %dma_start3A_22 = arith.constant 1 : i32
    %dma_start3A_23 = arith.constant 0 : i32
    %dma_start3A_24 = arith.constant 0 : i32
    %dma_start3A_25 = tpu.memref_slice %arg8[%dma_start3A_22, %dma_start3A_23, %dma_start3A_24] : memref<8x128x32xf32, #tpu.memory_space<vmem>> -> memref<1x128x32xf32, #tpu.memory_space<vmem>>
    %dma_start3A_26 = tpu.memref_squeeze %dma_start3A_25 : memref<1x128x32xf32, #tpu.memory_space<vmem>> -> memref<128x32xf32, #tpu.memory_space<vmem>>
    %dma_start3A_27 = arith.constant 0 : i32
    %dma_start3A_28 = tpu.memref_slice %arg6[%dma_start3A_21, %dma_start3A_27] : memref<79x128xi32, #tpu.memory_space<vmem>> -> memref<1x128xi32, #tpu.memory_space<vmem>>
    %dma_start3A_29 = tpu.memref_squeeze %dma_start3A_28 : memref<1x128xi32, #tpu.memory_space<vmem>> -> memref<128xi32, #tpu.memory_space<vmem>>
    %dma_start3A_30 = arith.constant 0 : i32
    %dma_start3A_31 = arith.constant 0 : i32
    %dma_start3A_32 = tpu.memref_slice %arg10[%dma_start3A_30, %dma_start3A_31] : memref<10000x32xf32, #tpu.memory_space<vmem_shared>> -> memref<10000x32xf32, #tpu.memory_space<vmem_shared>>
    tpu.enqueue_indirect_dma source(%dma_start3A_32 : memref<10000x32xf32, #tpu.memory_space<vmem_shared>>) target(%dma_start3A_26 : memref<128x32xf32, #tpu.memory_space<vmem>>) offsets(%dma_start3A_29 : memref<128xi32, #tpu.memory_space<vmem>>) semaphore(%arg12 : memref<!tpu.dma_semaphore, #tpu.memory_space<semaphore_mem>>)
    %dma_start3A_33 = arith.constant 2 : i32
    %dma_start3A_34 = arith.constant 2 : i32
    %dma_start3A_35 = arith.constant 0 : i32
    %dma_start3A_36 = arith.constant 0 : i32
    %dma_start3A_37 = tpu.memref_slice %arg8[%dma_start3A_34, %dma_start3A_35, %dma_start3A_36] : memref<8x128x32xf32, #tpu.memory_space<vmem>> -> memref<1x128x32xf32, #tpu.memory_space<vmem>>
    %dma_start3A_38 = tpu.memref_squeeze %dma_start3A_37 : memref<1x128x32xf32, #tpu.memory_space<vmem>> -> memref<128x32xf32, #tpu.memory_space<vmem>>
    %dma_start3A_39 = arith.constant 0 : i32
    %dma_start3A_40 = tpu.memref_slice %arg6[%dma_start3A_33, %dma_start3A_39] : memref<79x128xi32, #tpu.memory_space<vmem>> -> memref<1x128xi32, #tpu.memory_space<vmem>>
    %dma_start3A_41 = tpu.memref_squeeze %dma_start3A_40 : memref<1x128xi32, #tpu.memory_space<vmem>> -> memref<128xi32, #tpu.memory_space<vmem>>
    %dma_start3A_42 = arith.constant 0 : i32
    %dma_start3A_43 = arith.constant 0 : i32
    %dma_start3A_44 = tpu.memref_slice %arg10[%dma_start3A_42, %dma_start3A_43] : memref<10000x32xf32, #tpu.memory_space<vmem_shared>> -> memref<10000x32xf32, #tpu.memory_space<vmem_shared>>
    tpu.enqueue_indirect_dma source(%dma_start3A_44 : memref<10000x32xf32, #tpu.memory_space<vmem_shared>>) target(%dma_start3A_38 : memref<128x32xf32, #tpu.memory_space<vmem>>) offsets(%dma_start3A_41 : memref<128xi32, #tpu.memory_space<vmem>>) semaphore(%arg13 : memref<!tpu.dma_semaphore, #tpu.memory_space<semaphore_mem>>)
    %dma_start3A_45 = arith.constant 3 : i32
    %dma_start3A_46 = arith.constant 3 : i32
    %dma_start3A_47 = arith.constant 0 : i32
    %dma_start3A_48 = arith.constant 0 : i32
    %dma_start3A_49 = tpu.memref_slice %arg8[%dma_start3A_46, %dma_start3A_47, %dma_start3A_48] : memref<8x128x32xf32, #tpu.memory_space<vmem>> -> memref<1x128x32xf32, #tpu.memory_space<vmem>>
    %dma_start3A_50 = tpu.memref_squeeze %dma_start3A_49 : memref<1x128x32xf32, #tpu.memory_space<vmem>> -> memref<128x32xf32, #tpu.memory_space<vmem>>
    %dma_start3A_51 = arith.constant 0 : i32
    %dma_start3A_52 = tpu.memref_slice %arg6[%dma_start3A_45, %dma_start3A_51] : memref<79x128xi32, #tpu.memory_space<vmem>> -> memref<1x128xi32, #tpu.memory_space<vmem>>
    %dma_start3A_53 = tpu.memref_squeeze %dma_start3A_52 : memref<1x128xi32, #tpu.memory_space<vmem>> -> memref<128xi32, #tpu.memory_space<vmem>>
    %dma_start3A_54 = arith.constant 0 : i32
    %dma_start3A_55 = arith.constant 0 : i32
    %dma_start3A_56 = tpu.memref_slice %arg10[%dma_start3A_54, %dma_start3A_55] : memref<10000x32xf32, #tpu.memory_space<vmem_shared>> -> memref<10000x32xf32, #tpu.memory_space<vmem_shared>>
    tpu.enqueue_indirect_dma source(%dma_start3A_56 : memref<10000x32xf32, #tpu.memory_space<vmem_shared>>) target(%dma_start3A_50 : memref<128x32xf32, #tpu.memory_space<vmem>>) offsets(%dma_start3A_53 : memref<128xi32, #tpu.memory_space<vmem>>) semaphore(%arg14 : memref<!tpu.dma_semaphore, #tpu.memory_space<semaphore_mem>>)
    %dma_start3A_57 = arith.constant 4 : i32
    %dma_start3A_58 = arith.constant 4 : i32
    %dma_start3A_59 = arith.constant 0 : i32
    %dma_start3A_60 = arith.constant 0 : i32
    %dma_start3A_61 = tpu.memref_slice %arg8[%dma_start3A_58, %dma_start3A_59, %dma_start3A_60] : memref<8x128x32xf32, #tpu.memory_space<vmem>> -> memref<1x128x32xf32, #tpu.memory_space<vmem>>
    %dma_start3A_62 = tpu.memref_squeeze %dma_start3A_61 : memref<1x128x32xf32, #tpu.memory_space<vmem>> -> memref<128x32xf32, #tpu.memory_space<vmem>>
    %dma_start3A_63 = arith.constant 0 : i32
    %dma_start3A_64 = tpu.memref_slice %arg6[%dma_start3A_57, %dma_start3A_63] : memref<79x128xi32, #tpu.memory_space<vmem>> -> memref<1x128xi32, #tpu.memory_space<vmem>>
    %dma_start3A_65 = tpu.memref_squeeze %dma_start3A_64 : memref<1x128xi32, #tpu.memory_space<vmem>> -> memref<128xi32, #tpu.memory_space<vmem>>
    %dma_start3A_66 = arith.constant 0 : i32
    %dma_start3A_67 = arith.constant 0 : i32
    %dma_start3A_68 = tpu.memref_slice %arg10[%dma_start3A_66, %dma_start3A_67] : memref<10000x32xf32, #tpu.memory_space<vmem_shared>> -> memref<10000x32xf32, #tpu.memory_space<vmem_shared>>
    tpu.enqueue_indirect_dma source(%dma_start3A_68 : memref<10000x32xf32, #tpu.memory_space<vmem_shared>>) target(%dma_start3A_62 : memref<128x32xf32, #tpu.memory_space<vmem>>) offsets(%dma_start3A_65 : memref<128xi32, #tpu.memory_space<vmem>>) semaphore(%arg15 : memref<!tpu.dma_semaphore, #tpu.memory_space<semaphore_mem>>)
    %dma_start3A_69 = arith.constant 5 : i32
    %dma_start3A_70 = arith.constant 5 : i32
    %dma_start3A_71 = arith.constant 0 : i32
    %dma_start3A_72 = arith.constant 0 : i32
    %dma_start3A_73 = tpu.memref_slice %arg8[%dma_start3A_70, %dma_start3A_71, %dma_start3A_72] : memref<8x128x32xf32, #tpu.memory_space<vmem>> -> memref<1x128x32xf32, #tpu.memory_space<vmem>>
    %dma_start3A_74 = tpu.memref_squeeze %dma_start3A_73 : memref<1x128x32xf32, #tpu.memory_space<vmem>> -> memref<128x32xf32, #tpu.memory_space<vmem>>
    %dma_start3A_75 = arith.constant 0 : i32
    %dma_start3A_76 = tpu.memref_slice %arg6[%dma_start3A_69, %dma_start3A_75] : memref<79x128xi32, #tpu.memory_space<vmem>> -> memref<1x128xi32, #tpu.memory_space<vmem>>
    %dma_start3A_77 = tpu.memref_squeeze %dma_start3A_76 : memref<1x128xi32, #tpu.memory_space<vmem>> -> memref<128xi32, #tpu.memory_space<vmem>>
    %dma_start3A_78 = arith.constant 0 : i32
    %dma_start3A_79 = arith.constant 0 : i32
    %dma_start3A_80 = tpu.memref_slice %arg10[%dma_start3A_78, %dma_start3A_79] : memref<10000x32xf32, #tpu.memory_space<vmem_shared>> -> memref<10000x32xf32, #tpu.memory_space<vmem_shared>>
    tpu.enqueue_indirect_dma source(%dma_start3A_80 : memref<10000x32xf32, #tpu.memory_space<vmem_shared>>) target(%dma_start3A_74 : memref<128x32xf32, #tpu.memory_space<vmem>>) offsets(%dma_start3A_77 : memref<128xi32, #tpu.memory_space<vmem>>) semaphore(%arg16 : memref<!tpu.dma_semaphore, #tpu.memory_space<semaphore_mem>>)
    %dma_start3A_81 = arith.constant 6 : i32
    %dma_start3A_82 = arith.constant 6 : i32
    %dma_start3A_83 = arith.constant 0 : i32
    %dma_start3A_84 = arith.constant 0 : i32
    %dma_start3A_85 = tpu.memref_slice %arg8[%dma_start3A_82, %dma_start3A_83, %dma_start3A_84] : memref<8x128x32xf32, #tpu.memory_space<vmem>> -> memref<1x128x32xf32, #tpu.memory_space<vmem>>
    %dma_start3A_86 = tpu.memref_squeeze %dma_start3A_85 : memref<1x128x32xf32, #tpu.memory_space<vmem>> -> memref<128x32xf32, #tpu.memory_space<vmem>>
    %dma_start3A_87 = arith.constant 0 : i32
    %dma_start3A_88 = tpu.memref_slice %arg6[%dma_start3A_81, %dma_start3A_87] : memref<79x128xi32, #tpu.memory_space<vmem>> -> memref<1x128xi32, #tpu.memory_space<vmem>>
    %dma_start3A_89 = tpu.memref_squeeze %dma_start3A_88 : memref<1x128xi32, #tpu.memory_space<vmem>> -> memref<128xi32, #tpu.memory_space<vmem>>
    %dma_start3A_90 = arith.constant 0 : i32
    %dma_start3A_91 = arith.constant 0 : i32
    %dma_start3A_92 = tpu.memref_slice %arg10[%dma_start3A_90, %dma_start3A_91] : memref<10000x32xf32, #tpu.memory_space<vmem_shared>> -> memref<10000x32xf32, #tpu.memory_space<vmem_shared>>
    tpu.enqueue_indirect_dma source(%dma_start3A_92 : memref<10000x32xf32, #tpu.memory_space<vmem_shared>>) target(%dma_start3A_86 : memref<128x32xf32, #tpu.memory_space<vmem>>) offsets(%dma_start3A_89 : memref<128xi32, #tpu.memory_space<vmem>>) semaphore(%arg17 : memref<!tpu.dma_semaphore, #tpu.memory_space<semaphore_mem>>)
    %dma_wait3A = arith.constant 0 : i32
    %dma_wait3A_93 = arith.constant 0 : i32
    %dma_wait3A_94 = arith.constant 0 : i32
    %dma_wait3A_95 = arith.constant 0 : i32
    %dma_wait3A_96 = tpu.memref_slice %arg8[%dma_wait3A_93, %dma_wait3A_94, %dma_wait3A_95] : memref<8x128x32xf32, #tpu.memory_space<vmem>> -> memref<1x128x32xf32, #tpu.memory_space<vmem>>
    %dma_wait3A_97 = tpu.memref_squeeze %dma_wait3A_96 : memref<1x128x32xf32, #tpu.memory_space<vmem>> -> memref<128x32xf32, #tpu.memory_space<vmem>>
    %dma_wait3A_98 = arith.constant 0 : i32
    %dma_wait3A_99 = tpu.memref_slice %arg6[%dma_wait3A, %dma_wait3A_98] : memref<79x128xi32, #tpu.memory_space<vmem>> -> memref<1x128xi32, #tpu.memory_space<vmem>>
    %dma_wait3A_100 = tpu.memref_squeeze %dma_wait3A_99 : memref<1x128xi32, #tpu.memory_space<vmem>> -> memref<128xi32, #tpu.memory_space<vmem>>
    %dma_wait3A_101 = arith.constant 0 : i32
    %dma_wait3A_102 = arith.constant 0 : i32
    %dma_wait3A_103 = tpu.memref_slice %arg10[%dma_wait3A_101, %dma_wait3A_102] : memref<10000x32xf32, #tpu.memory_space<vmem_shared>> -> memref<10000x32xf32, #tpu.memory_space<vmem_shared>>
    tpu.wait_indirect_dma semaphore(%arg11 : memref<!tpu.dma_semaphore, #tpu.memory_space<semaphore_mem>>) src(%dma_wait3A_103 : memref<10000x32xf32, #tpu.memory_space<vmem_shared>>) dst(%dma_wait3A_97 : memref<128x32xf32, #tpu.memory_space<vmem>>)
    %dma_start3A_104 = arith.constant 0 : i32
    %dma_start3A_105 = arith.constant 0 : i32
    %dma_start3A_106 = arith.constant 0 : i32
    %dma_start3A_107 = arith.constant 0 : i32
    %dma_start3A_108 = tpu.memref_slice %arg8[%dma_start3A_104, %dma_start3A_106, %dma_start3A_107] : memref<8x128x32xf32, #tpu.memory_space<vmem>> -> memref<1x128x32xf32, #tpu.memory_space<vmem>>
    %dma_start3A_109 = tpu.memref_squeeze %dma_start3A_108 : memref<1x128x32xf32, #tpu.memory_space<vmem>> -> memref<128x32xf32, #tpu.memory_space<vmem>>
    %dma_start3A_110 = arith.constant 0 : i32
    %dma_start3A_111 = tpu.memref_slice %arg7[%dma_start3A_105, %dma_start3A_110] : memref<79x128xi32, #tpu.memory_space<vmem>> -> memref<1x128xi32, #tpu.memory_space<vmem>>
    %dma_start3A_112 = tpu.memref_squeeze %dma_start3A_111 : memref<1x128xi32, #tpu.memory_space<vmem>> -> memref<128xi32, #tpu.memory_space<vmem>>
    %dma_start3A_113 = arith.constant 0 : i32
    %dma_start3A_114 = arith.constant 0 : i32
    %dma_start3A_115 = tpu.memref_slice %arg9[%dma_start3A_113, %dma_start3A_114] : memref<10000x32xf32, #tpu.memory_space<vmem_shared>> -> memref<10000x32xf32, #tpu.memory_space<vmem_shared>>
    tpu.enqueue_indirect_dma source(%dma_start3A_109 : memref<128x32xf32, #tpu.memory_space<vmem>>) target(%dma_start3A_115 : memref<10000x32xf32, #tpu.memory_space<vmem_shared>>) offsets(%dma_start3A_112 : memref<128xi32, #tpu.memory_space<vmem>>) semaphore(%arg19 : memref<!tpu.dma_semaphore, #tpu.memory_space<semaphore_mem>>) {add = true}
    %dma_start3A_116 = arith.constant 7 : i32
    %dma_start3A_117 = arith.constant 7 : i32
    %dma_start3A_118 = arith.constant 0 : i32
    %dma_start3A_119 = arith.constant 0 : i32
    %dma_start3A_120 = tpu.memref_slice %arg8[%dma_start3A_117, %dma_start3A_118, %dma_start3A_119] : memref<8x128x32xf32, #tpu.memory_space<vmem>> -> memref<1x128x32xf32, #tpu.memory_space<vmem>>
    %dma_start3A_121 = tpu.memref_squeeze %dma_start3A_120 : memref<1x128x32xf32, #tpu.memory_space<vmem>> -> memref<128x32xf32, #tpu.memory_space<vmem>>
    %dma_start3A_122 = arith.constant 0 : i32
    %dma_start3A_123 = tpu.memref_slice %arg6[%dma_start3A_116, %dma_start3A_122] : memref<79x128xi32, #tpu.memory_space<vmem>> -> memref<1x128xi32, #tpu.memory_space<vmem>>
    %dma_start3A_124 = tpu.memref_squeeze %dma_start3A_123 : memref<1x128xi32, #tpu.memory_space<vmem>> -> memref<128xi32, #tpu.memory_space<vmem>>
    %dma_start3A_125 = arith.constant 0 : i32
    %dma_start3A_126 = arith.constant 0 : i32
    %dma_start3A_127 = tpu.memref_slice %arg10[%dma_start3A_125, %dma_start3A_126] : memref<10000x32xf32, #tpu.memory_space<vmem_shared>> -> memref<10000x32xf32, #tpu.memory_space<vmem_shared>>
    tpu.enqueue_indirect_dma source(%dma_start3A_127 : memref<10000x32xf32, #tpu.memory_space<vmem_shared>>) target(%dma_start3A_121 : memref<128x32xf32, #tpu.memory_space<vmem>>) offsets(%dma_start3A_124 : memref<128xi32, #tpu.memory_space<vmem>>) semaphore(%arg18 : memref<!tpu.dma_semaphore, #tpu.memory_space<semaphore_mem>>)
    %dma_wait3A_128 = arith.constant 1 : i32
    %dma_wait3A_129 = arith.constant 1 : i32
    %dma_wait3A_130 = arith.constant 0 : i32
    %dma_wait3A_131 = arith.constant 0 : i32
    %dma_wait3A_132 = tpu.memref_slice %arg8[%dma_wait3A_129, %dma_wait3A_130, %dma_wait3A_131] : memref<8x128x32xf32, #tpu.memory_space<vmem>> -> memref<1x128x32xf32, #tpu.memory_space<vmem>>
    %dma_wait3A_133 = tpu.memref_squeeze %dma_wait3A_132 : memref<1x128x32xf32, #tpu.memory_space<vmem>> -> memref<128x32xf32, #tpu.memory_space<vmem>>
    %dma_wait3A_134 = arith.constant 0 : i32
    %dma_wait3A_135 = tpu.memref_slice %arg6[%dma_wait3A_128, %dma_wait3A_134] : memref<79x128xi32, #tpu.memory_space<vmem>> -> memref<1x128xi32, #tpu.memory_space<vmem>>
    %dma_wait3A_136 = tpu.memref_squeeze %dma_wait3A_135 : memref<1x128xi32, #tpu.memory_space<vmem>> -> memref<128xi32, #tpu.memory_space<vmem>>
    %dma_wait3A_137 = arith.constant 0 : i32
    %dma_wait3A_138 = arith.constant 0 : i32
    %dma_wait3A_139 = tpu.memref_slice %arg10[%dma_wait3A_137, %dma_wait3A_138] : memref<10000x32xf32, #tpu.memory_space<vmem_shared>> -> memref<10000x32xf32, #tpu.memory_space<vmem_shared>>
    tpu.wait_indirect_dma semaphore(%arg12 : memref<!tpu.dma_semaphore, #tpu.memory_space<semaphore_mem>>) src(%dma_wait3A_139 : memref<10000x32xf32, #tpu.memory_space<vmem_shared>>) dst(%dma_wait3A_133 : memref<128x32xf32, #tpu.memory_space<vmem>>)
    %dma_start3A_140 = arith.constant 1 : i32
    %dma_start3A_141 = arith.constant 1 : i32
    %dma_start3A_142 = arith.constant 0 : i32
    %dma_start3A_143 = arith.constant 0 : i32
    %dma_start3A_144 = tpu.memref_slice %arg8[%dma_start3A_140, %dma_start3A_142, %dma_start3A_143] : memref<8x128x32xf32, #tpu.memory_space<vmem>> -> memref<1x128x32xf32, #tpu.memory_space<vmem>>
    %dma_start3A_145 = tpu.memref_squeeze %dma_start3A_144 : memref<1x128x32xf32, #tpu.memory_space<vmem>> -> memref<128x32xf32, #tpu.memory_space<vmem>>
    %dma_start3A_146 = arith.constant 0 : i32
    %dma_start3A_147 = tpu.memref_slice %arg7[%dma_start3A_141, %dma_start3A_146] : memref<79x128xi32, #tpu.memory_space<vmem>> -> memref<1x128xi32, #tpu.memory_space<vmem>>
    %dma_start3A_148 = tpu.memref_squeeze %dma_start3A_147 : memref<1x128xi32, #tpu.memory_space<vmem>> -> memref<128xi32, #tpu.memory_space<vmem>>
    %dma_start3A_149 = arith.constant 0 : i32
    %dma_start3A_150 = arith.constant 0 : i32
    %dma_start3A_151 = tpu.memref_slice %arg9[%dma_start3A_149, %dma_start3A_150] : memref<10000x32xf32, #tpu.memory_space<vmem_shared>> -> memref<10000x32xf32, #tpu.memory_space<vmem_shared>>
    tpu.enqueue_indirect_dma source(%dma_start3A_145 : memref<128x32xf32, #tpu.memory_space<vmem>>) target(%dma_start3A_151 : memref<10000x32xf32, #tpu.memory_space<vmem_shared>>) offsets(%dma_start3A_148 : memref<128xi32, #tpu.memory_space<vmem>>) semaphore(%arg20 : memref<!tpu.dma_semaphore, #tpu.memory_space<semaphore_mem>>) {add = true}
    %dma_wait3A_152 = arith.constant 0 : i32
    %dma_wait3A_153 = arith.constant 0 : i32
    %dma_wait3A_154 = arith.constant 0 : i32
    %dma_wait3A_155 = arith.constant 0 : i32
    %dma_wait3A_156 = tpu.memref_slice %arg8[%dma_wait3A_152, %dma_wait3A_154, %dma_wait3A_155] : memref<8x128x32xf32, #tpu.memory_space<vmem>> -> memref<1x128x32xf32, #tpu.memory_space<vmem>>
    %dma_wait3A_157 = tpu.memref_squeeze %dma_wait3A_156 : memref<1x128x32xf32, #tpu.memory_space<vmem>> -> memref<128x32xf32, #tpu.memory_space<vmem>>
    %dma_wait3A_158 = arith.constant 0 : i32
    %dma_wait3A_159 = tpu.memref_slice %arg7[%dma_wait3A_153, %dma_wait3A_158] : memref<79x128xi32, #tpu.memory_space<vmem>> -> memref<1x128xi32, #tpu.memory_space<vmem>>
    %dma_wait3A_160 = tpu.memref_squeeze %dma_wait3A_159 : memref<1x128xi32, #tpu.memory_space<vmem>> -> memref<128xi32, #tpu.memory_space<vmem>>
    %dma_wait3A_161 = arith.constant 0 : i32
    %dma_wait3A_162 = arith.constant 0 : i32
    %dma_wait3A_163 = tpu.memref_slice %arg9[%dma_wait3A_161, %dma_wait3A_162] : memref<10000x32xf32, #tpu.memory_space<vmem_shared>> -> memref<10000x32xf32, #tpu.memory_space<vmem_shared>>
    tpu.wait_indirect_dma semaphore(%arg19 : memref<!tpu.dma_semaphore, #tpu.memory_space<semaphore_mem>>) src(%dma_wait3A_157 : memref<128x32xf32, #tpu.memory_space<vmem>>) dst(%dma_wait3A_163 : memref<10000x32xf32, #tpu.memory_space<vmem_shared>>)
    %dma_start3A_164 = arith.constant 8 : i32
    %dma_start3A_165 = arith.constant 0 : i32
    %dma_start3A_166 = arith.constant 0 : i32
    %dma_start3A_167 = arith.constant 0 : i32
    %dma_start3A_168 = tpu.memref_slice %arg8[%dma_start3A_165, %dma_start3A_166, %dma_start3A_167] : memref<8x128x32xf32, #tpu.memory_space<vmem>> -> memref<1x128x32xf32, #tpu.memory_space<vmem>>
    %dma_start3A_169 = tpu.memref_squeeze %dma_start3A_168 : memref<1x128x32xf32, #tpu.memory_space<vmem>> -> memref<128x32xf32, #tpu.memory_space<vmem>>
    %dma_start3A_170 = arith.constant 0 : i32
    %dma_start3A_171 = tpu.memref_slice %arg6[%dma_start3A_164, %dma_start3A_170] : memref<79x128xi32, #tpu.memory_space<vmem>> -> memref<1x128xi32, #tpu.memory_space<vmem>>
    %dma_start3A_172 = tpu.memref_squeeze %dma_start3A_171 : memref<1x128xi32, #tpu.memory_space<vmem>> -> memref<128xi32, #tpu.memory_space<vmem>>
    %dma_start3A_173 = arith.constant 0 : i32
    %dma_start3A_174 = arith.constant 0 : i32
    %dma_start3A_175 = tpu.memref_slice %arg10[%dma_start3A_173, %dma_start3A_174] : memref<10000x32xf32, #tpu.memory_space<vmem_shared>> -> memref<10000x32xf32, #tpu.memory_space<vmem_shared>>
    tpu.enqueue_indirect_dma source(%dma_start3A_175 : memref<10000x32xf32, #tpu.memory_space<vmem_shared>>) target(%dma_start3A_169 : memref<128x32xf32, #tpu.memory_space<vmem>>) offsets(%dma_start3A_172 : memref<128xi32, #tpu.memory_space<vmem>>) semaphore(%arg11 : memref<!tpu.dma_semaphore, #tpu.memory_space<semaphore_mem>>)
    %dma_wait3A_176 = arith.constant 2 : i32
    %dma_wait3A_177 = arith.constant 2 : i32
    %dma_wait3A_178 = arith.constant 0 : i32
    %dma_wait3A_179 = arith.constant 0 : i32
    %dma_wait3A_180 = tpu.memref_slice %arg8[%dma_wait3A_177, %dma_wait3A_178, %dma_wait3A_179] : memref<8x128x32xf32, #tpu.memory_space<vmem>> -> memref<1x128x32xf32, #tpu.memory_space<vmem>>
    %dma_wait3A_181 = tpu.memref_squeeze %dma_wait3A_180 : memref<1x128x32xf32, #tpu.memory_space<vmem>> -> memref<128x32xf32, #tpu.memory_space<vmem>>
    %dma_wait3A_182 = arith.constant 0 : i32
    %dma_wait3A_183 = tpu.memref_slice %arg6[%dma_wait3A_176, %dma_wait3A_182] : memref<79x128xi32, #tpu.memory_space<vmem>> -> memref<1x128xi32, #tpu.memory_space<vmem>>
    %dma_wait3A_184 = tpu.memref_squeeze %dma_wait3A_183 : memref<1x128xi32, #tpu.memory_space<vmem>> -> memref<128xi32, #tpu.memory_space<vmem>>
    %dma_wait3A_185 = arith.constant 0 : i32
    %dma_wait3A_186 = arith.constant 0 : i32
    %dma_wait3A_187 = tpu.memref_slice %arg10[%dma_wait3A_185, %dma_wait3A_186] : memref<10000x32xf32, #tpu.memory_space<vmem_shared>> -> memref<10000x32xf32, #tpu.memory_space<vmem_shared>>
    tpu.wait_indirect_dma semaphore(%arg13 : memref<!tpu.dma_semaphore, #tpu.memory_space<semaphore_mem>>) src(%dma_wait3A_187 : memref<10000x32xf32, #tpu.memory_space<vmem_shared>>) dst(%dma_wait3A_181 : memref<128x32xf32, #tpu.memory_space<vmem>>)
    %dma_start3A_188 = arith.constant 2 : i32
    %dma_start3A_189 = arith.constant 2 : i32
    %dma_start3A_190 = arith.constant 0 : i32
    %dma_start3A_191 = arith.constant 0 : i32
    %dma_start3A_192 = tpu.memref_slice %arg8[%dma_start3A_188, %dma_start3A_190, %dma_start3A_191] : memref<8x128x32xf32, #tpu.memory_space<vmem>> -> memref<1x128x32xf32, #tpu.memory_space<vmem>>
    %dma_start3A_193 = tpu.memref_squeeze %dma_start3A_192 : memref<1x128x32xf32, #tpu.memory_space<vmem>> -> memref<128x32xf32, #tpu.memory_space<vmem>>
    %dma_start3A_194 = arith.constant 0 : i32
    %dma_start3A_195 = tpu.memref_slice %arg7[%dma_start3A_189, %dma_start3A_194] : memref<79x128xi32, #tpu.memory_space<vmem>> -> memref<1x128xi32, #tpu.memory_space<vmem>>
    %dma_start3A_196 = tpu.memref_squeeze %dma_start3A_195 : memref<1x128xi32, #tpu.memory_space<vmem>> -> memref<128xi32, #tpu.memory_space<vmem>>
    %dma_start3A_197 = arith.constant 0 : i32
    %dma_start3A_198 = arith.constant 0 : i32
    %dma_start3A_199 = tpu.memref_slice %arg9[%dma_start3A_197, %dma_start3A_198] : memref<10000x32xf32, #tpu.memory_space<vmem_shared>> -> memref<10000x32xf32, #tpu.memory_space<vmem_shared>>
    tpu.enqueue_indirect_dma source(%dma_start3A_193 : memref<128x32xf32, #tpu.memory_space<vmem>>) target(%dma_start3A_199 : memref<10000x32xf32, #tpu.memory_space<vmem_shared>>) offsets(%dma_start3A_196 : memref<128xi32, #tpu.memory_space<vmem>>) semaphore(%arg21 : memref<!tpu.dma_semaphore, #tpu.memory_space<semaphore_mem>>) {add = true}
    %dma_wait3A_200 = arith.constant 1 : i32
    %dma_wait3A_201 = arith.constant 1 : i32
    %dma_wait3A_202 = arith.constant 0 : i32
    %dma_wait3A_203 = arith.constant 0 : i32
    %dma_wait3A_204 = tpu.memref_slice %arg8[%dma_wait3A_200, %dma_wait3A_202, %dma_wait3A_203] : memref<8x128x32xf32, #tpu.memory_space<vmem>> -> memref<1x128x32xf32, #tpu.memory_space<vmem>>
    %dma_wait3A_205 = tpu.memref_squeeze %dma_wait3A_204 : memref<1x128x32xf32, #tpu.memory_space<vmem>> -> memref<128x32xf32, #tpu.memory_space<vmem>>
    %dma_wait3A_206 = arith.constant 0 : i32
    %dma_wait3A_207 = tpu.memref_slice %arg7[%dma_wait3A_201, %dma_wait3A_206] : memref<79x128xi32, #tpu.memory_space<vmem>> -> memref<1x128xi32, #tpu.memory_space<vmem>>
    %dma_wait3A_208 = tpu.memref_squeeze %dma_wait3A_207 : memref<1x128xi32, #tpu.memory_space<vmem>> -> memref<128xi32, #tpu.memory_space<vmem>>
    %dma_wait3A_209 = arith.constant 0 : i32
    %dma_wait3A_210 = arith.constant 0 : i32
    %dma_wait3A_211 = tpu.memref_slice %arg9[%dma_wait3A_209, %dma_wait3A_210] : memref<10000x32xf32, #tpu.memory_space<vmem_shared>> -> memref<10000x32xf32, #tpu.memory_space<vmem_shared>>
    tpu.wait_indirect_dma semaphore(%arg20 : memref<!tpu.dma_semaphore, #tpu.memory_space<semaphore_mem>>) src(%dma_wait3A_205 : memref<128x32xf32, #tpu.memory_space<vmem>>) dst(%dma_wait3A_211 : memref<10000x32xf32, #tpu.memory_space<vmem_shared>>)
    %dma_start3A_212 = arith.constant 9 : i32
    %dma_start3A_213 = arith.constant 1 : i32
    %dma_start3A_214 = arith.constant 0 : i32
    %dma_start3A_215 = arith.constant 0 : i32
    %dma_start3A_216 = tpu.memref_slice %arg8[%dma_start3A_213, %dma_start3A_214, %dma_start3A_215] : memref<8x128x32xf32, #tpu.memory_space<vmem>> -> memref<1x128x32xf32, #tpu.memory_space<vmem>>
    %dma_start3A_217 = tpu.memref_squeeze %dma_start3A_216 : memref<1x128x32xf32, #tpu.memory_space<vmem>> -> memref<128x32xf32, #tpu.memory_space<vmem>>
    %dma_start3A_218 = arith.constant 0 : i32
    %dma_start3A_219 = tpu.memref_slice %arg6[%dma_start3A_212, %dma_start3A_218] : memref<79x128xi32, #tpu.memory_space<vmem>> -> memref<1x128xi32, #tpu.memory_space<vmem>>
    %dma_start3A_220 = tpu.memref_squeeze %dma_start3A_219 : memref<1x128xi32, #tpu.memory_space<vmem>> -> memref<128xi32, #tpu.memory_space<vmem>>
    %dma_start3A_221 = arith.constant 0 : i32
    %dma_start3A_222 = arith.constant 0 : i32
    %dma_start3A_223 = tpu.memref_slice %arg10[%dma_start3A_221, %dma_start3A_222] : memref<10000x32xf32, #tpu.memory_space<vmem_shared>> -> memref<10000x32xf32, #tpu.memory_space<vmem_shared>>
    tpu.enqueue_indirect_dma source(%dma_start3A_223 : memref<10000x32xf32, #tpu.memory_space<vmem_shared>>) target(%dma_start3A_217 : memref<128x32xf32, #tpu.memory_space<vmem>>) offsets(%dma_start3A_220 : memref<128xi32, #tpu.memory_space<vmem>>) semaphore(%arg12 : memref<!tpu.dma_semaphore, #tpu.memory_space<semaphore_mem>>)
    %dma_wait3A_224 = arith.constant 3 : i32
    %dma_wait3A_225 = arith.constant 3 : i32
    %dma_wait3A_226 = arith.constant 0 : i32
    %dma_wait3A_227 = arith.constant 0 : i32
    %dma_wait3A_228 = tpu.memref_slice %arg8[%dma_wait3A_225, %dma_wait3A_226, %dma_wait3A_227] : memref<8x128x32xf32, #tpu.memory_space<vmem>> -> memref<1x128x32xf32, #tpu.memory_space<vmem>>
    %dma_wait3A_229 = tpu.memref_squeeze %dma_wait3A_228 : memref<1x128x32xf32, #tpu.memory_space<vmem>> -> memref<128x32xf32, #tpu.memory_space<vmem>>
    %dma_wait3A_230 = arith.constant 0 : i32
    %dma_wait3A_231 = tpu.memref_slice %arg6[%dma_wait3A_224, %dma_wait3A_230] : memref<79x128xi32, #tpu.memory_space<vmem>> -> memref<1x128xi32, #tpu.memory_space<vmem>>
    %dma_wait3A_232 = tpu.memref_squeeze %dma_wait3A_231 : memref<1x128xi32, #tpu.memory_space<vmem>> -> memref<128xi32, #tpu.memory_space<vmem>>
    %dma_wait3A_233 = arith.constant 0 : i32
    %dma_wait3A_234 = arith.constant 0 : i32
    %dma_wait3A_235 = tpu.memref_slice %arg10[%dma_wait3A_233, %dma_wait3A_234] : memref<10000x32xf32, #tpu.memory_space<vmem_shared>> -> memref<10000x32xf32, #tpu.memory_space<vmem_shared>>
    tpu.wait_indirect_dma semaphore(%arg14 : memref<!tpu.dma_semaphore, #tpu.memory_space<semaphore_mem>>) src(%dma_wait3A_235 : memref<10000x32xf32, #tpu.memory_space<vmem_shared>>) dst(%dma_wait3A_229 : memref<128x32xf32, #tpu.memory_space<vmem>>)
    %dma_start3A_236 = arith.constant 3 : i32
    %dma_start3A_237 = arith.constant 3 : i32
    %dma_start3A_238 = arith.constant 0 : i32
    %dma_start3A_239 = arith.constant 0 : i32
    %dma_start3A_240 = tpu.memref_slice %arg8[%dma_start3A_236, %dma_start3A_238, %dma_start3A_239] : memref<8x128x32xf32, #tpu.memory_space<vmem>> -> memref<1x128x32xf32, #tpu.memory_space<vmem>>
    %dma_start3A_241 = tpu.memref_squeeze %dma_start3A_240 : memref<1x128x32xf32, #tpu.memory_space<vmem>> -> memref<128x32xf32, #tpu.memory_space<vmem>>
    %dma_start3A_242 = arith.constant 0 : i32
    %dma_start3A_243 = tpu.memref_slice %arg7[%dma_start3A_237, %dma_start3A_242] : memref<79x128xi32, #tpu.memory_space<vmem>> -> memref<1x128xi32, #tpu.memory_space<vmem>>
    %dma_start3A_244 = tpu.memref_squeeze %dma_start3A_243 : memref<1x128xi32, #tpu.memory_space<vmem>> -> memref<128xi32, #tpu.memory_space<vmem>>
    %dma_start3A_245 = arith.constant 0 : i32
    %dma_start3A_246 = arith.constant 0 : i32
    %dma_start3A_247 = tpu.memref_slice %arg9[%dma_start3A_245, %dma_start3A_246] : memref<10000x32xf32, #tpu.memory_space<vmem_shared>> -> memref<10000x32xf32, #tpu.memory_space<vmem_shared>>
    tpu.enqueue_indirect_dma source(%dma_start3A_241 : memref<128x32xf32, #tpu.memory_space<vmem>>) target(%dma_start3A_247 : memref<10000x32xf32, #tpu.memory_space<vmem_shared>>) offsets(%dma_start3A_244 : memref<128xi32, #tpu.memory_space<vmem>>) semaphore(%arg22 : memref<!tpu.dma_semaphore, #tpu.memory_space<semaphore_mem>>) {add = true}
    %dma_wait3A_248 = arith.constant 2 : i32
    %dma_wait3A_249 = arith.constant 2 : i32
    %dma_wait3A_250 = arith.constant 0 : i32
    %dma_wait3A_251 = arith.constant 0 : i32
    %dma_wait3A_252 = tpu.memref_slice %arg8[%dma_wait3A_248, %dma_wait3A_250, %dma_wait3A_251] : memref<8x128x32xf32, #tpu.memory_space<vmem>> -> memref<1x128x32xf32, #tpu.memory_space<vmem>>
    %dma_wait3A_253 = tpu.memref_squeeze %dma_wait3A_252 : memref<1x128x32xf32, #tpu.memory_space<vmem>> -> memref<128x32xf32, #tpu.memory_space<vmem>>
    %dma_wait3A_254 = arith.constant 0 : i32
    %dma_wait3A_255 = tpu.memref_slice %arg7[%dma_wait3A_249, %dma_wait3A_254] : memref<79x128xi32, #tpu.memory_space<vmem>> -> memref<1x128xi32, #tpu.memory_space<vmem>>
    %dma_wait3A_256 = tpu.memref_squeeze %dma_wait3A_255 : memref<1x128xi32, #tpu.memory_space<vmem>> -> memref<128xi32, #tpu.memory_space<vmem>>
    %dma_wait3A_257 = arith.constant 0 : i32
    %dma_wait3A_258 = arith.constant 0 : i32
    %dma_wait3A_259 = tpu.memref_slice %arg9[%dma_wait3A_257, %dma_wait3A_258] : memref<10000x32xf32, #tpu.memory_space<vmem_shared>> -> memref<10000x32xf32, #tpu.memory_space<vmem_shared>>
    tpu.wait_indirect_dma semaphore(%arg21 : memref<!tpu.dma_semaphore, #tpu.memory_space<semaphore_mem>>) src(%dma_wait3A_253 : memref<128x32xf32, #tpu.memory_space<vmem>>) dst(%dma_wait3A_259 : memref<10000x32xf32, #tpu.memory_space<vmem_shared>>)
    %dma_start3A_260 = arith.constant 10 : i32
    %dma_start3A_261 = arith.constant 2 : i32
    %dma_start3A_262 = arith.constant 0 : i32
    %dma_start3A_263 = arith.constant 0 : i32
    %dma_start3A_264 = tpu.memref_slice %arg8[%dma_start3A_261, %dma_start3A_262, %dma_start3A_263] : memref<8x128x32xf32, #tpu.memory_space<vmem>> -> memref<1x128x32xf32, #tpu.memory_space<vmem>>
    %dma_start3A_265 = tpu.memref_squeeze %dma_start3A_264 : memref<1x128x32xf32, #tpu.memory_space<vmem>> -> memref<128x32xf32, #tpu.memory_space<vmem>>
    %dma_start3A_266 = arith.constant 0 : i32
    %dma_start3A_267 = tpu.memref_slice %arg6[%dma_start3A_260, %dma_start3A_266] : memref<79x128xi32, #tpu.memory_space<vmem>> -> memref<1x128xi32, #tpu.memory_space<vmem>>
    %dma_start3A_268 = tpu.memref_squeeze %dma_start3A_267 : memref<1x128xi32, #tpu.memory_space<vmem>> -> memref<128xi32, #tpu.memory_space<vmem>>
    %dma_start3A_269 = arith.constant 0 : i32
    %dma_start3A_270 = arith.constant 0 : i32
    %dma_start3A_271 = tpu.memref_slice %arg10[%dma_start3A_269, %dma_start3A_270] : memref<10000x32xf32, #tpu.memory_space<vmem_shared>> -> memref<10000x32xf32, #tpu.memory_space<vmem_shared>>
    tpu.enqueue_indirect_dma source(%dma_start3A_271 : memref<10000x32xf32, #tpu.memory_space<vmem_shared>>) target(%dma_start3A_265 : memref<128x32xf32, #tpu.memory_space<vmem>>) offsets(%dma_start3A_268 : memref<128xi32, #tpu.memory_space<vmem>>) semaphore(%arg13 : memref<!tpu.dma_semaphore, #tpu.memory_space<semaphore_mem>>)
    %dma_wait3A_272 = arith.constant 4 : i32
    %dma_wait3A_273 = arith.constant 4 : i32
    %dma_wait3A_274 = arith.constant 0 : i32
    %dma_wait3A_275 = arith.constant 0 : i32
    %dma_wait3A_276 = tpu.memref_slice %arg8[%dma_wait3A_273, %dma_wait3A_274, %dma_wait3A_275] : memref<8x128x32xf32, #tpu.memory_space<vmem>> -> memref<1x128x32xf32, #tpu.memory_space<vmem>>
    %dma_wait3A_277 = tpu.memref_squeeze %dma_wait3A_276 : memref<1x128x32xf32, #tpu.memory_space<vmem>> -> memref<128x32xf32, #tpu.memory_space<vmem>>
    %dma_wait3A_278 = arith.constant 0 : i32
    %dma_wait3A_279 = tpu.memref_slice %arg6[%dma_wait3A_272, %dma_wait3A_278] : memref<79x128xi32, #tpu.memory_space<vmem>> -> memref<1x128xi32, #tpu.memory_space<vmem>>
    %dma_wait3A_280 = tpu.memref_squeeze %dma_wait3A_279 : memref<1x128xi32, #tpu.memory_space<vmem>> -> memref<128xi32, #tpu.memory_space<vmem>>
    %dma_wait3A_281 = arith.constant 0 : i32
    %dma_wait3A_282 = arith.constant 0 : i32
    %dma_wait3A_283 = tpu.memref_slice %arg10[%dma_wait3A_281, %dma_wait3A_282] : memref<10000x32xf32, #tpu.memory_space<vmem_shared>> -> memref<10000x32xf32, #tpu.memory_space<vmem_shared>>
    tpu.wait_indirect_dma semaphore(%arg15 : memref<!tpu.dma_semaphore, #tpu.memory_space<semaphore_mem>>) src(%dma_wait3A_283 : memref<10000x32xf32, #tpu.memory_space<vmem_shared>>) dst(%dma_wait3A_277 : memref<128x32xf32, #tpu.memory_space<vmem>>)
    %dma_start3A_284 = arith.constant 4 : i32
    %dma_start3A_285 = arith.constant 4 : i32
    %dma_start3A_286 = arith.constant 0 : i32
    %dma_start3A_287 = arith.constant 0 : i32
    %dma_start3A_288 = tpu.memref_slice %arg8[%dma_start3A_284, %dma_start3A_286, %dma_start3A_287] : memref<8x128x32xf32, #tpu.memory_space<vmem>> -> memref<1x128x32xf32, #tpu.memory_space<vmem>>
    %dma_start3A_289 = tpu.memref_squeeze %dma_start3A_288 : memref<1x128x32xf32, #tpu.memory_space<vmem>> -> memref<128x32xf32, #tpu.memory_space<vmem>>
    %dma_start3A_290 = arith.constant 0 : i32
    %dma_start3A_291 = tpu.memref_slice %arg7[%dma_start3A_285, %dma_start3A_290] : memref<79x128xi32, #tpu.memory_space<vmem>> -> memref<1x128xi32, #tpu.memory_space<vmem>>
    %dma_start3A_292 = tpu.memref_squeeze %dma_start3A_291 : memref<1x128xi32, #tpu.memory_space<vmem>> -> memref<128xi32, #tpu.memory_space<vmem>>
    %dma_start3A_293 = arith.constant 0 : i32
    %dma_start3A_294 = arith.constant 0 : i32
    %dma_start3A_295 = tpu.memref_slice %arg9[%dma_start3A_293, %dma_start3A_294] : memref<10000x32xf32, #tpu.memory_space<vmem_shared>> -> memref<10000x32xf32, #tpu.memory_space<vmem_shared>>
    tpu.enqueue_indirect_dma source(%dma_start3A_289 : memref<128x32xf32, #tpu.memory_space<vmem>>) target(%dma_start3A_295 : memref<10000x32xf32, #tpu.memory_space<vmem_shared>>) offsets(%dma_start3A_292 : memref<128xi32, #tpu.memory_space<vmem>>) semaphore(%arg23 : memref<!tpu.dma_semaphore, #tpu.memory_space<semaphore_mem>>) {add = true}
    %dma_wait3A_296 = arith.constant 3 : i32
    %dma_wait3A_297 = arith.constant 3 : i32
    %dma_wait3A_298 = arith.constant 0 : i32
    %dma_wait3A_299 = arith.constant 0 : i32
    %dma_wait3A_300 = tpu.memref_slice %arg8[%dma_wait3A_296, %dma_wait3A_298, %dma_wait3A_299] : memref<8x128x32xf32, #tpu.memory_space<vmem>> -> memref<1x128x32xf32, #tpu.memory_space<vmem>>
    %dma_wait3A_301 = tpu.memref_squeeze %dma_wait3A_300 : memref<1x128x32xf32, #tpu.memory_space<vmem>> -> memref<128x32xf32, #tpu.memory_space<vmem>>
    %dma_wait3A_302 = arith.constant 0 : i32
    %dma_wait3A_303 = tpu.memref_slice %arg7[%dma_wait3A_297, %dma_wait3A_302] : memref<79x128xi32, #tpu.memory_space<vmem>> -> memref<1x128xi32, #tpu.memory_space<vmem>>
    %dma_wait3A_304 = tpu.memref_squeeze %dma_wait3A_303 : memref<1x128xi32, #tpu.memory_space<vmem>> -> memref<128xi32, #tpu.memory_space<vmem>>
    %dma_wait3A_305 = arith.constant 0 : i32
    %dma_wait3A_306 = arith.constant 0 : i32
    %dma_wait3A_307 = tpu.memref_slice %arg9[%dma_wait3A_305, %dma_wait3A_306] : memref<10000x32xf32, #tpu.memory_space<vmem_shared>> -> memref<10000x32xf32, #tpu.memory_space<vmem_shared>>
    tpu.wait_indirect_dma semaphore(%arg22 : memref<!tpu.dma_semaphore, #tpu.memory_space<semaphore_mem>>) src(%dma_wait3A_301 : memref<128x32xf32, #tpu.memory_space<vmem>>) dst(%dma_wait3A_307 : memref<10000x32xf32, #tpu.memory_space<vmem_shared>>)
    %dma_start3A_308 = arith.constant 11 : i32
    %dma_start3A_309 = arith.constant 3 : i32
    %dma_start3A_310 = arith.constant 0 : i32
    %dma_start3A_311 = arith.constant 0 : i32
    %dma_start3A_312 = tpu.memref_slice %arg8[%dma_start3A_309, %dma_start3A_310, %dma_start3A_311] : memref<8x128x32xf32, #tpu.memory_space<vmem>> -> memref<1x128x32xf32, #tpu.memory_space<vmem>>
    %dma_start3A_313 = tpu.memref_squeeze %dma_start3A_312 : memref<1x128x32xf32, #tpu.memory_space<vmem>> -> memref<128x32xf32, #tpu.memory_space<vmem>>
    %dma_start3A_314 = arith.constant 0 : i32
    %dma_start3A_315 = tpu.memref_slice %arg6[%dma_start3A_308, %dma_start3A_314] : memref<79x128xi32, #tpu.memory_space<vmem>> -> memref<1x128xi32, #tpu.memory_space<vmem>>
    %dma_start3A_316 = tpu.memref_squeeze %dma_start3A_315 : memref<1x128xi32, #tpu.memory_space<vmem>> -> memref<128xi32, #tpu.memory_space<vmem>>
    %dma_start3A_317 = arith.constant 0 : i32
    %dma_start3A_318 = arith.constant 0 : i32
    %dma_start3A_319 = tpu.memref_slice %arg10[%dma_start3A_317, %dma_start3A_318] : memref<10000x32xf32, #tpu.memory_space<vmem_shared>> -> memref<10000x32xf32, #tpu.memory_space<vmem_shared>>
    tpu.enqueue_indirect_dma source(%dma_start3A_319 : memref<10000x32xf32, #tpu.memory_space<vmem_shared>>) target(%dma_start3A_313 : memref<128x32xf32, #tpu.memory_space<vmem>>) offsets(%dma_start3A_316 : memref<128xi32, #tpu.memory_space<vmem>>) semaphore(%arg14 : memref<!tpu.dma_semaphore, #tpu.memory_space<semaphore_mem>>)
    %dma_wait3A_320 = arith.constant 5 : i32
    %dma_wait3A_321 = arith.constant 5 : i32
    %dma_wait3A_322 = arith.constant 0 : i32
    %dma_wait3A_323 = arith.constant 0 : i32
    %dma_wait3A_324 = tpu.memref_slice %arg8[%dma_wait3A_321, %dma_wait3A_322, %dma_wait3A_323] : memref<8x128x32xf32, #tpu.memory_space<vmem>> -> memref<1x128x32xf32, #tpu.memory_space<vmem>>
    %dma_wait3A_325 = tpu.memref_squeeze %dma_wait3A_324 : memref<1x128x32xf32, #tpu.memory_space<vmem>> -> memref<128x32xf32, #tpu.memory_space<vmem>>
    %dma_wait3A_326 = arith.constant 0 : i32
    %dma_wait3A_327 = tpu.memref_slice %arg6[%dma_wait3A_320, %dma_wait3A_326] : memref<79x128xi32, #tpu.memory_space<vmem>> -> memref<1x128xi32, #tpu.memory_space<vmem>>
    %dma_wait3A_328 = tpu.memref_squeeze %dma_wait3A_327 : memref<1x128xi32, #tpu.memory_space<vmem>> -> memref<128xi32, #tpu.memory_space<vmem>>
    %dma_wait3A_329 = arith.constant 0 : i32
    %dma_wait3A_330 = arith.constant 0 : i32
    %dma_wait3A_331 = tpu.memref_slice %arg10[%dma_wait3A_329, %dma_wait3A_330] : memref<10000x32xf32, #tpu.memory_space<vmem_shared>> -> memref<10000x32xf32, #tpu.memory_space<vmem_shared>>
    tpu.wait_indirect_dma semaphore(%arg16 : memref<!tpu.dma_semaphore, #tpu.memory_space<semaphore_mem>>) src(%dma_wait3A_331 : memref<10000x32xf32, #tpu.memory_space<vmem_shared>>) dst(%dma_wait3A_325 : memref<128x32xf32, #tpu.memory_space<vmem>>)
    %dma_start3A_332 = arith.constant 5 : i32
    %dma_start3A_333 = arith.constant 5 : i32
    %dma_start3A_334 = arith.constant 0 : i32
    %dma_start3A_335 = arith.constant 0 : i32
    %dma_start3A_336 = tpu.memref_slice %arg8[%dma_start3A_332, %dma_start3A_334, %dma_start3A_335] : memref<8x128x32xf32, #tpu.memory_space<vmem>> -> memref<1x128x32xf32, #tpu.memory_space<vmem>>
    %dma_start3A_337 = tpu.memref_squeeze %dma_start3A_336 : memref<1x128x32xf32, #tpu.memory_space<vmem>> -> memref<128x32xf32, #tpu.memory_space<vmem>>
    %dma_start3A_338 = arith.constant 0 : i32
    %dma_start3A_339 = tpu.memref_slice %arg7[%dma_start3A_333, %dma_start3A_338] : memref<79x128xi32, #tpu.memory_space<vmem>> -> memref<1x128xi32, #tpu.memory_space<vmem>>
    %dma_start3A_340 = tpu.memref_squeeze %dma_start3A_339 : memref<1x128xi32, #tpu.memory_space<vmem>> -> memref<128xi32, #tpu.memory_space<vmem>>
    %dma_start3A_341 = arith.constant 0 : i32
    %dma_start3A_342 = arith.constant 0 : i32
    %dma_start3A_343 = tpu.memref_slice %arg9[%dma_start3A_341, %dma_start3A_342] : memref<10000x32xf32, #tpu.memory_space<vmem_shared>> -> memref<10000x32xf32, #tpu.memory_space<vmem_shared>>
    tpu.enqueue_indirect_dma source(%dma_start3A_337 : memref<128x32xf32, #tpu.memory_space<vmem>>) target(%dma_start3A_343 : memref<10000x32xf32, #tpu.memory_space<vmem_shared>>) offsets(%dma_start3A_340 : memref<128xi32, #tpu.memory_space<vmem>>) semaphore(%arg24 : memref<!tpu.dma_semaphore, #tpu.memory_space<semaphore_mem>>) {add = true}
    %dma_wait3A_344 = arith.constant 4 : i32
    %dma_wait3A_345 = arith.constant 4 : i32
    %dma_wait3A_346 = arith.constant 0 : i32
    %dma_wait3A_347 = arith.constant 0 : i32
    %dma_wait3A_348 = tpu.memref_slice %arg8[%dma_wait3A_344, %dma_wait3A_346, %dma_wait3A_347] : memref<8x128x32xf32, #tpu.memory_space<vmem>> -> memref<1x128x32xf32, #tpu.memory_space<vmem>>
    %dma_wait3A_349 = tpu.memref_squeeze %dma_wait3A_348 : memref<1x128x32xf32, #tpu.memory_space<vmem>> -> memref<128x32xf32, #tpu.memory_space<vmem>>
    %dma_wait3A_350 = arith.constant 0 : i32
    %dma_wait3A_351 = tpu.memref_slice %arg7[%dma_wait3A_345, %dma_wait3A_350] : memref<79x128xi32, #tpu.memory_space<vmem>> -> memref<1x128xi32, #tpu.memory_space<vmem>>
    %dma_wait3A_352 = tpu.memref_squeeze %dma_wait3A_351 : memref<1x128xi32, #tpu.memory_space<vmem>> -> memref<128xi32, #tpu.memory_space<vmem>>
    %dma_wait3A_353 = arith.constant 0 : i32
    %dma_wait3A_354 = arith.constant 0 : i32
    %dma_wait3A_355 = tpu.memref_slice %arg9[%dma_wait3A_353, %dma_wait3A_354] : memref<10000x32xf32, #tpu.memory_space<vmem_shared>> -> memref<10000x32xf32, #tpu.memory_space<vmem_shared>>
    tpu.wait_indirect_dma semaphore(%arg23 : memref<!tpu.dma_semaphore, #tpu.memory_space<semaphore_mem>>) src(%dma_wait3A_349 : memref<128x32xf32, #tpu.memory_space<vmem>>) dst(%dma_wait3A_355 : memref<10000x32xf32, #tpu.memory_space<vmem_shared>>)
    %dma_start3A_356 = arith.constant 12 : i32
    %dma_start3A_357 = arith.constant 4 : i32
    %dma_start3A_358 = arith.constant 0 : i32
    %dma_start3A_359 = arith.constant 0 : i32
    %dma_start3A_360 = tpu.memref_slice %arg8[%dma_start3A_357, %dma_start3A_358, %dma_start3A_359] : memref<8x128x32xf32, #tpu.memory_space<vmem>> -> memref<1x128x32xf32, #tpu.memory_space<vmem>>
    %dma_start3A_361 = tpu.memref_squeeze %dma_start3A_360 : memref<1x128x32xf32, #tpu.memory_space<vmem>> -> memref<128x32xf32, #tpu.memory_space<vmem>>
    %dma_start3A_362 = arith.constant 0 : i32
    %dma_start3A_363 = tpu.memref_slice %arg6[%dma_start3A_356, %dma_start3A_362] : memref<79x128xi32, #tpu.memory_space<vmem>> -> memref<1x128xi32, #tpu.memory_space<vmem>>
    %dma_start3A_364 = tpu.memref_squeeze %dma_start3A_363 : memref<1x128xi32, #tpu.memory_space<vmem>> -> memref<128xi32, #tpu.memory_space<vmem>>
    %dma_start3A_365 = arith.constant 0 : i32
    %dma_start3A_366 = arith.constant 0 : i32
    %dma_start3A_367 = tpu.memref_slice %arg10[%dma_start3A_365, %dma_start3A_366] : memref<10000x32xf32, #tpu.memory_space<vmem_shared>> -> memref<10000x32xf32, #tpu.memory_space<vmem_shared>>
    tpu.enqueue_indirect_dma source(%dma_start3A_367 : memref<10000x32xf32, #tpu.memory_space<vmem_shared>>) target(%dma_start3A_361 : memref<128x32xf32, #tpu.memory_space<vmem>>) offsets(%dma_start3A_364 : memref<128xi32, #tpu.memory_space<vmem>>) semaphore(%arg15 : memref<!tpu.dma_semaphore, #tpu.memory_space<semaphore_mem>>)
    %dma_wait3A_368 = arith.constant 6 : i32
    %dma_wait3A_369 = arith.constant 6 : i32
    %dma_wait3A_370 = arith.constant 0 : i32
    %dma_wait3A_371 = arith.constant 0 : i32
    %dma_wait3A_372 = tpu.memref_slice %arg8[%dma_wait3A_369, %dma_wait3A_370, %dma_wait3A_371] : memref<8x128x32xf32, #tpu.memory_space<vmem>> -> memref<1x128x32xf32, #tpu.memory_space<vmem>>
    %dma_wait3A_373 = tpu.memref_squeeze %dma_wait3A_372 : memref<1x128x32xf32, #tpu.memory_space<vmem>> -> memref<128x32xf32, #tpu.memory_space<vmem>>
    %dma_wait3A_374 = arith.constant 0 : i32
    %dma_wait3A_375 = tpu.memref_slice %arg6[%dma_wait3A_368, %dma_wait3A_374] : memref<79x128xi32, #tpu.memory_space<vmem>> -> memref<1x128xi32, #tpu.memory_space<vmem>>
    %dma_wait3A_376 = tpu.memref_squeeze %dma_wait3A_375 : memref<1x128xi32, #tpu.memory_space<vmem>> -> memref<128xi32, #tpu.memory_space<vmem>>
    %dma_wait3A_377 = arith.constant 0 : i32
    %dma_wait3A_378 = arith.constant 0 : i32
    %dma_wait3A_379 = tpu.memref_slice %arg10[%dma_wait3A_377, %dma_wait3A_378] : memref<10000x32xf32, #tpu.memory_space<vmem_shared>> -> memref<10000x32xf32, #tpu.memory_space<vmem_shared>>
    tpu.wait_indirect_dma semaphore(%arg17 : memref<!tpu.dma_semaphore, #tpu.memory_space<semaphore_mem>>) src(%dma_wait3A_379 : memref<10000x32xf32, #tpu.memory_space<vmem_shared>>) dst(%dma_wait3A_373 : memref<128x32xf32, #tpu.memory_space<vmem>>)
    %dma_start3A_380 = arith.constant 6 : i32
    %dma_start3A_381 = arith.constant 6 : i32
    %dma_start3A_382 = arith.constant 0 : i32
    %dma_start3A_383 = arith.constant 0 : i32
    %dma_start3A_384 = tpu.memref_slice %arg8[%dma_start3A_380, %dma_start3A_382, %dma_start3A_383] : memref<8x128x32xf32, #tpu.memory_space<vmem>> -> memref<1x128x32xf32, #tpu.memory_space<vmem>>
    %dma_start3A_385 = tpu.memref_squeeze %dma_start3A_384 : memref<1x128x32xf32, #tpu.memory_space<vmem>> -> memref<128x32xf32, #tpu.memory_space<vmem>>
    %dma_start3A_386 = arith.constant 0 : i32
    %dma_start3A_387 = tpu.memref_slice %arg7[%dma_start3A_381, %dma_start3A_386] : memref<79x128xi32, #tpu.memory_space<vmem>> -> memref<1x128xi32, #tpu.memory_space<vmem>>
    %dma_start3A_388 = tpu.memref_squeeze %dma_start3A_387 : memref<1x128xi32, #tpu.memory_space<vmem>> -> memref<128xi32, #tpu.memory_space<vmem>>
    %dma_start3A_389 = arith.constant 0 : i32
    %dma_start3A_390 = arith.constant 0 : i32
    %dma_start3A_391 = tpu.memref_slice %arg9[%dma_start3A_389, %dma_start3A_390] : memref<10000x32xf32, #tpu.memory_space<vmem_shared>> -> memref<10000x32xf32, #tpu.memory_space<vmem_shared>>
    tpu.enqueue_indirect_dma source(%dma_start3A_385 : memref<128x32xf32, #tpu.memory_space<vmem>>) target(%dma_start3A_391 : memref<10000x32xf32, #tpu.memory_space<vmem_shared>>) offsets(%dma_start3A_388 : memref<128xi32, #tpu.memory_space<vmem>>) semaphore(%arg25 : memref<!tpu.dma_semaphore, #tpu.memory_space<semaphore_mem>>) {add = true}
    %dma_wait3A_392 = arith.constant 5 : i32
    %dma_wait3A_393 = arith.constant 5 : i32
    %dma_wait3A_394 = arith.constant 0 : i32
    %dma_wait3A_395 = arith.constant 0 : i32
    %dma_wait3A_396 = tpu.memref_slice %arg8[%dma_wait3A_392, %dma_wait3A_394, %dma_wait3A_395] : memref<8x128x32xf32, #tpu.memory_space<vmem>> -> memref<1x128x32xf32, #tpu.memory_space<vmem>>
    %dma_wait3A_397 = tpu.memref_squeeze %dma_wait3A_396 : memref<1x128x32xf32, #tpu.memory_space<vmem>> -> memref<128x32xf32, #tpu.memory_space<vmem>>
    %dma_wait3A_398 = arith.constant 0 : i32
    %dma_wait3A_399 = tpu.memref_slice %arg7[%dma_wait3A_393, %dma_wait3A_398] : memref<79x128xi32, #tpu.memory_space<vmem>> -> memref<1x128xi32, #tpu.memory_space<vmem>>
    %dma_wait3A_400 = tpu.memref_squeeze %dma_wait3A_399 : memref<1x128xi32, #tpu.memory_space<vmem>> -> memref<128xi32, #tpu.memory_space<vmem>>
    %dma_wait3A_401 = arith.constant 0 : i32
    %dma_wait3A_402 = arith.constant 0 : i32
    %dma_wait3A_403 = tpu.memref_slice %arg9[%dma_wait3A_401, %dma_wait3A_402] : memref<10000x32xf32, #tpu.memory_space<vmem_shared>> -> memref<10000x32xf32, #tpu.memory_space<vmem_shared>>
    tpu.wait_indirect_dma semaphore(%arg24 : memref<!tpu.dma_semaphore, #tpu.memory_space<semaphore_mem>>) src(%dma_wait3A_397 : memref<128x32xf32, #tpu.memory_space<vmem>>) dst(%dma_wait3A_403 : memref<10000x32xf32, #tpu.memory_space<vmem_shared>>)
    %dma_start3A_404 = arith.constant 13 : i32
    %dma_start3A_405 = arith.constant 5 : i32
    %dma_start3A_406 = arith.constant 0 : i32
    %dma_start3A_407 = arith.constant 0 : i32
    %dma_start3A_408 = tpu.memref_slice %arg8[%dma_start3A_405, %dma_start3A_406, %dma_start3A_407] : memref<8x128x32xf32, #tpu.memory_space<vmem>> -> memref<1x128x32xf32, #tpu.memory_space<vmem>>
    %dma_start3A_409 = tpu.memref_squeeze %dma_start3A_408 : memref<1x128x32xf32, #tpu.memory_space<vmem>> -> memref<128x32xf32, #tpu.memory_space<vmem>>
    %dma_start3A_410 = arith.constant 0 : i32
    %dma_start3A_411 = tpu.memref_slice %arg6[%dma_start3A_404, %dma_start3A_410] : memref<79x128xi32, #tpu.memory_space<vmem>> -> memref<1x128xi32, #tpu.memory_space<vmem>>
    %dma_start3A_412 = tpu.memref_squeeze %dma_start3A_411 : memref<1x128xi32, #tpu.memory_space<vmem>> -> memref<128xi32, #tpu.memory_space<vmem>>
    %dma_start3A_413 = arith.constant 0 : i32
    %dma_start3A_414 = arith.constant 0 : i32
    %dma_start3A_415 = tpu.memref_slice %arg10[%dma_start3A_413, %dma_start3A_414] : memref<10000x32xf32, #tpu.memory_space<vmem_shared>> -> memref<10000x32xf32, #tpu.memory_space<vmem_shared>>
    tpu.enqueue_indirect_dma source(%dma_start3A_415 : memref<10000x32xf32, #tpu.memory_space<vmem_shared>>) target(%dma_start3A_409 : memref<128x32xf32, #tpu.memory_space<vmem>>) offsets(%dma_start3A_412 : memref<128xi32, #tpu.memory_space<vmem>>) semaphore(%arg16 : memref<!tpu.dma_semaphore, #tpu.memory_space<semaphore_mem>>)
    %dma_wait3A_416 = arith.constant 7 : i32
    %dma_wait3A_417 = arith.constant 7 : i32
    %dma_wait3A_418 = arith.constant 0 : i32
    %dma_wait3A_419 = arith.constant 0 : i32
    %dma_wait3A_420 = tpu.memref_slice %arg8[%dma_wait3A_417, %dma_wait3A_418, %dma_wait3A_419] : memref<8x128x32xf32, #tpu.memory_space<vmem>> -> memref<1x128x32xf32, #tpu.memory_space<vmem>>
    %dma_wait3A_421 = tpu.memref_squeeze %dma_wait3A_420 : memref<1x128x32xf32, #tpu.memory_space<vmem>> -> memref<128x32xf32, #tpu.memory_space<vmem>>
    %dma_wait3A_422 = arith.constant 0 : i32
    %dma_wait3A_423 = tpu.memref_slice %arg6[%dma_wait3A_416, %dma_wait3A_422] : memref<79x128xi32, #tpu.memory_space<vmem>> -> memref<1x128xi32, #tpu.memory_space<vmem>>
    %dma_wait3A_424 = tpu.memref_squeeze %dma_wait3A_423 : memref<1x128xi32, #tpu.memory_space<vmem>> -> memref<128xi32, #tpu.memory_space<vmem>>
    %dma_wait3A_425 = arith.constant 0 : i32
    %dma_wait3A_426 = arith.constant 0 : i32
    %dma_wait3A_427 = tpu.memref_slice %arg10[%dma_wait3A_425, %dma_wait3A_426] : memref<10000x32xf32, #tpu.memory_space<vmem_shared>> -> memref<10000x32xf32, #tpu.memory_space<vmem_shared>>
    tpu.wait_indirect_dma semaphore(%arg18 : memref<!tpu.dma_semaphore, #tpu.memory_space<semaphore_mem>>) src(%dma_wait3A_427 : memref<10000x32xf32, #tpu.memory_space<vmem_shared>>) dst(%dma_wait3A_421 : memref<128x32xf32, #tpu.memory_space<vmem>>)
    %dma_start3A_428 = arith.constant 7 : i32
    %dma_start3A_429 = arith.constant 7 : i32
    %dma_start3A_430 = arith.constant 0 : i32
    %dma_start3A_431 = arith.constant 0 : i32
    %dma_start3A_432 = tpu.memref_slice %arg8[%dma_start3A_428, %dma_start3A_430, %dma_start3A_431] : memref<8x128x32xf32, #tpu.memory_space<vmem>> -> memref<1x128x32xf32, #tpu.memory_space<vmem>>
    %dma_start3A_433 = tpu.memref_squeeze %dma_start3A_432 : memref<1x128x32xf32, #tpu.memory_space<vmem>> -> memref<128x32xf32, #tpu.memory_space<vmem>>
    %dma_start3A_434 = arith.constant 0 : i32
    %dma_start3A_435 = tpu.memref_slice %arg7[%dma_start3A_429, %dma_start3A_434] : memref<79x128xi32, #tpu.memory_space<vmem>> -> memref<1x128xi32, #tpu.memory_space<vmem>>
    %dma_start3A_436 = tpu.memref_squeeze %dma_start3A_435 : memref<1x128xi32, #tpu.memory_space<vmem>> -> memref<128xi32, #tpu.memory_space<vmem>>
    %dma_start3A_437 = arith.constant 0 : i32
    %dma_start3A_438 = arith.constant 0 : i32
    %dma_start3A_439 = tpu.memref_slice %arg9[%dma_start3A_437, %dma_start3A_438] : memref<10000x32xf32, #tpu.memory_space<vmem_shared>> -> memref<10000x32xf32, #tpu.memory_space<vmem_shared>>
    tpu.enqueue_indirect_dma source(%dma_start3A_433 : memref<128x32xf32, #tpu.memory_space<vmem>>) target(%dma_start3A_439 : memref<10000x32xf32, #tpu.memory_space<vmem_shared>>) offsets(%dma_start3A_436 : memref<128xi32, #tpu.memory_space<vmem>>) semaphore(%arg26 : memref<!tpu.dma_semaphore, #tpu.memory_space<semaphore_mem>>) {add = true}
    %dma_wait3A_440 = arith.constant 6 : i32
    %dma_wait3A_441 = arith.constant 6 : i32
    %dma_wait3A_442 = arith.constant 0 : i32
    %dma_wait3A_443 = arith.constant 0 : i32
    %dma_wait3A_444 = tpu.memref_slice %arg8[%dma_wait3A_440, %dma_wait3A_442, %dma_wait3A_443] : memref<8x128x32xf32, #tpu.memory_space<vmem>> -> memref<1x128x32xf32, #tpu.memory_space<vmem>>
    %dma_wait3A_445 = tpu.memref_squeeze %dma_wait3A_444 : memref<1x128x32xf32, #tpu.memory_space<vmem>> -> memref<128x32xf32, #tpu.memory_space<vmem>>
    %dma_wait3A_446 = arith.constant 0 : i32
    %dma_wait3A_447 = tpu.memref_slice %arg7[%dma_wait3A_441, %dma_wait3A_446] : memref<79x128xi32, #tpu.memory_space<vmem>> -> memref<1x128xi32, #tpu.memory_space<vmem>>
    %dma_wait3A_448 = tpu.memref_squeeze %dma_wait3A_447 : memref<1x128xi32, #tpu.memory_space<vmem>> -> memref<128xi32, #tpu.memory_space<vmem>>
    %dma_wait3A_449 = arith.constant 0 : i32
    %dma_wait3A_450 = arith.constant 0 : i32
    %dma_wait3A_451 = tpu.memref_slice %arg9[%dma_wait3A_449, %dma_wait3A_450] : memref<10000x32xf32, #tpu.memory_space<vmem_shared>> -> memref<10000x32xf32, #tpu.memory_space<vmem_shared>>
    tpu.wait_indirect_dma semaphore(%arg25 : memref<!tpu.dma_semaphore, #tpu.memory_space<semaphore_mem>>) src(%dma_wait3A_445 : memref<128x32xf32, #tpu.memory_space<vmem>>) dst(%dma_wait3A_451 : memref<10000x32xf32, #tpu.memory_space<vmem_shared>>)
    %dma_start3A_452 = arith.constant 14 : i32
    %dma_start3A_453 = arith.constant 6 : i32
    %dma_start3A_454 = arith.constant 0 : i32
    %dma_start3A_455 = arith.constant 0 : i32
    %dma_start3A_456 = tpu.memref_slice %arg8[%dma_start3A_453, %dma_start3A_454, %dma_start3A_455] : memref<8x128x32xf32, #tpu.memory_space<vmem>> -> memref<1x128x32xf32, #tpu.memory_space<vmem>>
    %dma_start3A_457 = tpu.memref_squeeze %dma_start3A_456 : memref<1x128x32xf32, #tpu.memory_space<vmem>> -> memref<128x32xf32, #tpu.memory_space<vmem>>
    %dma_start3A_458 = arith.constant 0 : i32
    %dma_start3A_459 = tpu.memref_slice %arg6[%dma_start3A_452, %dma_start3A_458] : memref<79x128xi32, #tpu.memory_space<vmem>> -> memref<1x128xi32, #tpu.memory_space<vmem>>
    %dma_start3A_460 = tpu.memref_squeeze %dma_start3A_459 : memref<1x128xi32, #tpu.memory_space<vmem>> -> memref<128xi32, #tpu.memory_space<vmem>>
    %dma_start3A_461 = arith.constant 0 : i32
    %dma_start3A_462 = arith.constant 0 : i32
    %dma_start3A_463 = tpu.memref_slice %arg10[%dma_start3A_461, %dma_start3A_462] : memref<10000x32xf32, #tpu.memory_space<vmem_shared>> -> memref<10000x32xf32, #tpu.memory_space<vmem_shared>>
    tpu.enqueue_indirect_dma source(%dma_start3A_463 : memref<10000x32xf32, #tpu.memory_space<vmem_shared>>) target(%dma_start3A_457 : memref<128x32xf32, #tpu.memory_space<vmem>>) offsets(%dma_start3A_460 : memref<128xi32, #tpu.memory_space<vmem>>) semaphore(%arg17 : memref<!tpu.dma_semaphore, #tpu.memory_space<semaphore_mem>>)
    %scan3A = arith.constant 0 : i32
    %scan3A_464 = arith.constant 1 : i32
    %scan3A_465 = arith.constant 7 : i32
    %scan3A_466 = arith.addi %scan3A_464, %scan3A_465 : i32
    %scan3A_467 = arith.constant 1 : i32
    scf.for %scan3A_1075 = %scan3A_464 to %scan3A_466 step %scan3A_467  : i32 {
      %mul3A_1076 = arith.constant 8 : i32
      %mul3A_1077 = arith.muli %scan3A_1075, %mul3A_1076 : i32
      %add3A_1078 = arith.constant 0 : i32
      %add3A_1079 = arith.addi %mul3A_1077, %add3A_1078 : i32
      %dma_wait3A_1080 = arith.constant 0 : i32
      %dma_wait3A_1081 = arith.constant 0 : i32
      %dma_wait3A_1082 = arith.constant 0 : i32
      %dma_wait3A_1083 = tpu.memref_slice %arg8[%dma_wait3A_1080, %dma_wait3A_1081, %dma_wait3A_1082] : memref<8x128x32xf32, #tpu.memory_space<vmem>> -> memref<1x128x32xf32, #tpu.memory_space<vmem>>
      %dma_wait3A_1084 = tpu.memref_squeeze %dma_wait3A_1083 : memref<1x128x32xf32, #tpu.memory_space<vmem>> -> memref<128x32xf32, #tpu.memory_space<vmem>>
      %dma_wait3A_1085 = arith.constant 0 : i32
      %dma_wait3A_1086 = tpu.memref_slice %arg6[%add3A_1079, %dma_wait3A_1085] : memref<79x128xi32, #tpu.memory_space<vmem>> -> memref<1x128xi32, #tpu.memory_space<vmem>>
      %dma_wait3A_1087 = tpu.memref_squeeze %dma_wait3A_1086 : memref<1x128xi32, #tpu.memory_space<vmem>> -> memref<128xi32, #tpu.memory_space<vmem>>
      %dma_wait3A_1088 = arith.constant 0 : i32
      %dma_wait3A_1089 = arith.constant 0 : i32
      %dma_wait3A_1090 = tpu.memref_slice %arg10[%dma_wait3A_1088, %dma_wait3A_1089] : memref<10000x32xf32, #tpu.memory_space<vmem_shared>> -> memref<10000x32xf32, #tpu.memory_space<vmem_shared>>
      tpu.wait_indirect_dma semaphore(%arg11 : memref<!tpu.dma_semaphore, #tpu.memory_space<semaphore_mem>>) src(%dma_wait3A_1090 : memref<10000x32xf32, #tpu.memory_space<vmem_shared>>) dst(%dma_wait3A_1084 : memref<128x32xf32, #tpu.memory_space<vmem>>)
      %dma_start3A_1091 = arith.constant 0 : i32
      %dma_start3A_1092 = arith.constant 0 : i32
      %dma_start3A_1093 = arith.constant 0 : i32
      %dma_start3A_1094 = tpu.memref_slice %arg8[%dma_start3A_1091, %dma_start3A_1092, %dma_start3A_1093] : memref<8x128x32xf32, #tpu.memory_space<vmem>> -> memref<1x128x32xf32, #tpu.memory_space<vmem>>
      %dma_start3A_1095 = tpu.memref_squeeze %dma_start3A_1094 : memref<1x128x32xf32, #tpu.memory_space<vmem>> -> memref<128x32xf32, #tpu.memory_space<vmem>>
      %dma_start3A_1096 = arith.constant 0 : i32
      %dma_start3A_1097 = tpu.memref_slice %arg7[%add3A_1079, %dma_start3A_1096] : memref<79x128xi32, #tpu.memory_space<vmem>> -> memref<1x128xi32, #tpu.memory_space<vmem>>
      %dma_start3A_1098 = tpu.memref_squeeze %dma_start3A_1097 : memref<1x128xi32, #tpu.memory_space<vmem>> -> memref<128xi32, #tpu.memory_space<vmem>>
      %dma_start3A_1099 = arith.constant 0 : i32
      %dma_start3A_1100 = arith.constant 0 : i32
      %dma_start3A_1101 = tpu.memref_slice %arg9[%dma_start3A_1099, %dma_start3A_1100] : memref<10000x32xf32, #tpu.memory_space<vmem_shared>> -> memref<10000x32xf32, #tpu.memory_space<vmem_shared>>
      tpu.enqueue_indirect_dma source(%dma_start3A_1095 : memref<128x32xf32, #tpu.memory_space<vmem>>) target(%dma_start3A_1101 : memref<10000x32xf32, #tpu.memory_space<vmem_shared>>) offsets(%dma_start3A_1098 : memref<128xi32, #tpu.memory_space<vmem>>) semaphore(%arg19 : memref<!tpu.dma_semaphore, #tpu.memory_space<semaphore_mem>>) {add = true}
      %sub3A = arith.constant 1 : i32
      %sub3A_1102 = arith.subi %add3A_1079, %sub3A : i32
      %dma_wait3A_1103 = arith.constant 7 : i32
      %dma_wait3A_1104 = arith.constant 0 : i32
      %dma_wait3A_1105 = arith.constant 0 : i32
      %dma_wait3A_1106 = tpu.memref_slice %arg8[%dma_wait3A_1103, %dma_wait3A_1104, %dma_wait3A_1105] : memref<8x128x32xf32, #tpu.memory_space<vmem>> -> memref<1x128x32xf32, #tpu.memory_space<vmem>>
      %dma_wait3A_1107 = tpu.memref_squeeze %dma_wait3A_1106 : memref<1x128x32xf32, #tpu.memory_space<vmem>> -> memref<128x32xf32, #tpu.memory_space<vmem>>
      %dma_wait3A_1108 = arith.constant 0 : i32
      %dma_wait3A_1109 = tpu.memref_slice %arg7[%sub3A_1102, %dma_wait3A_1108] : memref<79x128xi32, #tpu.memory_space<vmem>> -> memref<1x128xi32, #tpu.memory_space<vmem>>
      %dma_wait3A_1110 = tpu.memref_squeeze %dma_wait3A_1109 : memref<1x128xi32, #tpu.memory_space<vmem>> -> memref<128xi32, #tpu.memory_space<vmem>>
      %dma_wait3A_1111 = arith.constant 0 : i32
      %dma_wait3A_1112 = arith.constant 0 : i32
      %dma_wait3A_1113 = tpu.memref_slice %arg9[%dma_wait3A_1111, %dma_wait3A_1112] : memref<10000x32xf32, #tpu.memory_space<vmem_shared>> -> memref<10000x32xf32, #tpu.memory_space<vmem_shared>>
      tpu.wait_indirect_dma semaphore(%arg26 : memref<!tpu.dma_semaphore, #tpu.memory_space<semaphore_mem>>) src(%dma_wait3A_1107 : memref<128x32xf32, #tpu.memory_space<vmem>>) dst(%dma_wait3A_1113 : memref<10000x32xf32, #tpu.memory_space<vmem_shared>>)
      %add3A_1114 = arith.constant 8 : i32
      %add3A_1115 = arith.addi %add3A_1079, %add3A_1114 : i32
      %sub3A_1116 = arith.constant 1 : i32
      %sub3A_1117 = arith.subi %add3A_1115, %sub3A_1116 : i32
      %dma_start3A_1118 = arith.constant 7 : i32
      %dma_start3A_1119 = arith.constant 0 : i32
      %dma_start3A_1120 = arith.constant 0 : i32
      %dma_start3A_1121 = tpu.memref_slice %arg8[%dma_start3A_1118, %dma_start3A_1119, %dma_start3A_1120] : memref<8x128x32xf32, #tpu.memory_space<vmem>> -> memref<1x128x32xf32, #tpu.memory_space<vmem>>
      %dma_start3A_1122 = tpu.memref_squeeze %dma_start3A_1121 : memref<1x128x32xf32, #tpu.memory_space<vmem>> -> memref<128x32xf32, #tpu.memory_space<vmem>>
      %dma_start3A_1123 = arith.constant 0 : i32
      %dma_start3A_1124 = tpu.memref_slice %arg6[%sub3A_1117, %dma_start3A_1123] : memref<79x128xi32, #tpu.memory_space<vmem>> -> memref<1x128xi32, #tpu.memory_space<vmem>>
      %dma_start3A_1125 = tpu.memref_squeeze %dma_start3A_1124 : memref<1x128xi32, #tpu.memory_space<vmem>> -> memref<128xi32, #tpu.memory_space<vmem>>
      %dma_start3A_1126 = arith.constant 0 : i32
      %dma_start3A_1127 = arith.constant 0 : i32
      %dma_start3A_1128 = tpu.memref_slice %arg10[%dma_start3A_1126, %dma_start3A_1127] : memref<10000x32xf32, #tpu.memory_space<vmem_shared>> -> memref<10000x32xf32, #tpu.memory_space<vmem_shared>>
      tpu.enqueue_indirect_dma source(%dma_start3A_1128 : memref<10000x32xf32, #tpu.memory_space<vmem_shared>>) target(%dma_start3A_1122 : memref<128x32xf32, #tpu.memory_space<vmem>>) offsets(%dma_start3A_1125 : memref<128xi32, #tpu.memory_space<vmem>>) semaphore(%arg18 : memref<!tpu.dma_semaphore, #tpu.memory_space<semaphore_mem>>)
      %mul3A_1129 = arith.constant 8 : i32
      %mul3A_1130 = arith.muli %scan3A_1075, %mul3A_1129 : i32
      %add3A_1131 = arith.constant 1 : i32
      %add3A_1132 = arith.addi %mul3A_1130, %add3A_1131 : i32
      %dma_wait3A_1133 = arith.constant 1 : i32
      %dma_wait3A_1134 = arith.constant 0 : i32
      %dma_wait3A_1135 = arith.constant 0 : i32
      %dma_wait3A_1136 = tpu.memref_slice %arg8[%dma_wait3A_1133, %dma_wait3A_1134, %dma_wait3A_1135] : memref<8x128x32xf32, #tpu.memory_space<vmem>> -> memref<1x128x32xf32, #tpu.memory_space<vmem>>
      %dma_wait3A_1137 = tpu.memref_squeeze %dma_wait3A_1136 : memref<1x128x32xf32, #tpu.memory_space<vmem>> -> memref<128x32xf32, #tpu.memory_space<vmem>>
      %dma_wait3A_1138 = arith.constant 0 : i32
      %dma_wait3A_1139 = tpu.memref_slice %arg6[%add3A_1132, %dma_wait3A_1138] : memref<79x128xi32, #tpu.memory_space<vmem>> -> memref<1x128xi32, #tpu.memory_space<vmem>>
      %dma_wait3A_1140 = tpu.memref_squeeze %dma_wait3A_1139 : memref<1x128xi32, #tpu.memory_space<vmem>> -> memref<128xi32, #tpu.memory_space<vmem>>
      %dma_wait3A_1141 = arith.constant 0 : i32
      %dma_wait3A_1142 = arith.constant 0 : i32
      %dma_wait3A_1143 = tpu.memref_slice %arg10[%dma_wait3A_1141, %dma_wait3A_1142] : memref<10000x32xf32, #tpu.memory_space<vmem_shared>> -> memref<10000x32xf32, #tpu.memory_space<vmem_shared>>
      tpu.wait_indirect_dma semaphore(%arg12 : memref<!tpu.dma_semaphore, #tpu.memory_space<semaphore_mem>>) src(%dma_wait3A_1143 : memref<10000x32xf32, #tpu.memory_space<vmem_shared>>) dst(%dma_wait3A_1137 : memref<128x32xf32, #tpu.memory_space<vmem>>)
      %dma_start3A_1144 = arith.constant 1 : i32
      %dma_start3A_1145 = arith.constant 0 : i32
      %dma_start3A_1146 = arith.constant 0 : i32
      %dma_start3A_1147 = tpu.memref_slice %arg8[%dma_start3A_1144, %dma_start3A_1145, %dma_start3A_1146] : memref<8x128x32xf32, #tpu.memory_space<vmem>> -> memref<1x128x32xf32, #tpu.memory_space<vmem>>
      %dma_start3A_1148 = tpu.memref_squeeze %dma_start3A_1147 : memref<1x128x32xf32, #tpu.memory_space<vmem>> -> memref<128x32xf32, #tpu.memory_space<vmem>>
      %dma_start3A_1149 = arith.constant 0 : i32
      %dma_start3A_1150 = tpu.memref_slice %arg7[%add3A_1132, %dma_start3A_1149] : memref<79x128xi32, #tpu.memory_space<vmem>> -> memref<1x128xi32, #tpu.memory_space<vmem>>
      %dma_start3A_1151 = tpu.memref_squeeze %dma_start3A_1150 : memref<1x128xi32, #tpu.memory_space<vmem>> -> memref<128xi32, #tpu.memory_space<vmem>>
      %dma_start3A_1152 = arith.constant 0 : i32
      %dma_start3A_1153 = arith.constant 0 : i32
      %dma_start3A_1154 = tpu.memref_slice %arg9[%dma_start3A_1152, %dma_start3A_1153] : memref<10000x32xf32, #tpu.memory_space<vmem_shared>> -> memref<10000x32xf32, #tpu.memory_space<vmem_shared>>
      tpu.enqueue_indirect_dma source(%dma_start3A_1148 : memref<128x32xf32, #tpu.memory_space<vmem>>) target(%dma_start3A_1154 : memref<10000x32xf32, #tpu.memory_space<vmem_shared>>) offsets(%dma_start3A_1151 : memref<128xi32, #tpu.memory_space<vmem>>) semaphore(%arg20 : memref<!tpu.dma_semaphore, #tpu.memory_space<semaphore_mem>>) {add = true}
      %sub3A_1155 = arith.constant 1 : i32
      %sub3A_1156 = arith.subi %add3A_1132, %sub3A_1155 : i32
      %dma_wait3A_1157 = arith.constant 0 : i32
      %dma_wait3A_1158 = arith.constant 0 : i32
      %dma_wait3A_1159 = arith.constant 0 : i32
      %dma_wait3A_1160 = tpu.memref_slice %arg8[%dma_wait3A_1157, %dma_wait3A_1158, %dma_wait3A_1159] : memref<8x128x32xf32, #tpu.memory_space<vmem>> -> memref<1x128x32xf32, #tpu.memory_space<vmem>>
      %dma_wait3A_1161 = tpu.memref_squeeze %dma_wait3A_1160 : memref<1x128x32xf32, #tpu.memory_space<vmem>> -> memref<128x32xf32, #tpu.memory_space<vmem>>
      %dma_wait3A_1162 = arith.constant 0 : i32
      %dma_wait3A_1163 = tpu.memref_slice %arg7[%sub3A_1156, %dma_wait3A_1162] : memref<79x128xi32, #tpu.memory_space<vmem>> -> memref<1x128xi32, #tpu.memory_space<vmem>>
      %dma_wait3A_1164 = tpu.memref_squeeze %dma_wait3A_1163 : memref<1x128xi32, #tpu.memory_space<vmem>> -> memref<128xi32, #tpu.memory_space<vmem>>
      %dma_wait3A_1165 = arith.constant 0 : i32
      %dma_wait3A_1166 = arith.constant 0 : i32
      %dma_wait3A_1167 = tpu.memref_slice %arg9[%dma_wait3A_1165, %dma_wait3A_1166] : memref<10000x32xf32, #tpu.memory_space<vmem_shared>> -> memref<10000x32xf32, #tpu.memory_space<vmem_shared>>
      tpu.wait_indirect_dma semaphore(%arg19 : memref<!tpu.dma_semaphore, #tpu.memory_space<semaphore_mem>>) src(%dma_wait3A_1161 : memref<128x32xf32, #tpu.memory_space<vmem>>) dst(%dma_wait3A_1167 : memref<10000x32xf32, #tpu.memory_space<vmem_shared>>)
      %add3A_1168 = arith.constant 8 : i32
      %add3A_1169 = arith.addi %add3A_1132, %add3A_1168 : i32
      %sub3A_1170 = arith.constant 1 : i32
      %sub3A_1171 = arith.subi %add3A_1169, %sub3A_1170 : i32
      %dma_start3A_1172 = arith.constant 0 : i32
      %dma_start3A_1173 = arith.constant 0 : i32
      %dma_start3A_1174 = arith.constant 0 : i32
      %dma_start3A_1175 = tpu.memref_slice %arg8[%dma_start3A_1172, %dma_start3A_1173, %dma_start3A_1174] : memref<8x128x32xf32, #tpu.memory_space<vmem>> -> memref<1x128x32xf32, #tpu.memory_space<vmem>>
      %dma_start3A_1176 = tpu.memref_squeeze %dma_start3A_1175 : memref<1x128x32xf32, #tpu.memory_space<vmem>> -> memref<128x32xf32, #tpu.memory_space<vmem>>
      %dma_start3A_1177 = arith.constant 0 : i32
      %dma_start3A_1178 = tpu.memref_slice %arg6[%sub3A_1171, %dma_start3A_1177] : memref<79x128xi32, #tpu.memory_space<vmem>> -> memref<1x128xi32, #tpu.memory_space<vmem>>
      %dma_start3A_1179 = tpu.memref_squeeze %dma_start3A_1178 : memref<1x128xi32, #tpu.memory_space<vmem>> -> memref<128xi32, #tpu.memory_space<vmem>>
      %dma_start3A_1180 = arith.constant 0 : i32
      %dma_start3A_1181 = arith.constant 0 : i32
      %dma_start3A_1182 = tpu.memref_slice %arg10[%dma_start3A_1180, %dma_start3A_1181] : memref<10000x32xf32, #tpu.memory_space<vmem_shared>> -> memref<10000x32xf32, #tpu.memory_space<vmem_shared>>
      tpu.enqueue_indirect_dma source(%dma_start3A_1182 : memref<10000x32xf32, #tpu.memory_space<vmem_shared>>) target(%dma_start3A_1176 : memref<128x32xf32, #tpu.memory_space<vmem>>) offsets(%dma_start3A_1179 : memref<128xi32, #tpu.memory_space<vmem>>) semaphore(%arg11 : memref<!tpu.dma_semaphore, #tpu.memory_space<semaphore_mem>>)
      %mul3A_1183 = arith.constant 8 : i32
      %mul3A_1184 = arith.muli %scan3A_1075, %mul3A_1183 : i32
      %add3A_1185 = arith.constant 2 : i32
      %add3A_1186 = arith.addi %mul3A_1184, %add3A_1185 : i32
      %dma_wait3A_1187 = arith.constant 2 : i32
      %dma_wait3A_1188 = arith.constant 0 : i32
      %dma_wait3A_1189 = arith.constant 0 : i32
      %dma_wait3A_1190 = tpu.memref_slice %arg8[%dma_wait3A_1187, %dma_wait3A_1188, %dma_wait3A_1189] : memref<8x128x32xf32, #tpu.memory_space<vmem>> -> memref<1x128x32xf32, #tpu.memory_space<vmem>>
      %dma_wait3A_1191 = tpu.memref_squeeze %dma_wait3A_1190 : memref<1x128x32xf32, #tpu.memory_space<vmem>> -> memref<128x32xf32, #tpu.memory_space<vmem>>
      %dma_wait3A_1192 = arith.constant 0 : i32
      %dma_wait3A_1193 = tpu.memref_slice %arg6[%add3A_1186, %dma_wait3A_1192] : memref<79x128xi32, #tpu.memory_space<vmem>> -> memref<1x128xi32, #tpu.memory_space<vmem>>
      %dma_wait3A_1194 = tpu.memref_squeeze %dma_wait3A_1193 : memref<1x128xi32, #tpu.memory_space<vmem>> -> memref<128xi32, #tpu.memory_space<vmem>>
      %dma_wait3A_1195 = arith.constant 0 : i32
      %dma_wait3A_1196 = arith.constant 0 : i32
      %dma_wait3A_1197 = tpu.memref_slice %arg10[%dma_wait3A_1195, %dma_wait3A_1196] : memref<10000x32xf32, #tpu.memory_space<vmem_shared>> -> memref<10000x32xf32, #tpu.memory_space<vmem_shared>>
      tpu.wait_indirect_dma semaphore(%arg13 : memref<!tpu.dma_semaphore, #tpu.memory_space<semaphore_mem>>) src(%dma_wait3A_1197 : memref<10000x32xf32, #tpu.memory_space<vmem_shared>>) dst(%dma_wait3A_1191 : memref<128x32xf32, #tpu.memory_space<vmem>>)
      %dma_start3A_1198 = arith.constant 2 : i32
      %dma_start3A_1199 = arith.constant 0 : i32
      %dma_start3A_1200 = arith.constant 0 : i32
      %dma_start3A_1201 = tpu.memref_slice %arg8[%dma_start3A_1198, %dma_start3A_1199, %dma_start3A_1200] : memref<8x128x32xf32, #tpu.memory_space<vmem>> -> memref<1x128x32xf32, #tpu.memory_space<vmem>>
      %dma_start3A_1202 = tpu.memref_squeeze %dma_start3A_1201 : memref<1x128x32xf32, #tpu.memory_space<vmem>> -> memref<128x32xf32, #tpu.memory_space<vmem>>
      %dma_start3A_1203 = arith.constant 0 : i32
      %dma_start3A_1204 = tpu.memref_slice %arg7[%add3A_1186, %dma_start3A_1203] : memref<79x128xi32, #tpu.memory_space<vmem>> -> memref<1x128xi32, #tpu.memory_space<vmem>>
      %dma_start3A_1205 = tpu.memref_squeeze %dma_start3A_1204 : memref<1x128xi32, #tpu.memory_space<vmem>> -> memref<128xi32, #tpu.memory_space<vmem>>
      %dma_start3A_1206 = arith.constant 0 : i32
      %dma_start3A_1207 = arith.constant 0 : i32
      %dma_start3A_1208 = tpu.memref_slice %arg9[%dma_start3A_1206, %dma_start3A_1207] : memref<10000x32xf32, #tpu.memory_space<vmem_shared>> -> memref<10000x32xf32, #tpu.memory_space<vmem_shared>>
      tpu.enqueue_indirect_dma source(%dma_start3A_1202 : memref<128x32xf32, #tpu.memory_space<vmem>>) target(%dma_start3A_1208 : memref<10000x32xf32, #tpu.memory_space<vmem_shared>>) offsets(%dma_start3A_1205 : memref<128xi32, #tpu.memory_space<vmem>>) semaphore(%arg21 : memref<!tpu.dma_semaphore, #tpu.memory_space<semaphore_mem>>) {add = true}
      %sub3A_1209 = arith.constant 1 : i32
      %sub3A_1210 = arith.subi %add3A_1186, %sub3A_1209 : i32
      %dma_wait3A_1211 = arith.constant 1 : i32
      %dma_wait3A_1212 = arith.constant 0 : i32
      %dma_wait3A_1213 = arith.constant 0 : i32
      %dma_wait3A_1214 = tpu.memref_slice %arg8[%dma_wait3A_1211, %dma_wait3A_1212, %dma_wait3A_1213] : memref<8x128x32xf32, #tpu.memory_space<vmem>> -> memref<1x128x32xf32, #tpu.memory_space<vmem>>
      %dma_wait3A_1215 = tpu.memref_squeeze %dma_wait3A_1214 : memref<1x128x32xf32, #tpu.memory_space<vmem>> -> memref<128x32xf32, #tpu.memory_space<vmem>>
      %dma_wait3A_1216 = arith.constant 0 : i32
      %dma_wait3A_1217 = tpu.memref_slice %arg7[%sub3A_1210, %dma_wait3A_1216] : memref<79x128xi32, #tpu.memory_space<vmem>> -> memref<1x128xi32, #tpu.memory_space<vmem>>
      %dma_wait3A_1218 = tpu.memref_squeeze %dma_wait3A_1217 : memref<1x128xi32, #tpu.memory_space<vmem>> -> memref<128xi32, #tpu.memory_space<vmem>>
      %dma_wait3A_1219 = arith.constant 0 : i32
      %dma_wait3A_1220 = arith.constant 0 : i32
      %dma_wait3A_1221 = tpu.memref_slice %arg9[%dma_wait3A_1219, %dma_wait3A_1220] : memref<10000x32xf32, #tpu.memory_space<vmem_shared>> -> memref<10000x32xf32, #tpu.memory_space<vmem_shared>>
      tpu.wait_indirect_dma semaphore(%arg20 : memref<!tpu.dma_semaphore, #tpu.memory_space<semaphore_mem>>) src(%dma_wait3A_1215 : memref<128x32xf32, #tpu.memory_space<vmem>>) dst(%dma_wait3A_1221 : memref<10000x32xf32, #tpu.memory_space<vmem_shared>>)
      %add3A_1222 = arith.constant 8 : i32
      %add3A_1223 = arith.addi %add3A_1186, %add3A_1222 : i32
      %sub3A_1224 = arith.constant 1 : i32
      %sub3A_1225 = arith.subi %add3A_1223, %sub3A_1224 : i32
      %dma_start3A_1226 = arith.constant 1 : i32
      %dma_start3A_1227 = arith.constant 0 : i32
      %dma_start3A_1228 = arith.constant 0 : i32
      %dma_start3A_1229 = tpu.memref_slice %arg8[%dma_start3A_1226, %dma_start3A_1227, %dma_start3A_1228] : memref<8x128x32xf32, #tpu.memory_space<vmem>> -> memref<1x128x32xf32, #tpu.memory_space<vmem>>
      %dma_start3A_1230 = tpu.memref_squeeze %dma_start3A_1229 : memref<1x128x32xf32, #tpu.memory_space<vmem>> -> memref<128x32xf32, #tpu.memory_space<vmem>>
      %dma_start3A_1231 = arith.constant 0 : i32
      %dma_start3A_1232 = tpu.memref_slice %arg6[%sub3A_1225, %dma_start3A_1231] : memref<79x128xi32, #tpu.memory_space<vmem>> -> memref<1x128xi32, #tpu.memory_space<vmem>>
      %dma_start3A_1233 = tpu.memref_squeeze %dma_start3A_1232 : memref<1x128xi32, #tpu.memory_space<vmem>> -> memref<128xi32, #tpu.memory_space<vmem>>
      %dma_start3A_1234 = arith.constant 0 : i32
      %dma_start3A_1235 = arith.constant 0 : i32
      %dma_start3A_1236 = tpu.memref_slice %arg10[%dma_start3A_1234, %dma_start3A_1235] : memref<10000x32xf32, #tpu.memory_space<vmem_shared>> -> memref<10000x32xf32, #tpu.memory_space<vmem_shared>>
      tpu.enqueue_indirect_dma source(%dma_start3A_1236 : memref<10000x32xf32, #tpu.memory_space<vmem_shared>>) target(%dma_start3A_1230 : memref<128x32xf32, #tpu.memory_space<vmem>>) offsets(%dma_start3A_1233 : memref<128xi32, #tpu.memory_space<vmem>>) semaphore(%arg12 : memref<!tpu.dma_semaphore, #tpu.memory_space<semaphore_mem>>)
      %mul3A_1237 = arith.constant 8 : i32
      %mul3A_1238 = arith.muli %scan3A_1075, %mul3A_1237 : i32
      %add3A_1239 = arith.constant 3 : i32
      %add3A_1240 = arith.addi %mul3A_1238, %add3A_1239 : i32
      %dma_wait3A_1241 = arith.constant 3 : i32
      %dma_wait3A_1242 = arith.constant 0 : i32
      %dma_wait3A_1243 = arith.constant 0 : i32
      %dma_wait3A_1244 = tpu.memref_slice %arg8[%dma_wait3A_1241, %dma_wait3A_1242, %dma_wait3A_1243] : memref<8x128x32xf32, #tpu.memory_space<vmem>> -> memref<1x128x32xf32, #tpu.memory_space<vmem>>
      %dma_wait3A_1245 = tpu.memref_squeeze %dma_wait3A_1244 : memref<1x128x32xf32, #tpu.memory_space<vmem>> -> memref<128x32xf32, #tpu.memory_space<vmem>>
      %dma_wait3A_1246 = arith.constant 0 : i32
      %dma_wait3A_1247 = tpu.memref_slice %arg6[%add3A_1240, %dma_wait3A_1246] : memref<79x128xi32, #tpu.memory_space<vmem>> -> memref<1x128xi32, #tpu.memory_space<vmem>>
      %dma_wait3A_1248 = tpu.memref_squeeze %dma_wait3A_1247 : memref<1x128xi32, #tpu.memory_space<vmem>> -> memref<128xi32, #tpu.memory_space<vmem>>
      %dma_wait3A_1249 = arith.constant 0 : i32
      %dma_wait3A_1250 = arith.constant 0 : i32
      %dma_wait3A_1251 = tpu.memref_slice %arg10[%dma_wait3A_1249, %dma_wait3A_1250] : memref<10000x32xf32, #tpu.memory_space<vmem_shared>> -> memref<10000x32xf32, #tpu.memory_space<vmem_shared>>
      tpu.wait_indirect_dma semaphore(%arg14 : memref<!tpu.dma_semaphore, #tpu.memory_space<semaphore_mem>>) src(%dma_wait3A_1251 : memref<10000x32xf32, #tpu.memory_space<vmem_shared>>) dst(%dma_wait3A_1245 : memref<128x32xf32, #tpu.memory_space<vmem>>)
      %dma_start3A_1252 = arith.constant 3 : i32
      %dma_start3A_1253 = arith.constant 0 : i32
      %dma_start3A_1254 = arith.constant 0 : i32
      %dma_start3A_1255 = tpu.memref_slice %arg8[%dma_start3A_1252, %dma_start3A_1253, %dma_start3A_1254] : memref<8x128x32xf32, #tpu.memory_space<vmem>> -> memref<1x128x32xf32, #tpu.memory_space<vmem>>
      %dma_start3A_1256 = tpu.memref_squeeze %dma_start3A_1255 : memref<1x128x32xf32, #tpu.memory_space<vmem>> -> memref<128x32xf32, #tpu.memory_space<vmem>>
      %dma_start3A_1257 = arith.constant 0 : i32
      %dma_start3A_1258 = tpu.memref_slice %arg7[%add3A_1240, %dma_start3A_1257] : memref<79x128xi32, #tpu.memory_space<vmem>> -> memref<1x128xi32, #tpu.memory_space<vmem>>
      %dma_start3A_1259 = tpu.memref_squeeze %dma_start3A_1258 : memref<1x128xi32, #tpu.memory_space<vmem>> -> memref<128xi32, #tpu.memory_space<vmem>>
      %dma_start3A_1260 = arith.constant 0 : i32
      %dma_start3A_1261 = arith.constant 0 : i32
      %dma_start3A_1262 = tpu.memref_slice %arg9[%dma_start3A_1260, %dma_start3A_1261] : memref<10000x32xf32, #tpu.memory_space<vmem_shared>> -> memref<10000x32xf32, #tpu.memory_space<vmem_shared>>
      tpu.enqueue_indirect_dma source(%dma_start3A_1256 : memref<128x32xf32, #tpu.memory_space<vmem>>) target(%dma_start3A_1262 : memref<10000x32xf32, #tpu.memory_space<vmem_shared>>) offsets(%dma_start3A_1259 : memref<128xi32, #tpu.memory_space<vmem>>) semaphore(%arg22 : memref<!tpu.dma_semaphore, #tpu.memory_space<semaphore_mem>>) {add = true}
      %sub3A_1263 = arith.constant 1 : i32
      %sub3A_1264 = arith.subi %add3A_1240, %sub3A_1263 : i32
      %dma_wait3A_1265 = arith.constant 2 : i32
      %dma_wait3A_1266 = arith.constant 0 : i32
      %dma_wait3A_1267 = arith.constant 0 : i32
      %dma_wait3A_1268 = tpu.memref_slice %arg8[%dma_wait3A_1265, %dma_wait3A_1266, %dma_wait3A_1267] : memref<8x128x32xf32, #tpu.memory_space<vmem>> -> memref<1x128x32xf32, #tpu.memory_space<vmem>>
      %dma_wait3A_1269 = tpu.memref_squeeze %dma_wait3A_1268 : memref<1x128x32xf32, #tpu.memory_space<vmem>> -> memref<128x32xf32, #tpu.memory_space<vmem>>
      %dma_wait3A_1270 = arith.constant 0 : i32
      %dma_wait3A_1271 = tpu.memref_slice %arg7[%sub3A_1264, %dma_wait3A_1270] : memref<79x128xi32, #tpu.memory_space<vmem>> -> memref<1x128xi32, #tpu.memory_space<vmem>>
      %dma_wait3A_1272 = tpu.memref_squeeze %dma_wait3A_1271 : memref<1x128xi32, #tpu.memory_space<vmem>> -> memref<128xi32, #tpu.memory_space<vmem>>
      %dma_wait3A_1273 = arith.constant 0 : i32
      %dma_wait3A_1274 = arith.constant 0 : i32
      %dma_wait3A_1275 = tpu.memref_slice %arg9[%dma_wait3A_1273, %dma_wait3A_1274] : memref<10000x32xf32, #tpu.memory_space<vmem_shared>> -> memref<10000x32xf32, #tpu.memory_space<vmem_shared>>
      tpu.wait_indirect_dma semaphore(%arg21 : memref<!tpu.dma_semaphore, #tpu.memory_space<semaphore_mem>>) src(%dma_wait3A_1269 : memref<128x32xf32, #tpu.memory_space<vmem>>) dst(%dma_wait3A_1275 : memref<10000x32xf32, #tpu.memory_space<vmem_shared>>)
      %add3A_1276 = arith.constant 8 : i32
      %add3A_1277 = arith.addi %add3A_1240, %add3A_1276 : i32
      %sub3A_1278 = arith.constant 1 : i32
      %sub3A_1279 = arith.subi %add3A_1277, %sub3A_1278 : i32
      %dma_start3A_1280 = arith.constant 2 : i32
      %dma_start3A_1281 = arith.constant 0 : i32
      %dma_start3A_1282 = arith.constant 0 : i32
      %dma_start3A_1283 = tpu.memref_slice %arg8[%dma_start3A_1280, %dma_start3A_1281, %dma_start3A_1282] : memref<8x128x32xf32, #tpu.memory_space<vmem>> -> memref<1x128x32xf32, #tpu.memory_space<vmem>>
      %dma_start3A_1284 = tpu.memref_squeeze %dma_start3A_1283 : memref<1x128x32xf32, #tpu.memory_space<vmem>> -> memref<128x32xf32, #tpu.memory_space<vmem>>
      %dma_start3A_1285 = arith.constant 0 : i32
      %dma_start3A_1286 = tpu.memref_slice %arg6[%sub3A_1279, %dma_start3A_1285] : memref<79x128xi32, #tpu.memory_space<vmem>> -> memref<1x128xi32, #tpu.memory_space<vmem>>
      %dma_start3A_1287 = tpu.memref_squeeze %dma_start3A_1286 : memref<1x128xi32, #tpu.memory_space<vmem>> -> memref<128xi32, #tpu.memory_space<vmem>>
      %dma_start3A_1288 = arith.constant 0 : i32
      %dma_start3A_1289 = arith.constant 0 : i32
      %dma_start3A_1290 = tpu.memref_slice %arg10[%dma_start3A_1288, %dma_start3A_1289] : memref<10000x32xf32, #tpu.memory_space<vmem_shared>> -> memref<10000x32xf32, #tpu.memory_space<vmem_shared>>
      tpu.enqueue_indirect_dma source(%dma_start3A_1290 : memref<10000x32xf32, #tpu.memory_space<vmem_shared>>) target(%dma_start3A_1284 : memref<128x32xf32, #tpu.memory_space<vmem>>) offsets(%dma_start3A_1287 : memref<128xi32, #tpu.memory_space<vmem>>) semaphore(%arg13 : memref<!tpu.dma_semaphore, #tpu.memory_space<semaphore_mem>>)
      %mul3A_1291 = arith.constant 8 : i32
      %mul3A_1292 = arith.muli %scan3A_1075, %mul3A_1291 : i32
      %add3A_1293 = arith.constant 4 : i32
      %add3A_1294 = arith.addi %mul3A_1292, %add3A_1293 : i32
      %dma_wait3A_1295 = arith.constant 4 : i32
      %dma_wait3A_1296 = arith.constant 0 : i32
      %dma_wait3A_1297 = arith.constant 0 : i32
      %dma_wait3A_1298 = tpu.memref_slice %arg8[%dma_wait3A_1295, %dma_wait3A_1296, %dma_wait3A_1297] : memref<8x128x32xf32, #tpu.memory_space<vmem>> -> memref<1x128x32xf32, #tpu.memory_space<vmem>>
      %dma_wait3A_1299 = tpu.memref_squeeze %dma_wait3A_1298 : memref<1x128x32xf32, #tpu.memory_space<vmem>> -> memref<128x32xf32, #tpu.memory_space<vmem>>
      %dma_wait3A_1300 = arith.constant 0 : i32
      %dma_wait3A_1301 = tpu.memref_slice %arg6[%add3A_1294, %dma_wait3A_1300] : memref<79x128xi32, #tpu.memory_space<vmem>> -> memref<1x128xi32, #tpu.memory_space<vmem>>
      %dma_wait3A_1302 = tpu.memref_squeeze %dma_wait3A_1301 : memref<1x128xi32, #tpu.memory_space<vmem>> -> memref<128xi32, #tpu.memory_space<vmem>>
      %dma_wait3A_1303 = arith.constant 0 : i32
      %dma_wait3A_1304 = arith.constant 0 : i32
      %dma_wait3A_1305 = tpu.memref_slice %arg10[%dma_wait3A_1303, %dma_wait3A_1304] : memref<10000x32xf32, #tpu.memory_space<vmem_shared>> -> memref<10000x32xf32, #tpu.memory_space<vmem_shared>>
      tpu.wait_indirect_dma semaphore(%arg15 : memref<!tpu.dma_semaphore, #tpu.memory_space<semaphore_mem>>) src(%dma_wait3A_1305 : memref<10000x32xf32, #tpu.memory_space<vmem_shared>>) dst(%dma_wait3A_1299 : memref<128x32xf32, #tpu.memory_space<vmem>>)
      %dma_start3A_1306 = arith.constant 4 : i32
      %dma_start3A_1307 = arith.constant 0 : i32
      %dma_start3A_1308 = arith.constant 0 : i32
      %dma_start3A_1309 = tpu.memref_slice %arg8[%dma_start3A_1306, %dma_start3A_1307, %dma_start3A_1308] : memref<8x128x32xf32, #tpu.memory_space<vmem>> -> memref<1x128x32xf32, #tpu.memory_space<vmem>>
      %dma_start3A_1310 = tpu.memref_squeeze %dma_start3A_1309 : memref<1x128x32xf32, #tpu.memory_space<vmem>> -> memref<128x32xf32, #tpu.memory_space<vmem>>
      %dma_start3A_1311 = arith.constant 0 : i32
      %dma_start3A_1312 = tpu.memref_slice %arg7[%add3A_1294, %dma_start3A_1311] : memref<79x128xi32, #tpu.memory_space<vmem>> -> memref<1x128xi32, #tpu.memory_space<vmem>>
      %dma_start3A_1313 = tpu.memref_squeeze %dma_start3A_1312 : memref<1x128xi32, #tpu.memory_space<vmem>> -> memref<128xi32, #tpu.memory_space<vmem>>
      %dma_start3A_1314 = arith.constant 0 : i32
      %dma_start3A_1315 = arith.constant 0 : i32
      %dma_start3A_1316 = tpu.memref_slice %arg9[%dma_start3A_1314, %dma_start3A_1315] : memref<10000x32xf32, #tpu.memory_space<vmem_shared>> -> memref<10000x32xf32, #tpu.memory_space<vmem_shared>>
      tpu.enqueue_indirect_dma source(%dma_start3A_1310 : memref<128x32xf32, #tpu.memory_space<vmem>>) target(%dma_start3A_1316 : memref<10000x32xf32, #tpu.memory_space<vmem_shared>>) offsets(%dma_start3A_1313 : memref<128xi32, #tpu.memory_space<vmem>>) semaphore(%arg23 : memref<!tpu.dma_semaphore, #tpu.memory_space<semaphore_mem>>) {add = true}
      %sub3A_1317 = arith.constant 1 : i32
      %sub3A_1318 = arith.subi %add3A_1294, %sub3A_1317 : i32
      %dma_wait3A_1319 = arith.constant 3 : i32
      %dma_wait3A_1320 = arith.constant 0 : i32
      %dma_wait3A_1321 = arith.constant 0 : i32
      %dma_wait3A_1322 = tpu.memref_slice %arg8[%dma_wait3A_1319, %dma_wait3A_1320, %dma_wait3A_1321] : memref<8x128x32xf32, #tpu.memory_space<vmem>> -> memref<1x128x32xf32, #tpu.memory_space<vmem>>
      %dma_wait3A_1323 = tpu.memref_squeeze %dma_wait3A_1322 : memref<1x128x32xf32, #tpu.memory_space<vmem>> -> memref<128x32xf32, #tpu.memory_space<vmem>>
      %dma_wait3A_1324 = arith.constant 0 : i32
      %dma_wait3A_1325 = tpu.memref_slice %arg7[%sub3A_1318, %dma_wait3A_1324] : memref<79x128xi32, #tpu.memory_space<vmem>> -> memref<1x128xi32, #tpu.memory_space<vmem>>
      %dma_wait3A_1326 = tpu.memref_squeeze %dma_wait3A_1325 : memref<1x128xi32, #tpu.memory_space<vmem>> -> memref<128xi32, #tpu.memory_space<vmem>>
      %dma_wait3A_1327 = arith.constant 0 : i32
      %dma_wait3A_1328 = arith.constant 0 : i32
      %dma_wait3A_1329 = tpu.memref_slice %arg9[%dma_wait3A_1327, %dma_wait3A_1328] : memref<10000x32xf32, #tpu.memory_space<vmem_shared>> -> memref<10000x32xf32, #tpu.memory_space<vmem_shared>>
      tpu.wait_indirect_dma semaphore(%arg22 : memref<!tpu.dma_semaphore, #tpu.memory_space<semaphore_mem>>) src(%dma_wait3A_1323 : memref<128x32xf32, #tpu.memory_space<vmem>>) dst(%dma_wait3A_1329 : memref<10000x32xf32, #tpu.memory_space<vmem_shared>>)
      %add3A_1330 = arith.constant 8 : i32
      %add3A_1331 = arith.addi %add3A_1294, %add3A_1330 : i32
      %sub3A_1332 = arith.constant 1 : i32
      %sub3A_1333 = arith.subi %add3A_1331, %sub3A_1332 : i32
      %dma_start3A_1334 = arith.constant 3 : i32
      %dma_start3A_1335 = arith.constant 0 : i32
      %dma_start3A_1336 = arith.constant 0 : i32
      %dma_start3A_1337 = tpu.memref_slice %arg8[%dma_start3A_1334, %dma_start3A_1335, %dma_start3A_1336] : memref<8x128x32xf32, #tpu.memory_space<vmem>> -> memref<1x128x32xf32, #tpu.memory_space<vmem>>
      %dma_start3A_1338 = tpu.memref_squeeze %dma_start3A_1337 : memref<1x128x32xf32, #tpu.memory_space<vmem>> -> memref<128x32xf32, #tpu.memory_space<vmem>>
      %dma_start3A_1339 = arith.constant 0 : i32
      %dma_start3A_1340 = tpu.memref_slice %arg6[%sub3A_1333, %dma_start3A_1339] : memref<79x128xi32, #tpu.memory_space<vmem>> -> memref<1x128xi32, #tpu.memory_space<vmem>>
      %dma_start3A_1341 = tpu.memref_squeeze %dma_start3A_1340 : memref<1x128xi32, #tpu.memory_space<vmem>> -> memref<128xi32, #tpu.memory_space<vmem>>
      %dma_start3A_1342 = arith.constant 0 : i32
      %dma_start3A_1343 = arith.constant 0 : i32
      %dma_start3A_1344 = tpu.memref_slice %arg10[%dma_start3A_1342, %dma_start3A_1343] : memref<10000x32xf32, #tpu.memory_space<vmem_shared>> -> memref<10000x32xf32, #tpu.memory_space<vmem_shared>>
      tpu.enqueue_indirect_dma source(%dma_start3A_1344 : memref<10000x32xf32, #tpu.memory_space<vmem_shared>>) target(%dma_start3A_1338 : memref<128x32xf32, #tpu.memory_space<vmem>>) offsets(%dma_start3A_1341 : memref<128xi32, #tpu.memory_space<vmem>>) semaphore(%arg14 : memref<!tpu.dma_semaphore, #tpu.memory_space<semaphore_mem>>)
      %mul3A_1345 = arith.constant 8 : i32
      %mul3A_1346 = arith.muli %scan3A_1075, %mul3A_1345 : i32
      %add3A_1347 = arith.constant 5 : i32
      %add3A_1348 = arith.addi %mul3A_1346, %add3A_1347 : i32
      %dma_wait3A_1349 = arith.constant 5 : i32
      %dma_wait3A_1350 = arith.constant 0 : i32
      %dma_wait3A_1351 = arith.constant 0 : i32
      %dma_wait3A_1352 = tpu.memref_slice %arg8[%dma_wait3A_1349, %dma_wait3A_1350, %dma_wait3A_1351] : memref<8x128x32xf32, #tpu.memory_space<vmem>> -> memref<1x128x32xf32, #tpu.memory_space<vmem>>
      %dma_wait3A_1353 = tpu.memref_squeeze %dma_wait3A_1352 : memref<1x128x32xf32, #tpu.memory_space<vmem>> -> memref<128x32xf32, #tpu.memory_space<vmem>>
      %dma_wait3A_1354 = arith.constant 0 : i32
      %dma_wait3A_1355 = tpu.memref_slice %arg6[%add3A_1348, %dma_wait3A_1354] : memref<79x128xi32, #tpu.memory_space<vmem>> -> memref<1x128xi32, #tpu.memory_space<vmem>>
      %dma_wait3A_1356 = tpu.memref_squeeze %dma_wait3A_1355 : memref<1x128xi32, #tpu.memory_space<vmem>> -> memref<128xi32, #tpu.memory_space<vmem>>
      %dma_wait3A_1357 = arith.constant 0 : i32
      %dma_wait3A_1358 = arith.constant 0 : i32
      %dma_wait3A_1359 = tpu.memref_slice %arg10[%dma_wait3A_1357, %dma_wait3A_1358] : memref<10000x32xf32, #tpu.memory_space<vmem_shared>> -> memref<10000x32xf32, #tpu.memory_space<vmem_shared>>
      tpu.wait_indirect_dma semaphore(%arg16 : memref<!tpu.dma_semaphore, #tpu.memory_space<semaphore_mem>>) src(%dma_wait3A_1359 : memref<10000x32xf32, #tpu.memory_space<vmem_shared>>) dst(%dma_wait3A_1353 : memref<128x32xf32, #tpu.memory_space<vmem>>)
      %dma_start3A_1360 = arith.constant 5 : i32
      %dma_start3A_1361 = arith.constant 0 : i32
      %dma_start3A_1362 = arith.constant 0 : i32
      %dma_start3A_1363 = tpu.memref_slice %arg8[%dma_start3A_1360, %dma_start3A_1361, %dma_start3A_1362] : memref<8x128x32xf32, #tpu.memory_space<vmem>> -> memref<1x128x32xf32, #tpu.memory_space<vmem>>
      %dma_start3A_1364 = tpu.memref_squeeze %dma_start3A_1363 : memref<1x128x32xf32, #tpu.memory_space<vmem>> -> memref<128x32xf32, #tpu.memory_space<vmem>>
      %dma_start3A_1365 = arith.constant 0 : i32
      %dma_start3A_1366 = tpu.memref_slice %arg7[%add3A_1348, %dma_start3A_1365] : memref<79x128xi32, #tpu.memory_space<vmem>> -> memref<1x128xi32, #tpu.memory_space<vmem>>
      %dma_start3A_1367 = tpu.memref_squeeze %dma_start3A_1366 : memref<1x128xi32, #tpu.memory_space<vmem>> -> memref<128xi32, #tpu.memory_space<vmem>>
      %dma_start3A_1368 = arith.constant 0 : i32
      %dma_start3A_1369 = arith.constant 0 : i32
      %dma_start3A_1370 = tpu.memref_slice %arg9[%dma_start3A_1368, %dma_start3A_1369] : memref<10000x32xf32, #tpu.memory_space<vmem_shared>> -> memref<10000x32xf32, #tpu.memory_space<vmem_shared>>
      tpu.enqueue_indirect_dma source(%dma_start3A_1364 : memref<128x32xf32, #tpu.memory_space<vmem>>) target(%dma_start3A_1370 : memref<10000x32xf32, #tpu.memory_space<vmem_shared>>) offsets(%dma_start3A_1367 : memref<128xi32, #tpu.memory_space<vmem>>) semaphore(%arg24 : memref<!tpu.dma_semaphore, #tpu.memory_space<semaphore_mem>>) {add = true}
      %sub3A_1371 = arith.constant 1 : i32
      %sub3A_1372 = arith.subi %add3A_1348, %sub3A_1371 : i32
      %dma_wait3A_1373 = arith.constant 4 : i32
      %dma_wait3A_1374 = arith.constant 0 : i32
      %dma_wait3A_1375 = arith.constant 0 : i32
      %dma_wait3A_1376 = tpu.memref_slice %arg8[%dma_wait3A_1373, %dma_wait3A_1374, %dma_wait3A_1375] : memref<8x128x32xf32, #tpu.memory_space<vmem>> -> memref<1x128x32xf32, #tpu.memory_space<vmem>>
      %dma_wait3A_1377 = tpu.memref_squeeze %dma_wait3A_1376 : memref<1x128x32xf32, #tpu.memory_space<vmem>> -> memref<128x32xf32, #tpu.memory_space<vmem>>
      %dma_wait3A_1378 = arith.constant 0 : i32
      %dma_wait3A_1379 = tpu.memref_slice %arg7[%sub3A_1372, %dma_wait3A_1378] : memref<79x128xi32, #tpu.memory_space<vmem>> -> memref<1x128xi32, #tpu.memory_space<vmem>>
      %dma_wait3A_1380 = tpu.memref_squeeze %dma_wait3A_1379 : memref<1x128xi32, #tpu.memory_space<vmem>> -> memref<128xi32, #tpu.memory_space<vmem>>
      %dma_wait3A_1381 = arith.constant 0 : i32
      %dma_wait3A_1382 = arith.constant 0 : i32
      %dma_wait3A_1383 = tpu.memref_slice %arg9[%dma_wait3A_1381, %dma_wait3A_1382] : memref<10000x32xf32, #tpu.memory_space<vmem_shared>> -> memref<10000x32xf32, #tpu.memory_space<vmem_shared>>
      tpu.wait_indirect_dma semaphore(%arg23 : memref<!tpu.dma_semaphore, #tpu.memory_space<semaphore_mem>>) src(%dma_wait3A_1377 : memref<128x32xf32, #tpu.memory_space<vmem>>) dst(%dma_wait3A_1383 : memref<10000x32xf32, #tpu.memory_space<vmem_shared>>)
      %add3A_1384 = arith.constant 8 : i32
      %add3A_1385 = arith.addi %add3A_1348, %add3A_1384 : i32
      %sub3A_1386 = arith.constant 1 : i32
      %sub3A_1387 = arith.subi %add3A_1385, %sub3A_1386 : i32
      %dma_start3A_1388 = arith.constant 4 : i32
      %dma_start3A_1389 = arith.constant 0 : i32
      %dma_start3A_1390 = arith.constant 0 : i32
      %dma_start3A_1391 = tpu.memref_slice %arg8[%dma_start3A_1388, %dma_start3A_1389, %dma_start3A_1390] : memref<8x128x32xf32, #tpu.memory_space<vmem>> -> memref<1x128x32xf32, #tpu.memory_space<vmem>>
      %dma_start3A_1392 = tpu.memref_squeeze %dma_start3A_1391 : memref<1x128x32xf32, #tpu.memory_space<vmem>> -> memref<128x32xf32, #tpu.memory_space<vmem>>
      %dma_start3A_1393 = arith.constant 0 : i32
      %dma_start3A_1394 = tpu.memref_slice %arg6[%sub3A_1387, %dma_start3A_1393] : memref<79x128xi32, #tpu.memory_space<vmem>> -> memref<1x128xi32, #tpu.memory_space<vmem>>
      %dma_start3A_1395 = tpu.memref_squeeze %dma_start3A_1394 : memref<1x128xi32, #tpu.memory_space<vmem>> -> memref<128xi32, #tpu.memory_space<vmem>>
      %dma_start3A_1396 = arith.constant 0 : i32
      %dma_start3A_1397 = arith.constant 0 : i32
      %dma_start3A_1398 = tpu.memref_slice %arg10[%dma_start3A_1396, %dma_start3A_1397] : memref<10000x32xf32, #tpu.memory_space<vmem_shared>> -> memref<10000x32xf32, #tpu.memory_space<vmem_shared>>
      tpu.enqueue_indirect_dma source(%dma_start3A_1398 : memref<10000x32xf32, #tpu.memory_space<vmem_shared>>) target(%dma_start3A_1392 : memref<128x32xf32, #tpu.memory_space<vmem>>) offsets(%dma_start3A_1395 : memref<128xi32, #tpu.memory_space<vmem>>) semaphore(%arg15 : memref<!tpu.dma_semaphore, #tpu.memory_space<semaphore_mem>>)
      %mul3A_1399 = arith.constant 8 : i32
      %mul3A_1400 = arith.muli %scan3A_1075, %mul3A_1399 : i32
      %add3A_1401 = arith.constant 6 : i32
      %add3A_1402 = arith.addi %mul3A_1400, %add3A_1401 : i32
      %dma_wait3A_1403 = arith.constant 6 : i32
      %dma_wait3A_1404 = arith.constant 0 : i32
      %dma_wait3A_1405 = arith.constant 0 : i32
      %dma_wait3A_1406 = tpu.memref_slice %arg8[%dma_wait3A_1403, %dma_wait3A_1404, %dma_wait3A_1405] : memref<8x128x32xf32, #tpu.memory_space<vmem>> -> memref<1x128x32xf32, #tpu.memory_space<vmem>>
      %dma_wait3A_1407 = tpu.memref_squeeze %dma_wait3A_1406 : memref<1x128x32xf32, #tpu.memory_space<vmem>> -> memref<128x32xf32, #tpu.memory_space<vmem>>
      %dma_wait3A_1408 = arith.constant 0 : i32
      %dma_wait3A_1409 = tpu.memref_slice %arg6[%add3A_1402, %dma_wait3A_1408] : memref<79x128xi32, #tpu.memory_space<vmem>> -> memref<1x128xi32, #tpu.memory_space<vmem>>
      %dma_wait3A_1410 = tpu.memref_squeeze %dma_wait3A_1409 : memref<1x128xi32, #tpu.memory_space<vmem>> -> memref<128xi32, #tpu.memory_space<vmem>>
      %dma_wait3A_1411 = arith.constant 0 : i32
      %dma_wait3A_1412 = arith.constant 0 : i32
      %dma_wait3A_1413 = tpu.memref_slice %arg10[%dma_wait3A_1411, %dma_wait3A_1412] : memref<10000x32xf32, #tpu.memory_space<vmem_shared>> -> memref<10000x32xf32, #tpu.memory_space<vmem_shared>>
      tpu.wait_indirect_dma semaphore(%arg17 : memref<!tpu.dma_semaphore, #tpu.memory_space<semaphore_mem>>) src(%dma_wait3A_1413 : memref<10000x32xf32, #tpu.memory_space<vmem_shared>>) dst(%dma_wait3A_1407 : memref<128x32xf32, #tpu.memory_space<vmem>>)
      %dma_start3A_1414 = arith.constant 6 : i32
      %dma_start3A_1415 = arith.constant 0 : i32
      %dma_start3A_1416 = arith.constant 0 : i32
      %dma_start3A_1417 = tpu.memref_slice %arg8[%dma_start3A_1414, %dma_start3A_1415, %dma_start3A_1416] : memref<8x128x32xf32, #tpu.memory_space<vmem>> -> memref<1x128x32xf32, #tpu.memory_space<vmem>>
      %dma_start3A_1418 = tpu.memref_squeeze %dma_start3A_1417 : memref<1x128x32xf32, #tpu.memory_space<vmem>> -> memref<128x32xf32, #tpu.memory_space<vmem>>
      %dma_start3A_1419 = arith.constant 0 : i32
      %dma_start3A_1420 = tpu.memref_slice %arg7[%add3A_1402, %dma_start3A_1419] : memref<79x128xi32, #tpu.memory_space<vmem>> -> memref<1x128xi32, #tpu.memory_space<vmem>>
      %dma_start3A_1421 = tpu.memref_squeeze %dma_start3A_1420 : memref<1x128xi32, #tpu.memory_space<vmem>> -> memref<128xi32, #tpu.memory_space<vmem>>
      %dma_start3A_1422 = arith.constant 0 : i32
      %dma_start3A_1423 = arith.constant 0 : i32
      %dma_start3A_1424 = tpu.memref_slice %arg9[%dma_start3A_1422, %dma_start3A_1423] : memref<10000x32xf32, #tpu.memory_space<vmem_shared>> -> memref<10000x32xf32, #tpu.memory_space<vmem_shared>>
      tpu.enqueue_indirect_dma source(%dma_start3A_1418 : memref<128x32xf32, #tpu.memory_space<vmem>>) target(%dma_start3A_1424 : memref<10000x32xf32, #tpu.memory_space<vmem_shared>>) offsets(%dma_start3A_1421 : memref<128xi32, #tpu.memory_space<vmem>>) semaphore(%arg25 : memref<!tpu.dma_semaphore, #tpu.memory_space<semaphore_mem>>) {add = true}
      %sub3A_1425 = arith.constant 1 : i32
      %sub3A_1426 = arith.subi %add3A_1402, %sub3A_1425 : i32
      %dma_wait3A_1427 = arith.constant 5 : i32
      %dma_wait3A_1428 = arith.constant 0 : i32
      %dma_wait3A_1429 = arith.constant 0 : i32
      %dma_wait3A_1430 = tpu.memref_slice %arg8[%dma_wait3A_1427, %dma_wait3A_1428, %dma_wait3A_1429] : memref<8x128x32xf32, #tpu.memory_space<vmem>> -> memref<1x128x32xf32, #tpu.memory_space<vmem>>
      %dma_wait3A_1431 = tpu.memref_squeeze %dma_wait3A_1430 : memref<1x128x32xf32, #tpu.memory_space<vmem>> -> memref<128x32xf32, #tpu.memory_space<vmem>>
      %dma_wait3A_1432 = arith.constant 0 : i32
      %dma_wait3A_1433 = tpu.memref_slice %arg7[%sub3A_1426, %dma_wait3A_1432] : memref<79x128xi32, #tpu.memory_space<vmem>> -> memref<1x128xi32, #tpu.memory_space<vmem>>
      %dma_wait3A_1434 = tpu.memref_squeeze %dma_wait3A_1433 : memref<1x128xi32, #tpu.memory_space<vmem>> -> memref<128xi32, #tpu.memory_space<vmem>>
      %dma_wait3A_1435 = arith.constant 0 : i32
      %dma_wait3A_1436 = arith.constant 0 : i32
      %dma_wait3A_1437 = tpu.memref_slice %arg9[%dma_wait3A_1435, %dma_wait3A_1436] : memref<10000x32xf32, #tpu.memory_space<vmem_shared>> -> memref<10000x32xf32, #tpu.memory_space<vmem_shared>>
      tpu.wait_indirect_dma semaphore(%arg24 : memref<!tpu.dma_semaphore, #tpu.memory_space<semaphore_mem>>) src(%dma_wait3A_1431 : memref<128x32xf32, #tpu.memory_space<vmem>>) dst(%dma_wait3A_1437 : memref<10000x32xf32, #tpu.memory_space<vmem_shared>>)
      %add3A_1438 = arith.constant 8 : i32
      %add3A_1439 = arith.addi %add3A_1402, %add3A_1438 : i32
      %sub3A_1440 = arith.constant 1 : i32
      %sub3A_1441 = arith.subi %add3A_1439, %sub3A_1440 : i32
      %dma_start3A_1442 = arith.constant 5 : i32
      %dma_start3A_1443 = arith.constant 0 : i32
      %dma_start3A_1444 = arith.constant 0 : i32
      %dma_start3A_1445 = tpu.memref_slice %arg8[%dma_start3A_1442, %dma_start3A_1443, %dma_start3A_1444] : memref<8x128x32xf32, #tpu.memory_space<vmem>> -> memref<1x128x32xf32, #tpu.memory_space<vmem>>
      %dma_start3A_1446 = tpu.memref_squeeze %dma_start3A_1445 : memref<1x128x32xf32, #tpu.memory_space<vmem>> -> memref<128x32xf32, #tpu.memory_space<vmem>>
      %dma_start3A_1447 = arith.constant 0 : i32
      %dma_start3A_1448 = tpu.memref_slice %arg6[%sub3A_1441, %dma_start3A_1447] : memref<79x128xi32, #tpu.memory_space<vmem>> -> memref<1x128xi32, #tpu.memory_space<vmem>>
      %dma_start3A_1449 = tpu.memref_squeeze %dma_start3A_1448 : memref<1x128xi32, #tpu.memory_space<vmem>> -> memref<128xi32, #tpu.memory_space<vmem>>
      %dma_start3A_1450 = arith.constant 0 : i32
      %dma_start3A_1451 = arith.constant 0 : i32
      %dma_start3A_1452 = tpu.memref_slice %arg10[%dma_start3A_1450, %dma_start3A_1451] : memref<10000x32xf32, #tpu.memory_space<vmem_shared>> -> memref<10000x32xf32, #tpu.memory_space<vmem_shared>>
      tpu.enqueue_indirect_dma source(%dma_start3A_1452 : memref<10000x32xf32, #tpu.memory_space<vmem_shared>>) target(%dma_start3A_1446 : memref<128x32xf32, #tpu.memory_space<vmem>>) offsets(%dma_start3A_1449 : memref<128xi32, #tpu.memory_space<vmem>>) semaphore(%arg16 : memref<!tpu.dma_semaphore, #tpu.memory_space<semaphore_mem>>)
      %mul3A_1453 = arith.constant 8 : i32
      %mul3A_1454 = arith.muli %scan3A_1075, %mul3A_1453 : i32
      %add3A_1455 = arith.constant 7 : i32
      %add3A_1456 = arith.addi %mul3A_1454, %add3A_1455 : i32
      %dma_wait3A_1457 = arith.constant 7 : i32
      %dma_wait3A_1458 = arith.constant 0 : i32
      %dma_wait3A_1459 = arith.constant 0 : i32
      %dma_wait3A_1460 = tpu.memref_slice %arg8[%dma_wait3A_1457, %dma_wait3A_1458, %dma_wait3A_1459] : memref<8x128x32xf32, #tpu.memory_space<vmem>> -> memref<1x128x32xf32, #tpu.memory_space<vmem>>
      %dma_wait3A_1461 = tpu.memref_squeeze %dma_wait3A_1460 : memref<1x128x32xf32, #tpu.memory_space<vmem>> -> memref<128x32xf32, #tpu.memory_space<vmem>>
      %dma_wait3A_1462 = arith.constant 0 : i32
      %dma_wait3A_1463 = tpu.memref_slice %arg6[%add3A_1456, %dma_wait3A_1462] : memref<79x128xi32, #tpu.memory_space<vmem>> -> memref<1x128xi32, #tpu.memory_space<vmem>>
      %dma_wait3A_1464 = tpu.memref_squeeze %dma_wait3A_1463 : memref<1x128xi32, #tpu.memory_space<vmem>> -> memref<128xi32, #tpu.memory_space<vmem>>
      %dma_wait3A_1465 = arith.constant 0 : i32
      %dma_wait3A_1466 = arith.constant 0 : i32
      %dma_wait3A_1467 = tpu.memref_slice %arg10[%dma_wait3A_1465, %dma_wait3A_1466] : memref<10000x32xf32, #tpu.memory_space<vmem_shared>> -> memref<10000x32xf32, #tpu.memory_space<vmem_shared>>
      tpu.wait_indirect_dma semaphore(%arg18 : memref<!tpu.dma_semaphore, #tpu.memory_space<semaphore_mem>>) src(%dma_wait3A_1467 : memref<10000x32xf32, #tpu.memory_space<vmem_shared>>) dst(%dma_wait3A_1461 : memref<128x32xf32, #tpu.memory_space<vmem>>)
      %dma_start3A_1468 = arith.constant 7 : i32
      %dma_start3A_1469 = arith.constant 0 : i32
      %dma_start3A_1470 = arith.constant 0 : i32
      %dma_start3A_1471 = tpu.memref_slice %arg8[%dma_start3A_1468, %dma_start3A_1469, %dma_start3A_1470] : memref<8x128x32xf32, #tpu.memory_space<vmem>> -> memref<1x128x32xf32, #tpu.memory_space<vmem>>
      %dma_start3A_1472 = tpu.memref_squeeze %dma_start3A_1471 : memref<1x128x32xf32, #tpu.memory_space<vmem>> -> memref<128x32xf32, #tpu.memory_space<vmem>>
      %dma_start3A_1473 = arith.constant 0 : i32
      %dma_start3A_1474 = tpu.memref_slice %arg7[%add3A_1456, %dma_start3A_1473] : memref<79x128xi32, #tpu.memory_space<vmem>> -> memref<1x128xi32, #tpu.memory_space<vmem>>
      %dma_start3A_1475 = tpu.memref_squeeze %dma_start3A_1474 : memref<1x128xi32, #tpu.memory_space<vmem>> -> memref<128xi32, #tpu.memory_space<vmem>>
      %dma_start3A_1476 = arith.constant 0 : i32
      %dma_start3A_1477 = arith.constant 0 : i32
      %dma_start3A_1478 = tpu.memref_slice %arg9[%dma_start3A_1476, %dma_start3A_1477] : memref<10000x32xf32, #tpu.memory_space<vmem_shared>> -> memref<10000x32xf32, #tpu.memory_space<vmem_shared>>
      tpu.enqueue_indirect_dma source(%dma_start3A_1472 : memref<128x32xf32, #tpu.memory_space<vmem>>) target(%dma_start3A_1478 : memref<10000x32xf32, #tpu.memory_space<vmem_shared>>) offsets(%dma_start3A_1475 : memref<128xi32, #tpu.memory_space<vmem>>) semaphore(%arg26 : memref<!tpu.dma_semaphore, #tpu.memory_space<semaphore_mem>>) {add = true}
      %sub3A_1479 = arith.constant 1 : i32
      %sub3A_1480 = arith.subi %add3A_1456, %sub3A_1479 : i32
      %dma_wait3A_1481 = arith.constant 6 : i32
      %dma_wait3A_1482 = arith.constant 0 : i32
      %dma_wait3A_1483 = arith.constant 0 : i32
      %dma_wait3A_1484 = tpu.memref_slice %arg8[%dma_wait3A_1481, %dma_wait3A_1482, %dma_wait3A_1483] : memref<8x128x32xf32, #tpu.memory_space<vmem>> -> memref<1x128x32xf32, #tpu.memory_space<vmem>>
      %dma_wait3A_1485 = tpu.memref_squeeze %dma_wait3A_1484 : memref<1x128x32xf32, #tpu.memory_space<vmem>> -> memref<128x32xf32, #tpu.memory_space<vmem>>
      %dma_wait3A_1486 = arith.constant 0 : i32
      %dma_wait3A_1487 = tpu.memref_slice %arg7[%sub3A_1480, %dma_wait3A_1486] : memref<79x128xi32, #tpu.memory_space<vmem>> -> memref<1x128xi32, #tpu.memory_space<vmem>>
      %dma_wait3A_1488 = tpu.memref_squeeze %dma_wait3A_1487 : memref<1x128xi32, #tpu.memory_space<vmem>> -> memref<128xi32, #tpu.memory_space<vmem>>
      %dma_wait3A_1489 = arith.constant 0 : i32
      %dma_wait3A_1490 = arith.constant 0 : i32
      %dma_wait3A_1491 = tpu.memref_slice %arg9[%dma_wait3A_1489, %dma_wait3A_1490] : memref<10000x32xf32, #tpu.memory_space<vmem_shared>> -> memref<10000x32xf32, #tpu.memory_space<vmem_shared>>
      tpu.wait_indirect_dma semaphore(%arg25 : memref<!tpu.dma_semaphore, #tpu.memory_space<semaphore_mem>>) src(%dma_wait3A_1485 : memref<128x32xf32, #tpu.memory_space<vmem>>) dst(%dma_wait3A_1491 : memref<10000x32xf32, #tpu.memory_space<vmem_shared>>)
      %add3A_1492 = arith.constant 8 : i32
      %add3A_1493 = arith.addi %add3A_1456, %add3A_1492 : i32
      %sub3A_1494 = arith.constant 1 : i32
      %sub3A_1495 = arith.subi %add3A_1493, %sub3A_1494 : i32
      %dma_start3A_1496 = arith.constant 6 : i32
      %dma_start3A_1497 = arith.constant 0 : i32
      %dma_start3A_1498 = arith.constant 0 : i32
      %dma_start3A_1499 = tpu.memref_slice %arg8[%dma_start3A_1496, %dma_start3A_1497, %dma_start3A_1498] : memref<8x128x32xf32, #tpu.memory_space<vmem>> -> memref<1x128x32xf32, #tpu.memory_space<vmem>>
      %dma_start3A_1500 = tpu.memref_squeeze %dma_start3A_1499 : memref<1x128x32xf32, #tpu.memory_space<vmem>> -> memref<128x32xf32, #tpu.memory_space<vmem>>
      %dma_start3A_1501 = arith.constant 0 : i32
      %dma_start3A_1502 = tpu.memref_slice %arg6[%sub3A_1495, %dma_start3A_1501] : memref<79x128xi32, #tpu.memory_space<vmem>> -> memref<1x128xi32, #tpu.memory_space<vmem>>
      %dma_start3A_1503 = tpu.memref_squeeze %dma_start3A_1502 : memref<1x128xi32, #tpu.memory_space<vmem>> -> memref<128xi32, #tpu.memory_space<vmem>>
      %dma_start3A_1504 = arith.constant 0 : i32
      %dma_start3A_1505 = arith.constant 0 : i32
      %dma_start3A_1506 = tpu.memref_slice %arg10[%dma_start3A_1504, %dma_start3A_1505] : memref<10000x32xf32, #tpu.memory_space<vmem_shared>> -> memref<10000x32xf32, #tpu.memory_space<vmem_shared>>
      tpu.enqueue_indirect_dma source(%dma_start3A_1506 : memref<10000x32xf32, #tpu.memory_space<vmem_shared>>) target(%dma_start3A_1500 : memref<128x32xf32, #tpu.memory_space<vmem>>) offsets(%dma_start3A_1503 : memref<128xi32, #tpu.memory_space<vmem>>) semaphore(%arg17 : memref<!tpu.dma_semaphore, #tpu.memory_space<semaphore_mem>>)
    }
    %scan3A_468 = arith.constant 7 : i32
    %dma_wait3A_469 = arith.constant 64 : i32
    %dma_wait3A_470 = arith.constant 0 : i32
    %dma_wait3A_471 = arith.constant 0 : i32
    %dma_wait3A_472 = arith.constant 0 : i32
    %dma_wait3A_473 = tpu.memref_slice %arg8[%dma_wait3A_470, %dma_wait3A_471, %dma_wait3A_472] : memref<8x128x32xf32, #tpu.memory_space<vmem>> -> memref<1x128x32xf32, #tpu.memory_space<vmem>>
    %dma_wait3A_474 = tpu.memref_squeeze %dma_wait3A_473 : memref<1x128x32xf32, #tpu.memory_space<vmem>> -> memref<128x32xf32, #tpu.memory_space<vmem>>
    %dma_wait3A_475 = arith.constant 0 : i32
    %dma_wait3A_476 = tpu.memref_slice %arg6[%dma_wait3A_469, %dma_wait3A_475] : memref<79x128xi32, #tpu.memory_space<vmem>> -> memref<1x128xi32, #tpu.memory_space<vmem>>
    %dma_wait3A_477 = tpu.memref_squeeze %dma_wait3A_476 : memref<1x128xi32, #tpu.memory_space<vmem>> -> memref<128xi32, #tpu.memory_space<vmem>>
    %dma_wait3A_478 = arith.constant 0 : i32
    %dma_wait3A_479 = arith.constant 0 : i32
    %dma_wait3A_480 = tpu.memref_slice %arg10[%dma_wait3A_478, %dma_wait3A_479] : memref<10000x32xf32, #tpu.memory_space<vmem_shared>> -> memref<10000x32xf32, #tpu.memory_space<vmem_shared>>
    tpu.wait_indirect_dma semaphore(%arg11 : memref<!tpu.dma_semaphore, #tpu.memory_space<semaphore_mem>>) src(%dma_wait3A_480 : memref<10000x32xf32, #tpu.memory_space<vmem_shared>>) dst(%dma_wait3A_474 : memref<128x32xf32, #tpu.memory_space<vmem>>)
    %dma_start3A_481 = arith.constant 0 : i32
    %dma_start3A_482 = arith.constant 64 : i32
    %dma_start3A_483 = arith.constant 0 : i32
    %dma_start3A_484 = arith.constant 0 : i32
    %dma_start3A_485 = tpu.memref_slice %arg8[%dma_start3A_481, %dma_start3A_483, %dma_start3A_484] : memref<8x128x32xf32, #tpu.memory_space<vmem>> -> memref<1x128x32xf32, #tpu.memory_space<vmem>>
    %dma_start3A_486 = tpu.memref_squeeze %dma_start3A_485 : memref<1x128x32xf32, #tpu.memory_space<vmem>> -> memref<128x32xf32, #tpu.memory_space<vmem>>
    %dma_start3A_487 = arith.constant 0 : i32
    %dma_start3A_488 = tpu.memref_slice %arg7[%dma_start3A_482, %dma_start3A_487] : memref<79x128xi32, #tpu.memory_space<vmem>> -> memref<1x128xi32, #tpu.memory_space<vmem>>
    %dma_start3A_489 = tpu.memref_squeeze %dma_start3A_488 : memref<1x128xi32, #tpu.memory_space<vmem>> -> memref<128xi32, #tpu.memory_space<vmem>>
    %dma_start3A_490 = arith.constant 0 : i32
    %dma_start3A_491 = arith.constant 0 : i32
    %dma_start3A_492 = tpu.memref_slice %arg9[%dma_start3A_490, %dma_start3A_491] : memref<10000x32xf32, #tpu.memory_space<vmem_shared>> -> memref<10000x32xf32, #tpu.memory_space<vmem_shared>>
    tpu.enqueue_indirect_dma source(%dma_start3A_486 : memref<128x32xf32, #tpu.memory_space<vmem>>) target(%dma_start3A_492 : memref<10000x32xf32, #tpu.memory_space<vmem_shared>>) offsets(%dma_start3A_489 : memref<128xi32, #tpu.memory_space<vmem>>) semaphore(%arg19 : memref<!tpu.dma_semaphore, #tpu.memory_space<semaphore_mem>>) {add = true}
    %dma_wait3A_493 = arith.constant 7 : i32
    %dma_wait3A_494 = arith.constant 63 : i32
    %dma_wait3A_495 = arith.constant 0 : i32
    %dma_wait3A_496 = arith.constant 0 : i32
    %dma_wait3A_497 = tpu.memref_slice %arg8[%dma_wait3A_493, %dma_wait3A_495, %dma_wait3A_496] : memref<8x128x32xf32, #tpu.memory_space<vmem>> -> memref<1x128x32xf32, #tpu.memory_space<vmem>>
    %dma_wait3A_498 = tpu.memref_squeeze %dma_wait3A_497 : memref<1x128x32xf32, #tpu.memory_space<vmem>> -> memref<128x32xf32, #tpu.memory_space<vmem>>
    %dma_wait3A_499 = arith.constant 0 : i32
    %dma_wait3A_500 = tpu.memref_slice %arg7[%dma_wait3A_494, %dma_wait3A_499] : memref<79x128xi32, #tpu.memory_space<vmem>> -> memref<1x128xi32, #tpu.memory_space<vmem>>
    %dma_wait3A_501 = tpu.memref_squeeze %dma_wait3A_500 : memref<1x128xi32, #tpu.memory_space<vmem>> -> memref<128xi32, #tpu.memory_space<vmem>>
    %dma_wait3A_502 = arith.constant 0 : i32
    %dma_wait3A_503 = arith.constant 0 : i32
    %dma_wait3A_504 = tpu.memref_slice %arg9[%dma_wait3A_502, %dma_wait3A_503] : memref<10000x32xf32, #tpu.memory_space<vmem_shared>> -> memref<10000x32xf32, #tpu.memory_space<vmem_shared>>
    tpu.wait_indirect_dma semaphore(%arg26 : memref<!tpu.dma_semaphore, #tpu.memory_space<semaphore_mem>>) src(%dma_wait3A_498 : memref<128x32xf32, #tpu.memory_space<vmem>>) dst(%dma_wait3A_504 : memref<10000x32xf32, #tpu.memory_space<vmem_shared>>)
    %dma_start3A_505 = arith.constant 71 : i32
    %dma_start3A_506 = arith.constant 7 : i32
    %dma_start3A_507 = arith.constant 0 : i32
    %dma_start3A_508 = arith.constant 0 : i32
    %dma_start3A_509 = tpu.memref_slice %arg8[%dma_start3A_506, %dma_start3A_507, %dma_start3A_508] : memref<8x128x32xf32, #tpu.memory_space<vmem>> -> memref<1x128x32xf32, #tpu.memory_space<vmem>>
    %dma_start3A_510 = tpu.memref_squeeze %dma_start3A_509 : memref<1x128x32xf32, #tpu.memory_space<vmem>> -> memref<128x32xf32, #tpu.memory_space<vmem>>
    %dma_start3A_511 = arith.constant 0 : i32
    %dma_start3A_512 = tpu.memref_slice %arg6[%dma_start3A_505, %dma_start3A_511] : memref<79x128xi32, #tpu.memory_space<vmem>> -> memref<1x128xi32, #tpu.memory_space<vmem>>
    %dma_start3A_513 = tpu.memref_squeeze %dma_start3A_512 : memref<1x128xi32, #tpu.memory_space<vmem>> -> memref<128xi32, #tpu.memory_space<vmem>>
    %dma_start3A_514 = arith.constant 0 : i32
    %dma_start3A_515 = arith.constant 0 : i32
    %dma_start3A_516 = tpu.memref_slice %arg10[%dma_start3A_514, %dma_start3A_515] : memref<10000x32xf32, #tpu.memory_space<vmem_shared>> -> memref<10000x32xf32, #tpu.memory_space<vmem_shared>>
    tpu.enqueue_indirect_dma source(%dma_start3A_516 : memref<10000x32xf32, #tpu.memory_space<vmem_shared>>) target(%dma_start3A_510 : memref<128x32xf32, #tpu.memory_space<vmem>>) offsets(%dma_start3A_513 : memref<128xi32, #tpu.memory_space<vmem>>) semaphore(%arg18 : memref<!tpu.dma_semaphore, #tpu.memory_space<semaphore_mem>>)
    %dma_wait3A_517 = arith.constant 65 : i32
    %dma_wait3A_518 = arith.constant 1 : i32
    %dma_wait3A_519 = arith.constant 0 : i32
    %dma_wait3A_520 = arith.constant 0 : i32
    %dma_wait3A_521 = tpu.memref_slice %arg8[%dma_wait3A_518, %dma_wait3A_519, %dma_wait3A_520] : memref<8x128x32xf32, #tpu.memory_space<vmem>> -> memref<1x128x32xf32, #tpu.memory_space<vmem>>
    %dma_wait3A_522 = tpu.memref_squeeze %dma_wait3A_521 : memref<1x128x32xf32, #tpu.memory_space<vmem>> -> memref<128x32xf32, #tpu.memory_space<vmem>>
    %dma_wait3A_523 = arith.constant 0 : i32
    %dma_wait3A_524 = tpu.memref_slice %arg6[%dma_wait3A_517, %dma_wait3A_523] : memref<79x128xi32, #tpu.memory_space<vmem>> -> memref<1x128xi32, #tpu.memory_space<vmem>>
    %dma_wait3A_525 = tpu.memref_squeeze %dma_wait3A_524 : memref<1x128xi32, #tpu.memory_space<vmem>> -> memref<128xi32, #tpu.memory_space<vmem>>
    %dma_wait3A_526 = arith.constant 0 : i32
    %dma_wait3A_527 = arith.constant 0 : i32
    %dma_wait3A_528 = tpu.memref_slice %arg10[%dma_wait3A_526, %dma_wait3A_527] : memref<10000x32xf32, #tpu.memory_space<vmem_shared>> -> memref<10000x32xf32, #tpu.memory_space<vmem_shared>>
    tpu.wait_indirect_dma semaphore(%arg12 : memref<!tpu.dma_semaphore, #tpu.memory_space<semaphore_mem>>) src(%dma_wait3A_528 : memref<10000x32xf32, #tpu.memory_space<vmem_shared>>) dst(%dma_wait3A_522 : memref<128x32xf32, #tpu.memory_space<vmem>>)
    %dma_start3A_529 = arith.constant 1 : i32
    %dma_start3A_530 = arith.constant 65 : i32
    %dma_start3A_531 = arith.constant 0 : i32
    %dma_start3A_532 = arith.constant 0 : i32
    %dma_start3A_533 = tpu.memref_slice %arg8[%dma_start3A_529, %dma_start3A_531, %dma_start3A_532] : memref<8x128x32xf32, #tpu.memory_space<vmem>> -> memref<1x128x32xf32, #tpu.memory_space<vmem>>
    %dma_start3A_534 = tpu.memref_squeeze %dma_start3A_533 : memref<1x128x32xf32, #tpu.memory_space<vmem>> -> memref<128x32xf32, #tpu.memory_space<vmem>>
    %dma_start3A_535 = arith.constant 0 : i32
    %dma_start3A_536 = tpu.memref_slice %arg7[%dma_start3A_530, %dma_start3A_535] : memref<79x128xi32, #tpu.memory_space<vmem>> -> memref<1x128xi32, #tpu.memory_space<vmem>>
    %dma_start3A_537 = tpu.memref_squeeze %dma_start3A_536 : memref<1x128xi32, #tpu.memory_space<vmem>> -> memref<128xi32, #tpu.memory_space<vmem>>
    %dma_start3A_538 = arith.constant 0 : i32
    %dma_start3A_539 = arith.constant 0 : i32
    %dma_start3A_540 = tpu.memref_slice %arg9[%dma_start3A_538, %dma_start3A_539] : memref<10000x32xf32, #tpu.memory_space<vmem_shared>> -> memref<10000x32xf32, #tpu.memory_space<vmem_shared>>
    tpu.enqueue_indirect_dma source(%dma_start3A_534 : memref<128x32xf32, #tpu.memory_space<vmem>>) target(%dma_start3A_540 : memref<10000x32xf32, #tpu.memory_space<vmem_shared>>) offsets(%dma_start3A_537 : memref<128xi32, #tpu.memory_space<vmem>>) semaphore(%arg20 : memref<!tpu.dma_semaphore, #tpu.memory_space<semaphore_mem>>) {add = true}
    %dma_wait3A_541 = arith.constant 0 : i32
    %dma_wait3A_542 = arith.constant 64 : i32
    %dma_wait3A_543 = arith.constant 0 : i32
    %dma_wait3A_544 = arith.constant 0 : i32
    %dma_wait3A_545 = tpu.memref_slice %arg8[%dma_wait3A_541, %dma_wait3A_543, %dma_wait3A_544] : memref<8x128x32xf32, #tpu.memory_space<vmem>> -> memref<1x128x32xf32, #tpu.memory_space<vmem>>
    %dma_wait3A_546 = tpu.memref_squeeze %dma_wait3A_545 : memref<1x128x32xf32, #tpu.memory_space<vmem>> -> memref<128x32xf32, #tpu.memory_space<vmem>>
    %dma_wait3A_547 = arith.constant 0 : i32
    %dma_wait3A_548 = tpu.memref_slice %arg7[%dma_wait3A_542, %dma_wait3A_547] : memref<79x128xi32, #tpu.memory_space<vmem>> -> memref<1x128xi32, #tpu.memory_space<vmem>>
    %dma_wait3A_549 = tpu.memref_squeeze %dma_wait3A_548 : memref<1x128xi32, #tpu.memory_space<vmem>> -> memref<128xi32, #tpu.memory_space<vmem>>
    %dma_wait3A_550 = arith.constant 0 : i32
    %dma_wait3A_551 = arith.constant 0 : i32
    %dma_wait3A_552 = tpu.memref_slice %arg9[%dma_wait3A_550, %dma_wait3A_551] : memref<10000x32xf32, #tpu.memory_space<vmem_shared>> -> memref<10000x32xf32, #tpu.memory_space<vmem_shared>>
    tpu.wait_indirect_dma semaphore(%arg19 : memref<!tpu.dma_semaphore, #tpu.memory_space<semaphore_mem>>) src(%dma_wait3A_546 : memref<128x32xf32, #tpu.memory_space<vmem>>) dst(%dma_wait3A_552 : memref<10000x32xf32, #tpu.memory_space<vmem_shared>>)
    %dma_start3A_553 = arith.constant 72 : i32
    %dma_start3A_554 = arith.constant 0 : i32
    %dma_start3A_555 = arith.constant 0 : i32
    %dma_start3A_556 = arith.constant 0 : i32
    %dma_start3A_557 = tpu.memref_slice %arg8[%dma_start3A_554, %dma_start3A_555, %dma_start3A_556] : memref<8x128x32xf32, #tpu.memory_space<vmem>> -> memref<1x128x32xf32, #tpu.memory_space<vmem>>
    %dma_start3A_558 = tpu.memref_squeeze %dma_start3A_557 : memref<1x128x32xf32, #tpu.memory_space<vmem>> -> memref<128x32xf32, #tpu.memory_space<vmem>>
    %dma_start3A_559 = arith.constant 0 : i32
    %dma_start3A_560 = tpu.memref_slice %arg6[%dma_start3A_553, %dma_start3A_559] : memref<79x128xi32, #tpu.memory_space<vmem>> -> memref<1x128xi32, #tpu.memory_space<vmem>>
    %dma_start3A_561 = tpu.memref_squeeze %dma_start3A_560 : memref<1x128xi32, #tpu.memory_space<vmem>> -> memref<128xi32, #tpu.memory_space<vmem>>
    %dma_start3A_562 = arith.constant 0 : i32
    %dma_start3A_563 = arith.constant 0 : i32
    %dma_start3A_564 = tpu.memref_slice %arg10[%dma_start3A_562, %dma_start3A_563] : memref<10000x32xf32, #tpu.memory_space<vmem_shared>> -> memref<10000x32xf32, #tpu.memory_space<vmem_shared>>
    tpu.enqueue_indirect_dma source(%dma_start3A_564 : memref<10000x32xf32, #tpu.memory_space<vmem_shared>>) target(%dma_start3A_558 : memref<128x32xf32, #tpu.memory_space<vmem>>) offsets(%dma_start3A_561 : memref<128xi32, #tpu.memory_space<vmem>>) semaphore(%arg11 : memref<!tpu.dma_semaphore, #tpu.memory_space<semaphore_mem>>)
    %dma_wait3A_565 = arith.constant 66 : i32
    %dma_wait3A_566 = arith.constant 2 : i32
    %dma_wait3A_567 = arith.constant 0 : i32
    %dma_wait3A_568 = arith.constant 0 : i32
    %dma_wait3A_569 = tpu.memref_slice %arg8[%dma_wait3A_566, %dma_wait3A_567, %dma_wait3A_568] : memref<8x128x32xf32, #tpu.memory_space<vmem>> -> memref<1x128x32xf32, #tpu.memory_space<vmem>>
    %dma_wait3A_570 = tpu.memref_squeeze %dma_wait3A_569 : memref<1x128x32xf32, #tpu.memory_space<vmem>> -> memref<128x32xf32, #tpu.memory_space<vmem>>
    %dma_wait3A_571 = arith.constant 0 : i32
    %dma_wait3A_572 = tpu.memref_slice %arg6[%dma_wait3A_565, %dma_wait3A_571] : memref<79x128xi32, #tpu.memory_space<vmem>> -> memref<1x128xi32, #tpu.memory_space<vmem>>
    %dma_wait3A_573 = tpu.memref_squeeze %dma_wait3A_572 : memref<1x128xi32, #tpu.memory_space<vmem>> -> memref<128xi32, #tpu.memory_space<vmem>>
    %dma_wait3A_574 = arith.constant 0 : i32
    %dma_wait3A_575 = arith.constant 0 : i32
    %dma_wait3A_576 = tpu.memref_slice %arg10[%dma_wait3A_574, %dma_wait3A_575] : memref<10000x32xf32, #tpu.memory_space<vmem_shared>> -> memref<10000x32xf32, #tpu.memory_space<vmem_shared>>
    tpu.wait_indirect_dma semaphore(%arg13 : memref<!tpu.dma_semaphore, #tpu.memory_space<semaphore_mem>>) src(%dma_wait3A_576 : memref<10000x32xf32, #tpu.memory_space<vmem_shared>>) dst(%dma_wait3A_570 : memref<128x32xf32, #tpu.memory_space<vmem>>)
    %dma_start3A_577 = arith.constant 2 : i32
    %dma_start3A_578 = arith.constant 66 : i32
    %dma_start3A_579 = arith.constant 0 : i32
    %dma_start3A_580 = arith.constant 0 : i32
    %dma_start3A_581 = tpu.memref_slice %arg8[%dma_start3A_577, %dma_start3A_579, %dma_start3A_580] : memref<8x128x32xf32, #tpu.memory_space<vmem>> -> memref<1x128x32xf32, #tpu.memory_space<vmem>>
    %dma_start3A_582 = tpu.memref_squeeze %dma_start3A_581 : memref<1x128x32xf32, #tpu.memory_space<vmem>> -> memref<128x32xf32, #tpu.memory_space<vmem>>
    %dma_start3A_583 = arith.constant 0 : i32
    %dma_start3A_584 = tpu.memref_slice %arg7[%dma_start3A_578, %dma_start3A_583] : memref<79x128xi32, #tpu.memory_space<vmem>> -> memref<1x128xi32, #tpu.memory_space<vmem>>
    %dma_start3A_585 = tpu.memref_squeeze %dma_start3A_584 : memref<1x128xi32, #tpu.memory_space<vmem>> -> memref<128xi32, #tpu.memory_space<vmem>>
    %dma_start3A_586 = arith.constant 0 : i32
    %dma_start3A_587 = arith.constant 0 : i32
    %dma_start3A_588 = tpu.memref_slice %arg9[%dma_start3A_586, %dma_start3A_587] : memref<10000x32xf32, #tpu.memory_space<vmem_shared>> -> memref<10000x32xf32, #tpu.memory_space<vmem_shared>>
    tpu.enqueue_indirect_dma source(%dma_start3A_582 : memref<128x32xf32, #tpu.memory_space<vmem>>) target(%dma_start3A_588 : memref<10000x32xf32, #tpu.memory_space<vmem_shared>>) offsets(%dma_start3A_585 : memref<128xi32, #tpu.memory_space<vmem>>) semaphore(%arg21 : memref<!tpu.dma_semaphore, #tpu.memory_space<semaphore_mem>>) {add = true}
    %dma_wait3A_589 = arith.constant 1 : i32
    %dma_wait3A_590 = arith.constant 65 : i32
    %dma_wait3A_591 = arith.constant 0 : i32
    %dma_wait3A_592 = arith.constant 0 : i32
    %dma_wait3A_593 = tpu.memref_slice %arg8[%dma_wait3A_589, %dma_wait3A_591, %dma_wait3A_592] : memref<8x128x32xf32, #tpu.memory_space<vmem>> -> memref<1x128x32xf32, #tpu.memory_space<vmem>>
    %dma_wait3A_594 = tpu.memref_squeeze %dma_wait3A_593 : memref<1x128x32xf32, #tpu.memory_space<vmem>> -> memref<128x32xf32, #tpu.memory_space<vmem>>
    %dma_wait3A_595 = arith.constant 0 : i32
    %dma_wait3A_596 = tpu.memref_slice %arg7[%dma_wait3A_590, %dma_wait3A_595] : memref<79x128xi32, #tpu.memory_space<vmem>> -> memref<1x128xi32, #tpu.memory_space<vmem>>
    %dma_wait3A_597 = tpu.memref_squeeze %dma_wait3A_596 : memref<1x128xi32, #tpu.memory_space<vmem>> -> memref<128xi32, #tpu.memory_space<vmem>>
    %dma_wait3A_598 = arith.constant 0 : i32
    %dma_wait3A_599 = arith.constant 0 : i32
    %dma_wait3A_600 = tpu.memref_slice %arg9[%dma_wait3A_598, %dma_wait3A_599] : memref<10000x32xf32, #tpu.memory_space<vmem_shared>> -> memref<10000x32xf32, #tpu.memory_space<vmem_shared>>
    tpu.wait_indirect_dma semaphore(%arg20 : memref<!tpu.dma_semaphore, #tpu.memory_space<semaphore_mem>>) src(%dma_wait3A_594 : memref<128x32xf32, #tpu.memory_space<vmem>>) dst(%dma_wait3A_600 : memref<10000x32xf32, #tpu.memory_space<vmem_shared>>)
    %dma_start3A_601 = arith.constant 73 : i32
    %dma_start3A_602 = arith.constant 1 : i32
    %dma_start3A_603 = arith.constant 0 : i32
    %dma_start3A_604 = arith.constant 0 : i32
    %dma_start3A_605 = tpu.memref_slice %arg8[%dma_start3A_602, %dma_start3A_603, %dma_start3A_604] : memref<8x128x32xf32, #tpu.memory_space<vmem>> -> memref<1x128x32xf32, #tpu.memory_space<vmem>>
    %dma_start3A_606 = tpu.memref_squeeze %dma_start3A_605 : memref<1x128x32xf32, #tpu.memory_space<vmem>> -> memref<128x32xf32, #tpu.memory_space<vmem>>
    %dma_start3A_607 = arith.constant 0 : i32
    %dma_start3A_608 = tpu.memref_slice %arg6[%dma_start3A_601, %dma_start3A_607] : memref<79x128xi32, #tpu.memory_space<vmem>> -> memref<1x128xi32, #tpu.memory_space<vmem>>
    %dma_start3A_609 = tpu.memref_squeeze %dma_start3A_608 : memref<1x128xi32, #tpu.memory_space<vmem>> -> memref<128xi32, #tpu.memory_space<vmem>>
    %dma_start3A_610 = arith.constant 0 : i32
    %dma_start3A_611 = arith.constant 0 : i32
    %dma_start3A_612 = tpu.memref_slice %arg10[%dma_start3A_610, %dma_start3A_611] : memref<10000x32xf32, #tpu.memory_space<vmem_shared>> -> memref<10000x32xf32, #tpu.memory_space<vmem_shared>>
    tpu.enqueue_indirect_dma source(%dma_start3A_612 : memref<10000x32xf32, #tpu.memory_space<vmem_shared>>) target(%dma_start3A_606 : memref<128x32xf32, #tpu.memory_space<vmem>>) offsets(%dma_start3A_609 : memref<128xi32, #tpu.memory_space<vmem>>) semaphore(%arg12 : memref<!tpu.dma_semaphore, #tpu.memory_space<semaphore_mem>>)
    %dma_wait3A_613 = arith.constant 67 : i32
    %dma_wait3A_614 = arith.constant 3 : i32
    %dma_wait3A_615 = arith.constant 0 : i32
    %dma_wait3A_616 = arith.constant 0 : i32
    %dma_wait3A_617 = tpu.memref_slice %arg8[%dma_wait3A_614, %dma_wait3A_615, %dma_wait3A_616] : memref<8x128x32xf32, #tpu.memory_space<vmem>> -> memref<1x128x32xf32, #tpu.memory_space<vmem>>
    %dma_wait3A_618 = tpu.memref_squeeze %dma_wait3A_617 : memref<1x128x32xf32, #tpu.memory_space<vmem>> -> memref<128x32xf32, #tpu.memory_space<vmem>>
    %dma_wait3A_619 = arith.constant 0 : i32
    %dma_wait3A_620 = tpu.memref_slice %arg6[%dma_wait3A_613, %dma_wait3A_619] : memref<79x128xi32, #tpu.memory_space<vmem>> -> memref<1x128xi32, #tpu.memory_space<vmem>>
    %dma_wait3A_621 = tpu.memref_squeeze %dma_wait3A_620 : memref<1x128xi32, #tpu.memory_space<vmem>> -> memref<128xi32, #tpu.memory_space<vmem>>
    %dma_wait3A_622 = arith.constant 0 : i32
    %dma_wait3A_623 = arith.constant 0 : i32
    %dma_wait3A_624 = tpu.memref_slice %arg10[%dma_wait3A_622, %dma_wait3A_623] : memref<10000x32xf32, #tpu.memory_space<vmem_shared>> -> memref<10000x32xf32, #tpu.memory_space<vmem_shared>>
    tpu.wait_indirect_dma semaphore(%arg14 : memref<!tpu.dma_semaphore, #tpu.memory_space<semaphore_mem>>) src(%dma_wait3A_624 : memref<10000x32xf32, #tpu.memory_space<vmem_shared>>) dst(%dma_wait3A_618 : memref<128x32xf32, #tpu.memory_space<vmem>>)
    %dma_start3A_625 = arith.constant 3 : i32
    %dma_start3A_626 = arith.constant 67 : i32
    %dma_start3A_627 = arith.constant 0 : i32
    %dma_start3A_628 = arith.constant 0 : i32
    %dma_start3A_629 = tpu.memref_slice %arg8[%dma_start3A_625, %dma_start3A_627, %dma_start3A_628] : memref<8x128x32xf32, #tpu.memory_space<vmem>> -> memref<1x128x32xf32, #tpu.memory_space<vmem>>
    %dma_start3A_630 = tpu.memref_squeeze %dma_start3A_629 : memref<1x128x32xf32, #tpu.memory_space<vmem>> -> memref<128x32xf32, #tpu.memory_space<vmem>>
    %dma_start3A_631 = arith.constant 0 : i32
    %dma_start3A_632 = tpu.memref_slice %arg7[%dma_start3A_626, %dma_start3A_631] : memref<79x128xi32, #tpu.memory_space<vmem>> -> memref<1x128xi32, #tpu.memory_space<vmem>>
    %dma_start3A_633 = tpu.memref_squeeze %dma_start3A_632 : memref<1x128xi32, #tpu.memory_space<vmem>> -> memref<128xi32, #tpu.memory_space<vmem>>
    %dma_start3A_634 = arith.constant 0 : i32
    %dma_start3A_635 = arith.constant 0 : i32
    %dma_start3A_636 = tpu.memref_slice %arg9[%dma_start3A_634, %dma_start3A_635] : memref<10000x32xf32, #tpu.memory_space<vmem_shared>> -> memref<10000x32xf32, #tpu.memory_space<vmem_shared>>
    tpu.enqueue_indirect_dma source(%dma_start3A_630 : memref<128x32xf32, #tpu.memory_space<vmem>>) target(%dma_start3A_636 : memref<10000x32xf32, #tpu.memory_space<vmem_shared>>) offsets(%dma_start3A_633 : memref<128xi32, #tpu.memory_space<vmem>>) semaphore(%arg22 : memref<!tpu.dma_semaphore, #tpu.memory_space<semaphore_mem>>) {add = true}
    %dma_wait3A_637 = arith.constant 2 : i32
    %dma_wait3A_638 = arith.constant 66 : i32
    %dma_wait3A_639 = arith.constant 0 : i32
    %dma_wait3A_640 = arith.constant 0 : i32
    %dma_wait3A_641 = tpu.memref_slice %arg8[%dma_wait3A_637, %dma_wait3A_639, %dma_wait3A_640] : memref<8x128x32xf32, #tpu.memory_space<vmem>> -> memref<1x128x32xf32, #tpu.memory_space<vmem>>
    %dma_wait3A_642 = tpu.memref_squeeze %dma_wait3A_641 : memref<1x128x32xf32, #tpu.memory_space<vmem>> -> memref<128x32xf32, #tpu.memory_space<vmem>>
    %dma_wait3A_643 = arith.constant 0 : i32
    %dma_wait3A_644 = tpu.memref_slice %arg7[%dma_wait3A_638, %dma_wait3A_643] : memref<79x128xi32, #tpu.memory_space<vmem>> -> memref<1x128xi32, #tpu.memory_space<vmem>>
    %dma_wait3A_645 = tpu.memref_squeeze %dma_wait3A_644 : memref<1x128xi32, #tpu.memory_space<vmem>> -> memref<128xi32, #tpu.memory_space<vmem>>
    %dma_wait3A_646 = arith.constant 0 : i32
    %dma_wait3A_647 = arith.constant 0 : i32
    %dma_wait3A_648 = tpu.memref_slice %arg9[%dma_wait3A_646, %dma_wait3A_647] : memref<10000x32xf32, #tpu.memory_space<vmem_shared>> -> memref<10000x32xf32, #tpu.memory_space<vmem_shared>>
    tpu.wait_indirect_dma semaphore(%arg21 : memref<!tpu.dma_semaphore, #tpu.memory_space<semaphore_mem>>) src(%dma_wait3A_642 : memref<128x32xf32, #tpu.memory_space<vmem>>) dst(%dma_wait3A_648 : memref<10000x32xf32, #tpu.memory_space<vmem_shared>>)
    %dma_start3A_649 = arith.constant 74 : i32
    %dma_start3A_650 = arith.constant 2 : i32
    %dma_start3A_651 = arith.constant 0 : i32
    %dma_start3A_652 = arith.constant 0 : i32
    %dma_start3A_653 = tpu.memref_slice %arg8[%dma_start3A_650, %dma_start3A_651, %dma_start3A_652] : memref<8x128x32xf32, #tpu.memory_space<vmem>> -> memref<1x128x32xf32, #tpu.memory_space<vmem>>
    %dma_start3A_654 = tpu.memref_squeeze %dma_start3A_653 : memref<1x128x32xf32, #tpu.memory_space<vmem>> -> memref<128x32xf32, #tpu.memory_space<vmem>>
    %dma_start3A_655 = arith.constant 0 : i32
    %dma_start3A_656 = tpu.memref_slice %arg6[%dma_start3A_649, %dma_start3A_655] : memref<79x128xi32, #tpu.memory_space<vmem>> -> memref<1x128xi32, #tpu.memory_space<vmem>>
    %dma_start3A_657 = tpu.memref_squeeze %dma_start3A_656 : memref<1x128xi32, #tpu.memory_space<vmem>> -> memref<128xi32, #tpu.memory_space<vmem>>
    %dma_start3A_658 = arith.constant 0 : i32
    %dma_start3A_659 = arith.constant 0 : i32
    %dma_start3A_660 = tpu.memref_slice %arg10[%dma_start3A_658, %dma_start3A_659] : memref<10000x32xf32, #tpu.memory_space<vmem_shared>> -> memref<10000x32xf32, #tpu.memory_space<vmem_shared>>
    tpu.enqueue_indirect_dma source(%dma_start3A_660 : memref<10000x32xf32, #tpu.memory_space<vmem_shared>>) target(%dma_start3A_654 : memref<128x32xf32, #tpu.memory_space<vmem>>) offsets(%dma_start3A_657 : memref<128xi32, #tpu.memory_space<vmem>>) semaphore(%arg13 : memref<!tpu.dma_semaphore, #tpu.memory_space<semaphore_mem>>)
    %dma_wait3A_661 = arith.constant 68 : i32
    %dma_wait3A_662 = arith.constant 4 : i32
    %dma_wait3A_663 = arith.constant 0 : i32
    %dma_wait3A_664 = arith.constant 0 : i32
    %dma_wait3A_665 = tpu.memref_slice %arg8[%dma_wait3A_662, %dma_wait3A_663, %dma_wait3A_664] : memref<8x128x32xf32, #tpu.memory_space<vmem>> -> memref<1x128x32xf32, #tpu.memory_space<vmem>>
    %dma_wait3A_666 = tpu.memref_squeeze %dma_wait3A_665 : memref<1x128x32xf32, #tpu.memory_space<vmem>> -> memref<128x32xf32, #tpu.memory_space<vmem>>
    %dma_wait3A_667 = arith.constant 0 : i32
    %dma_wait3A_668 = tpu.memref_slice %arg6[%dma_wait3A_661, %dma_wait3A_667] : memref<79x128xi32, #tpu.memory_space<vmem>> -> memref<1x128xi32, #tpu.memory_space<vmem>>
    %dma_wait3A_669 = tpu.memref_squeeze %dma_wait3A_668 : memref<1x128xi32, #tpu.memory_space<vmem>> -> memref<128xi32, #tpu.memory_space<vmem>>
    %dma_wait3A_670 = arith.constant 0 : i32
    %dma_wait3A_671 = arith.constant 0 : i32
    %dma_wait3A_672 = tpu.memref_slice %arg10[%dma_wait3A_670, %dma_wait3A_671] : memref<10000x32xf32, #tpu.memory_space<vmem_shared>> -> memref<10000x32xf32, #tpu.memory_space<vmem_shared>>
    tpu.wait_indirect_dma semaphore(%arg15 : memref<!tpu.dma_semaphore, #tpu.memory_space<semaphore_mem>>) src(%dma_wait3A_672 : memref<10000x32xf32, #tpu.memory_space<vmem_shared>>) dst(%dma_wait3A_666 : memref<128x32xf32, #tpu.memory_space<vmem>>)
    %dma_start3A_673 = arith.constant 4 : i32
    %dma_start3A_674 = arith.constant 68 : i32
    %dma_start3A_675 = arith.constant 0 : i32
    %dma_start3A_676 = arith.constant 0 : i32
    %dma_start3A_677 = tpu.memref_slice %arg8[%dma_start3A_673, %dma_start3A_675, %dma_start3A_676] : memref<8x128x32xf32, #tpu.memory_space<vmem>> -> memref<1x128x32xf32, #tpu.memory_space<vmem>>
    %dma_start3A_678 = tpu.memref_squeeze %dma_start3A_677 : memref<1x128x32xf32, #tpu.memory_space<vmem>> -> memref<128x32xf32, #tpu.memory_space<vmem>>
    %dma_start3A_679 = arith.constant 0 : i32
    %dma_start3A_680 = tpu.memref_slice %arg7[%dma_start3A_674, %dma_start3A_679] : memref<79x128xi32, #tpu.memory_space<vmem>> -> memref<1x128xi32, #tpu.memory_space<vmem>>
    %dma_start3A_681 = tpu.memref_squeeze %dma_start3A_680 : memref<1x128xi32, #tpu.memory_space<vmem>> -> memref<128xi32, #tpu.memory_space<vmem>>
    %dma_start3A_682 = arith.constant 0 : i32
    %dma_start3A_683 = arith.constant 0 : i32
    %dma_start3A_684 = tpu.memref_slice %arg9[%dma_start3A_682, %dma_start3A_683] : memref<10000x32xf32, #tpu.memory_space<vmem_shared>> -> memref<10000x32xf32, #tpu.memory_space<vmem_shared>>
    tpu.enqueue_indirect_dma source(%dma_start3A_678 : memref<128x32xf32, #tpu.memory_space<vmem>>) target(%dma_start3A_684 : memref<10000x32xf32, #tpu.memory_space<vmem_shared>>) offsets(%dma_start3A_681 : memref<128xi32, #tpu.memory_space<vmem>>) semaphore(%arg23 : memref<!tpu.dma_semaphore, #tpu.memory_space<semaphore_mem>>) {add = true}
    %dma_wait3A_685 = arith.constant 3 : i32
    %dma_wait3A_686 = arith.constant 67 : i32
    %dma_wait3A_687 = arith.constant 0 : i32
    %dma_wait3A_688 = arith.constant 0 : i32
    %dma_wait3A_689 = tpu.memref_slice %arg8[%dma_wait3A_685, %dma_wait3A_687, %dma_wait3A_688] : memref<8x128x32xf32, #tpu.memory_space<vmem>> -> memref<1x128x32xf32, #tpu.memory_space<vmem>>
    %dma_wait3A_690 = tpu.memref_squeeze %dma_wait3A_689 : memref<1x128x32xf32, #tpu.memory_space<vmem>> -> memref<128x32xf32, #tpu.memory_space<vmem>>
    %dma_wait3A_691 = arith.constant 0 : i32
    %dma_wait3A_692 = tpu.memref_slice %arg7[%dma_wait3A_686, %dma_wait3A_691] : memref<79x128xi32, #tpu.memory_space<vmem>> -> memref<1x128xi32, #tpu.memory_space<vmem>>
    %dma_wait3A_693 = tpu.memref_squeeze %dma_wait3A_692 : memref<1x128xi32, #tpu.memory_space<vmem>> -> memref<128xi32, #tpu.memory_space<vmem>>
    %dma_wait3A_694 = arith.constant 0 : i32
    %dma_wait3A_695 = arith.constant 0 : i32
    %dma_wait3A_696 = tpu.memref_slice %arg9[%dma_wait3A_694, %dma_wait3A_695] : memref<10000x32xf32, #tpu.memory_space<vmem_shared>> -> memref<10000x32xf32, #tpu.memory_space<vmem_shared>>
    tpu.wait_indirect_dma semaphore(%arg22 : memref<!tpu.dma_semaphore, #tpu.memory_space<semaphore_mem>>) src(%dma_wait3A_690 : memref<128x32xf32, #tpu.memory_space<vmem>>) dst(%dma_wait3A_696 : memref<10000x32xf32, #tpu.memory_space<vmem_shared>>)
    %dma_start3A_697 = arith.constant 75 : i32
    %dma_start3A_698 = arith.constant 3 : i32
    %dma_start3A_699 = arith.constant 0 : i32
    %dma_start3A_700 = arith.constant 0 : i32
    %dma_start3A_701 = tpu.memref_slice %arg8[%dma_start3A_698, %dma_start3A_699, %dma_start3A_700] : memref<8x128x32xf32, #tpu.memory_space<vmem>> -> memref<1x128x32xf32, #tpu.memory_space<vmem>>
    %dma_start3A_702 = tpu.memref_squeeze %dma_start3A_701 : memref<1x128x32xf32, #tpu.memory_space<vmem>> -> memref<128x32xf32, #tpu.memory_space<vmem>>
    %dma_start3A_703 = arith.constant 0 : i32
    %dma_start3A_704 = tpu.memref_slice %arg6[%dma_start3A_697, %dma_start3A_703] : memref<79x128xi32, #tpu.memory_space<vmem>> -> memref<1x128xi32, #tpu.memory_space<vmem>>
    %dma_start3A_705 = tpu.memref_squeeze %dma_start3A_704 : memref<1x128xi32, #tpu.memory_space<vmem>> -> memref<128xi32, #tpu.memory_space<vmem>>
    %dma_start3A_706 = arith.constant 0 : i32
    %dma_start3A_707 = arith.constant 0 : i32
    %dma_start3A_708 = tpu.memref_slice %arg10[%dma_start3A_706, %dma_start3A_707] : memref<10000x32xf32, #tpu.memory_space<vmem_shared>> -> memref<10000x32xf32, #tpu.memory_space<vmem_shared>>
    tpu.enqueue_indirect_dma source(%dma_start3A_708 : memref<10000x32xf32, #tpu.memory_space<vmem_shared>>) target(%dma_start3A_702 : memref<128x32xf32, #tpu.memory_space<vmem>>) offsets(%dma_start3A_705 : memref<128xi32, #tpu.memory_space<vmem>>) semaphore(%arg14 : memref<!tpu.dma_semaphore, #tpu.memory_space<semaphore_mem>>)
    %dma_wait3A_709 = arith.constant 69 : i32
    %dma_wait3A_710 = arith.constant 5 : i32
    %dma_wait3A_711 = arith.constant 0 : i32
    %dma_wait3A_712 = arith.constant 0 : i32
    %dma_wait3A_713 = tpu.memref_slice %arg8[%dma_wait3A_710, %dma_wait3A_711, %dma_wait3A_712] : memref<8x128x32xf32, #tpu.memory_space<vmem>> -> memref<1x128x32xf32, #tpu.memory_space<vmem>>
    %dma_wait3A_714 = tpu.memref_squeeze %dma_wait3A_713 : memref<1x128x32xf32, #tpu.memory_space<vmem>> -> memref<128x32xf32, #tpu.memory_space<vmem>>
    %dma_wait3A_715 = arith.constant 0 : i32
    %dma_wait3A_716 = tpu.memref_slice %arg6[%dma_wait3A_709, %dma_wait3A_715] : memref<79x128xi32, #tpu.memory_space<vmem>> -> memref<1x128xi32, #tpu.memory_space<vmem>>
    %dma_wait3A_717 = tpu.memref_squeeze %dma_wait3A_716 : memref<1x128xi32, #tpu.memory_space<vmem>> -> memref<128xi32, #tpu.memory_space<vmem>>
    %dma_wait3A_718 = arith.constant 0 : i32
    %dma_wait3A_719 = arith.constant 0 : i32
    %dma_wait3A_720 = tpu.memref_slice %arg10[%dma_wait3A_718, %dma_wait3A_719] : memref<10000x32xf32, #tpu.memory_space<vmem_shared>> -> memref<10000x32xf32, #tpu.memory_space<vmem_shared>>
    tpu.wait_indirect_dma semaphore(%arg16 : memref<!tpu.dma_semaphore, #tpu.memory_space<semaphore_mem>>) src(%dma_wait3A_720 : memref<10000x32xf32, #tpu.memory_space<vmem_shared>>) dst(%dma_wait3A_714 : memref<128x32xf32, #tpu.memory_space<vmem>>)
    %dma_start3A_721 = arith.constant 5 : i32
    %dma_start3A_722 = arith.constant 69 : i32
    %dma_start3A_723 = arith.constant 0 : i32
    %dma_start3A_724 = arith.constant 0 : i32
    %dma_start3A_725 = tpu.memref_slice %arg8[%dma_start3A_721, %dma_start3A_723, %dma_start3A_724] : memref<8x128x32xf32, #tpu.memory_space<vmem>> -> memref<1x128x32xf32, #tpu.memory_space<vmem>>
    %dma_start3A_726 = tpu.memref_squeeze %dma_start3A_725 : memref<1x128x32xf32, #tpu.memory_space<vmem>> -> memref<128x32xf32, #tpu.memory_space<vmem>>
    %dma_start3A_727 = arith.constant 0 : i32
    %dma_start3A_728 = tpu.memref_slice %arg7[%dma_start3A_722, %dma_start3A_727] : memref<79x128xi32, #tpu.memory_space<vmem>> -> memref<1x128xi32, #tpu.memory_space<vmem>>
    %dma_start3A_729 = tpu.memref_squeeze %dma_start3A_728 : memref<1x128xi32, #tpu.memory_space<vmem>> -> memref<128xi32, #tpu.memory_space<vmem>>
    %dma_start3A_730 = arith.constant 0 : i32
    %dma_start3A_731 = arith.constant 0 : i32
    %dma_start3A_732 = tpu.memref_slice %arg9[%dma_start3A_730, %dma_start3A_731] : memref<10000x32xf32, #tpu.memory_space<vmem_shared>> -> memref<10000x32xf32, #tpu.memory_space<vmem_shared>>
    tpu.enqueue_indirect_dma source(%dma_start3A_726 : memref<128x32xf32, #tpu.memory_space<vmem>>) target(%dma_start3A_732 : memref<10000x32xf32, #tpu.memory_space<vmem_shared>>) offsets(%dma_start3A_729 : memref<128xi32, #tpu.memory_space<vmem>>) semaphore(%arg24 : memref<!tpu.dma_semaphore, #tpu.memory_space<semaphore_mem>>) {add = true}
    %dma_wait3A_733 = arith.constant 4 : i32
    %dma_wait3A_734 = arith.constant 68 : i32
    %dma_wait3A_735 = arith.constant 0 : i32
    %dma_wait3A_736 = arith.constant 0 : i32
    %dma_wait3A_737 = tpu.memref_slice %arg8[%dma_wait3A_733, %dma_wait3A_735, %dma_wait3A_736] : memref<8x128x32xf32, #tpu.memory_space<vmem>> -> memref<1x128x32xf32, #tpu.memory_space<vmem>>
    %dma_wait3A_738 = tpu.memref_squeeze %dma_wait3A_737 : memref<1x128x32xf32, #tpu.memory_space<vmem>> -> memref<128x32xf32, #tpu.memory_space<vmem>>
    %dma_wait3A_739 = arith.constant 0 : i32
    %dma_wait3A_740 = tpu.memref_slice %arg7[%dma_wait3A_734, %dma_wait3A_739] : memref<79x128xi32, #tpu.memory_space<vmem>> -> memref<1x128xi32, #tpu.memory_space<vmem>>
    %dma_wait3A_741 = tpu.memref_squeeze %dma_wait3A_740 : memref<1x128xi32, #tpu.memory_space<vmem>> -> memref<128xi32, #tpu.memory_space<vmem>>
    %dma_wait3A_742 = arith.constant 0 : i32
    %dma_wait3A_743 = arith.constant 0 : i32
    %dma_wait3A_744 = tpu.memref_slice %arg9[%dma_wait3A_742, %dma_wait3A_743] : memref<10000x32xf32, #tpu.memory_space<vmem_shared>> -> memref<10000x32xf32, #tpu.memory_space<vmem_shared>>
    tpu.wait_indirect_dma semaphore(%arg23 : memref<!tpu.dma_semaphore, #tpu.memory_space<semaphore_mem>>) src(%dma_wait3A_738 : memref<128x32xf32, #tpu.memory_space<vmem>>) dst(%dma_wait3A_744 : memref<10000x32xf32, #tpu.memory_space<vmem_shared>>)
    %dma_start3A_745 = arith.constant 76 : i32
    %dma_start3A_746 = arith.constant 4 : i32
    %dma_start3A_747 = arith.constant 0 : i32
    %dma_start3A_748 = arith.constant 0 : i32
    %dma_start3A_749 = tpu.memref_slice %arg8[%dma_start3A_746, %dma_start3A_747, %dma_start3A_748] : memref<8x128x32xf32, #tpu.memory_space<vmem>> -> memref<1x128x32xf32, #tpu.memory_space<vmem>>
    %dma_start3A_750 = tpu.memref_squeeze %dma_start3A_749 : memref<1x128x32xf32, #tpu.memory_space<vmem>> -> memref<128x32xf32, #tpu.memory_space<vmem>>
    %dma_start3A_751 = arith.constant 0 : i32
    %dma_start3A_752 = tpu.memref_slice %arg6[%dma_start3A_745, %dma_start3A_751] : memref<79x128xi32, #tpu.memory_space<vmem>> -> memref<1x128xi32, #tpu.memory_space<vmem>>
    %dma_start3A_753 = tpu.memref_squeeze %dma_start3A_752 : memref<1x128xi32, #tpu.memory_space<vmem>> -> memref<128xi32, #tpu.memory_space<vmem>>
    %dma_start3A_754 = arith.constant 0 : i32
    %dma_start3A_755 = arith.constant 0 : i32
    %dma_start3A_756 = tpu.memref_slice %arg10[%dma_start3A_754, %dma_start3A_755] : memref<10000x32xf32, #tpu.memory_space<vmem_shared>> -> memref<10000x32xf32, #tpu.memory_space<vmem_shared>>
    tpu.enqueue_indirect_dma source(%dma_start3A_756 : memref<10000x32xf32, #tpu.memory_space<vmem_shared>>) target(%dma_start3A_750 : memref<128x32xf32, #tpu.memory_space<vmem>>) offsets(%dma_start3A_753 : memref<128xi32, #tpu.memory_space<vmem>>) semaphore(%arg15 : memref<!tpu.dma_semaphore, #tpu.memory_space<semaphore_mem>>)
    %dma_wait3A_757 = arith.constant 70 : i32
    %dma_wait3A_758 = arith.constant 6 : i32
    %dma_wait3A_759 = arith.constant 0 : i32
    %dma_wait3A_760 = arith.constant 0 : i32
    %dma_wait3A_761 = tpu.memref_slice %arg8[%dma_wait3A_758, %dma_wait3A_759, %dma_wait3A_760] : memref<8x128x32xf32, #tpu.memory_space<vmem>> -> memref<1x128x32xf32, #tpu.memory_space<vmem>>
    %dma_wait3A_762 = tpu.memref_squeeze %dma_wait3A_761 : memref<1x128x32xf32, #tpu.memory_space<vmem>> -> memref<128x32xf32, #tpu.memory_space<vmem>>
    %dma_wait3A_763 = arith.constant 0 : i32
    %dma_wait3A_764 = tpu.memref_slice %arg6[%dma_wait3A_757, %dma_wait3A_763] : memref<79x128xi32, #tpu.memory_space<vmem>> -> memref<1x128xi32, #tpu.memory_space<vmem>>
    %dma_wait3A_765 = tpu.memref_squeeze %dma_wait3A_764 : memref<1x128xi32, #tpu.memory_space<vmem>> -> memref<128xi32, #tpu.memory_space<vmem>>
    %dma_wait3A_766 = arith.constant 0 : i32
    %dma_wait3A_767 = arith.constant 0 : i32
    %dma_wait3A_768 = tpu.memref_slice %arg10[%dma_wait3A_766, %dma_wait3A_767] : memref<10000x32xf32, #tpu.memory_space<vmem_shared>> -> memref<10000x32xf32, #tpu.memory_space<vmem_shared>>
    tpu.wait_indirect_dma semaphore(%arg17 : memref<!tpu.dma_semaphore, #tpu.memory_space<semaphore_mem>>) src(%dma_wait3A_768 : memref<10000x32xf32, #tpu.memory_space<vmem_shared>>) dst(%dma_wait3A_762 : memref<128x32xf32, #tpu.memory_space<vmem>>)
    %dma_start3A_769 = arith.constant 6 : i32
    %dma_start3A_770 = arith.constant 70 : i32
    %dma_start3A_771 = arith.constant 0 : i32
    %dma_start3A_772 = arith.constant 0 : i32
    %dma_start3A_773 = tpu.memref_slice %arg8[%dma_start3A_769, %dma_start3A_771, %dma_start3A_772] : memref<8x128x32xf32, #tpu.memory_space<vmem>> -> memref<1x128x32xf32, #tpu.memory_space<vmem>>
    %dma_start3A_774 = tpu.memref_squeeze %dma_start3A_773 : memref<1x128x32xf32, #tpu.memory_space<vmem>> -> memref<128x32xf32, #tpu.memory_space<vmem>>
    %dma_start3A_775 = arith.constant 0 : i32
    %dma_start3A_776 = tpu.memref_slice %arg7[%dma_start3A_770, %dma_start3A_775] : memref<79x128xi32, #tpu.memory_space<vmem>> -> memref<1x128xi32, #tpu.memory_space<vmem>>
    %dma_start3A_777 = tpu.memref_squeeze %dma_start3A_776 : memref<1x128xi32, #tpu.memory_space<vmem>> -> memref<128xi32, #tpu.memory_space<vmem>>
    %dma_start3A_778 = arith.constant 0 : i32
    %dma_start3A_779 = arith.constant 0 : i32
    %dma_start3A_780 = tpu.memref_slice %arg9[%dma_start3A_778, %dma_start3A_779] : memref<10000x32xf32, #tpu.memory_space<vmem_shared>> -> memref<10000x32xf32, #tpu.memory_space<vmem_shared>>
    tpu.enqueue_indirect_dma source(%dma_start3A_774 : memref<128x32xf32, #tpu.memory_space<vmem>>) target(%dma_start3A_780 : memref<10000x32xf32, #tpu.memory_space<vmem_shared>>) offsets(%dma_start3A_777 : memref<128xi32, #tpu.memory_space<vmem>>) semaphore(%arg25 : memref<!tpu.dma_semaphore, #tpu.memory_space<semaphore_mem>>) {add = true}
    %dma_wait3A_781 = arith.constant 5 : i32
    %dma_wait3A_782 = arith.constant 69 : i32
    %dma_wait3A_783 = arith.constant 0 : i32
    %dma_wait3A_784 = arith.constant 0 : i32
    %dma_wait3A_785 = tpu.memref_slice %arg8[%dma_wait3A_781, %dma_wait3A_783, %dma_wait3A_784] : memref<8x128x32xf32, #tpu.memory_space<vmem>> -> memref<1x128x32xf32, #tpu.memory_space<vmem>>
    %dma_wait3A_786 = tpu.memref_squeeze %dma_wait3A_785 : memref<1x128x32xf32, #tpu.memory_space<vmem>> -> memref<128x32xf32, #tpu.memory_space<vmem>>
    %dma_wait3A_787 = arith.constant 0 : i32
    %dma_wait3A_788 = tpu.memref_slice %arg7[%dma_wait3A_782, %dma_wait3A_787] : memref<79x128xi32, #tpu.memory_space<vmem>> -> memref<1x128xi32, #tpu.memory_space<vmem>>
    %dma_wait3A_789 = tpu.memref_squeeze %dma_wait3A_788 : memref<1x128xi32, #tpu.memory_space<vmem>> -> memref<128xi32, #tpu.memory_space<vmem>>
    %dma_wait3A_790 = arith.constant 0 : i32
    %dma_wait3A_791 = arith.constant 0 : i32
    %dma_wait3A_792 = tpu.memref_slice %arg9[%dma_wait3A_790, %dma_wait3A_791] : memref<10000x32xf32, #tpu.memory_space<vmem_shared>> -> memref<10000x32xf32, #tpu.memory_space<vmem_shared>>
    tpu.wait_indirect_dma semaphore(%arg24 : memref<!tpu.dma_semaphore, #tpu.memory_space<semaphore_mem>>) src(%dma_wait3A_786 : memref<128x32xf32, #tpu.memory_space<vmem>>) dst(%dma_wait3A_792 : memref<10000x32xf32, #tpu.memory_space<vmem_shared>>)
    %dma_start3A_793 = arith.constant 77 : i32
    %dma_start3A_794 = arith.constant 5 : i32
    %dma_start3A_795 = arith.constant 0 : i32
    %dma_start3A_796 = arith.constant 0 : i32
    %dma_start3A_797 = tpu.memref_slice %arg8[%dma_start3A_794, %dma_start3A_795, %dma_start3A_796] : memref<8x128x32xf32, #tpu.memory_space<vmem>> -> memref<1x128x32xf32, #tpu.memory_space<vmem>>
    %dma_start3A_798 = tpu.memref_squeeze %dma_start3A_797 : memref<1x128x32xf32, #tpu.memory_space<vmem>> -> memref<128x32xf32, #tpu.memory_space<vmem>>
    %dma_start3A_799 = arith.constant 0 : i32
    %dma_start3A_800 = tpu.memref_slice %arg6[%dma_start3A_793, %dma_start3A_799] : memref<79x128xi32, #tpu.memory_space<vmem>> -> memref<1x128xi32, #tpu.memory_space<vmem>>
    %dma_start3A_801 = tpu.memref_squeeze %dma_start3A_800 : memref<1x128xi32, #tpu.memory_space<vmem>> -> memref<128xi32, #tpu.memory_space<vmem>>
    %dma_start3A_802 = arith.constant 0 : i32
    %dma_start3A_803 = arith.constant 0 : i32
    %dma_start3A_804 = tpu.memref_slice %arg10[%dma_start3A_802, %dma_start3A_803] : memref<10000x32xf32, #tpu.memory_space<vmem_shared>> -> memref<10000x32xf32, #tpu.memory_space<vmem_shared>>
    tpu.enqueue_indirect_dma source(%dma_start3A_804 : memref<10000x32xf32, #tpu.memory_space<vmem_shared>>) target(%dma_start3A_798 : memref<128x32xf32, #tpu.memory_space<vmem>>) offsets(%dma_start3A_801 : memref<128xi32, #tpu.memory_space<vmem>>) semaphore(%arg16 : memref<!tpu.dma_semaphore, #tpu.memory_space<semaphore_mem>>)
    %dma_wait3A_805 = arith.constant 71 : i32
    %dma_wait3A_806 = arith.constant 7 : i32
    %dma_wait3A_807 = arith.constant 0 : i32
    %dma_wait3A_808 = arith.constant 0 : i32
    %dma_wait3A_809 = tpu.memref_slice %arg8[%dma_wait3A_806, %dma_wait3A_807, %dma_wait3A_808] : memref<8x128x32xf32, #tpu.memory_space<vmem>> -> memref<1x128x32xf32, #tpu.memory_space<vmem>>
    %dma_wait3A_810 = tpu.memref_squeeze %dma_wait3A_809 : memref<1x128x32xf32, #tpu.memory_space<vmem>> -> memref<128x32xf32, #tpu.memory_space<vmem>>
    %dma_wait3A_811 = arith.constant 0 : i32
    %dma_wait3A_812 = tpu.memref_slice %arg6[%dma_wait3A_805, %dma_wait3A_811] : memref<79x128xi32, #tpu.memory_space<vmem>> -> memref<1x128xi32, #tpu.memory_space<vmem>>
    %dma_wait3A_813 = tpu.memref_squeeze %dma_wait3A_812 : memref<1x128xi32, #tpu.memory_space<vmem>> -> memref<128xi32, #tpu.memory_space<vmem>>
    %dma_wait3A_814 = arith.constant 0 : i32
    %dma_wait3A_815 = arith.constant 0 : i32
    %dma_wait3A_816 = tpu.memref_slice %arg10[%dma_wait3A_814, %dma_wait3A_815] : memref<10000x32xf32, #tpu.memory_space<vmem_shared>> -> memref<10000x32xf32, #tpu.memory_space<vmem_shared>>
    tpu.wait_indirect_dma semaphore(%arg18 : memref<!tpu.dma_semaphore, #tpu.memory_space<semaphore_mem>>) src(%dma_wait3A_816 : memref<10000x32xf32, #tpu.memory_space<vmem_shared>>) dst(%dma_wait3A_810 : memref<128x32xf32, #tpu.memory_space<vmem>>)
    %dma_start3A_817 = arith.constant 7 : i32
    %dma_start3A_818 = arith.constant 71 : i32
    %dma_start3A_819 = arith.constant 0 : i32
    %dma_start3A_820 = arith.constant 0 : i32
    %dma_start3A_821 = tpu.memref_slice %arg8[%dma_start3A_817, %dma_start3A_819, %dma_start3A_820] : memref<8x128x32xf32, #tpu.memory_space<vmem>> -> memref<1x128x32xf32, #tpu.memory_space<vmem>>
    %dma_start3A_822 = tpu.memref_squeeze %dma_start3A_821 : memref<1x128x32xf32, #tpu.memory_space<vmem>> -> memref<128x32xf32, #tpu.memory_space<vmem>>
    %dma_start3A_823 = arith.constant 0 : i32
    %dma_start3A_824 = tpu.memref_slice %arg7[%dma_start3A_818, %dma_start3A_823] : memref<79x128xi32, #tpu.memory_space<vmem>> -> memref<1x128xi32, #tpu.memory_space<vmem>>
    %dma_start3A_825 = tpu.memref_squeeze %dma_start3A_824 : memref<1x128xi32, #tpu.memory_space<vmem>> -> memref<128xi32, #tpu.memory_space<vmem>>
    %dma_start3A_826 = arith.constant 0 : i32
    %dma_start3A_827 = arith.constant 0 : i32
    %dma_start3A_828 = tpu.memref_slice %arg9[%dma_start3A_826, %dma_start3A_827] : memref<10000x32xf32, #tpu.memory_space<vmem_shared>> -> memref<10000x32xf32, #tpu.memory_space<vmem_shared>>
    tpu.enqueue_indirect_dma source(%dma_start3A_822 : memref<128x32xf32, #tpu.memory_space<vmem>>) target(%dma_start3A_828 : memref<10000x32xf32, #tpu.memory_space<vmem_shared>>) offsets(%dma_start3A_825 : memref<128xi32, #tpu.memory_space<vmem>>) semaphore(%arg26 : memref<!tpu.dma_semaphore, #tpu.memory_space<semaphore_mem>>) {add = true}
    %dma_wait3A_829 = arith.constant 72 : i32
    %dma_wait3A_830 = arith.constant 0 : i32
    %dma_wait3A_831 = arith.constant 0 : i32
    %dma_wait3A_832 = arith.constant 0 : i32
    %dma_wait3A_833 = tpu.memref_slice %arg8[%dma_wait3A_830, %dma_wait3A_831, %dma_wait3A_832] : memref<8x128x32xf32, #tpu.memory_space<vmem>> -> memref<1x128x32xf32, #tpu.memory_space<vmem>>
    %dma_wait3A_834 = tpu.memref_squeeze %dma_wait3A_833 : memref<1x128x32xf32, #tpu.memory_space<vmem>> -> memref<128x32xf32, #tpu.memory_space<vmem>>
    %dma_wait3A_835 = arith.constant 0 : i32
    %dma_wait3A_836 = tpu.memref_slice %arg6[%dma_wait3A_829, %dma_wait3A_835] : memref<79x128xi32, #tpu.memory_space<vmem>> -> memref<1x128xi32, #tpu.memory_space<vmem>>
    %dma_wait3A_837 = tpu.memref_squeeze %dma_wait3A_836 : memref<1x128xi32, #tpu.memory_space<vmem>> -> memref<128xi32, #tpu.memory_space<vmem>>
    %dma_wait3A_838 = arith.constant 0 : i32
    %dma_wait3A_839 = arith.constant 0 : i32
    %dma_wait3A_840 = tpu.memref_slice %arg10[%dma_wait3A_838, %dma_wait3A_839] : memref<10000x32xf32, #tpu.memory_space<vmem_shared>> -> memref<10000x32xf32, #tpu.memory_space<vmem_shared>>
    tpu.wait_indirect_dma semaphore(%arg11 : memref<!tpu.dma_semaphore, #tpu.memory_space<semaphore_mem>>) src(%dma_wait3A_840 : memref<10000x32xf32, #tpu.memory_space<vmem_shared>>) dst(%dma_wait3A_834 : memref<128x32xf32, #tpu.memory_space<vmem>>)
    %dma_start3A_841 = arith.constant 0 : i32
    %dma_start3A_842 = arith.constant 72 : i32
    %dma_start3A_843 = arith.constant 0 : i32
    %dma_start3A_844 = arith.constant 0 : i32
    %dma_start3A_845 = tpu.memref_slice %arg8[%dma_start3A_841, %dma_start3A_843, %dma_start3A_844] : memref<8x128x32xf32, #tpu.memory_space<vmem>> -> memref<1x128x32xf32, #tpu.memory_space<vmem>>
    %dma_start3A_846 = tpu.memref_squeeze %dma_start3A_845 : memref<1x128x32xf32, #tpu.memory_space<vmem>> -> memref<128x32xf32, #tpu.memory_space<vmem>>
    %dma_start3A_847 = arith.constant 0 : i32
    %dma_start3A_848 = tpu.memref_slice %arg7[%dma_start3A_842, %dma_start3A_847] : memref<79x128xi32, #tpu.memory_space<vmem>> -> memref<1x128xi32, #tpu.memory_space<vmem>>
    %dma_start3A_849 = tpu.memref_squeeze %dma_start3A_848 : memref<1x128xi32, #tpu.memory_space<vmem>> -> memref<128xi32, #tpu.memory_space<vmem>>
    %dma_start3A_850 = arith.constant 0 : i32
    %dma_start3A_851 = arith.constant 0 : i32
    %dma_start3A_852 = tpu.memref_slice %arg9[%dma_start3A_850, %dma_start3A_851] : memref<10000x32xf32, #tpu.memory_space<vmem_shared>> -> memref<10000x32xf32, #tpu.memory_space<vmem_shared>>
    tpu.enqueue_indirect_dma source(%dma_start3A_846 : memref<128x32xf32, #tpu.memory_space<vmem>>) target(%dma_start3A_852 : memref<10000x32xf32, #tpu.memory_space<vmem_shared>>) offsets(%dma_start3A_849 : memref<128xi32, #tpu.memory_space<vmem>>) semaphore(%arg19 : memref<!tpu.dma_semaphore, #tpu.memory_space<semaphore_mem>>) {add = true}
    %dma_wait3A_853 = arith.constant 73 : i32
    %dma_wait3A_854 = arith.constant 1 : i32
    %dma_wait3A_855 = arith.constant 0 : i32
    %dma_wait3A_856 = arith.constant 0 : i32
    %dma_wait3A_857 = tpu.memref_slice %arg8[%dma_wait3A_854, %dma_wait3A_855, %dma_wait3A_856] : memref<8x128x32xf32, #tpu.memory_space<vmem>> -> memref<1x128x32xf32, #tpu.memory_space<vmem>>
    %dma_wait3A_858 = tpu.memref_squeeze %dma_wait3A_857 : memref<1x128x32xf32, #tpu.memory_space<vmem>> -> memref<128x32xf32, #tpu.memory_space<vmem>>
    %dma_wait3A_859 = arith.constant 0 : i32
    %dma_wait3A_860 = tpu.memref_slice %arg6[%dma_wait3A_853, %dma_wait3A_859] : memref<79x128xi32, #tpu.memory_space<vmem>> -> memref<1x128xi32, #tpu.memory_space<vmem>>
    %dma_wait3A_861 = tpu.memref_squeeze %dma_wait3A_860 : memref<1x128xi32, #tpu.memory_space<vmem>> -> memref<128xi32, #tpu.memory_space<vmem>>
    %dma_wait3A_862 = arith.constant 0 : i32
    %dma_wait3A_863 = arith.constant 0 : i32
    %dma_wait3A_864 = tpu.memref_slice %arg10[%dma_wait3A_862, %dma_wait3A_863] : memref<10000x32xf32, #tpu.memory_space<vmem_shared>> -> memref<10000x32xf32, #tpu.memory_space<vmem_shared>>
    tpu.wait_indirect_dma semaphore(%arg12 : memref<!tpu.dma_semaphore, #tpu.memory_space<semaphore_mem>>) src(%dma_wait3A_864 : memref<10000x32xf32, #tpu.memory_space<vmem_shared>>) dst(%dma_wait3A_858 : memref<128x32xf32, #tpu.memory_space<vmem>>)
    %dma_start3A_865 = arith.constant 1 : i32
    %dma_start3A_866 = arith.constant 73 : i32
    %dma_start3A_867 = arith.constant 0 : i32
    %dma_start3A_868 = arith.constant 0 : i32
    %dma_start3A_869 = tpu.memref_slice %arg8[%dma_start3A_865, %dma_start3A_867, %dma_start3A_868] : memref<8x128x32xf32, #tpu.memory_space<vmem>> -> memref<1x128x32xf32, #tpu.memory_space<vmem>>
    %dma_start3A_870 = tpu.memref_squeeze %dma_start3A_869 : memref<1x128x32xf32, #tpu.memory_space<vmem>> -> memref<128x32xf32, #tpu.memory_space<vmem>>
    %dma_start3A_871 = arith.constant 0 : i32
    %dma_start3A_872 = tpu.memref_slice %arg7[%dma_start3A_866, %dma_start3A_871] : memref<79x128xi32, #tpu.memory_space<vmem>> -> memref<1x128xi32, #tpu.memory_space<vmem>>
    %dma_start3A_873 = tpu.memref_squeeze %dma_start3A_872 : memref<1x128xi32, #tpu.memory_space<vmem>> -> memref<128xi32, #tpu.memory_space<vmem>>
    %dma_start3A_874 = arith.constant 0 : i32
    %dma_start3A_875 = arith.constant 0 : i32
    %dma_start3A_876 = tpu.memref_slice %arg9[%dma_start3A_874, %dma_start3A_875] : memref<10000x32xf32, #tpu.memory_space<vmem_shared>> -> memref<10000x32xf32, #tpu.memory_space<vmem_shared>>
    tpu.enqueue_indirect_dma source(%dma_start3A_870 : memref<128x32xf32, #tpu.memory_space<vmem>>) target(%dma_start3A_876 : memref<10000x32xf32, #tpu.memory_space<vmem_shared>>) offsets(%dma_start3A_873 : memref<128xi32, #tpu.memory_space<vmem>>) semaphore(%arg20 : memref<!tpu.dma_semaphore, #tpu.memory_space<semaphore_mem>>) {add = true}
    %dma_wait3A_877 = arith.constant 74 : i32
    %dma_wait3A_878 = arith.constant 2 : i32
    %dma_wait3A_879 = arith.constant 0 : i32
    %dma_wait3A_880 = arith.constant 0 : i32
    %dma_wait3A_881 = tpu.memref_slice %arg8[%dma_wait3A_878, %dma_wait3A_879, %dma_wait3A_880] : memref<8x128x32xf32, #tpu.memory_space<vmem>> -> memref<1x128x32xf32, #tpu.memory_space<vmem>>
    %dma_wait3A_882 = tpu.memref_squeeze %dma_wait3A_881 : memref<1x128x32xf32, #tpu.memory_space<vmem>> -> memref<128x32xf32, #tpu.memory_space<vmem>>
    %dma_wait3A_883 = arith.constant 0 : i32
    %dma_wait3A_884 = tpu.memref_slice %arg6[%dma_wait3A_877, %dma_wait3A_883] : memref<79x128xi32, #tpu.memory_space<vmem>> -> memref<1x128xi32, #tpu.memory_space<vmem>>
    %dma_wait3A_885 = tpu.memref_squeeze %dma_wait3A_884 : memref<1x128xi32, #tpu.memory_space<vmem>> -> memref<128xi32, #tpu.memory_space<vmem>>
    %dma_wait3A_886 = arith.constant 0 : i32
    %dma_wait3A_887 = arith.constant 0 : i32
    %dma_wait3A_888 = tpu.memref_slice %arg10[%dma_wait3A_886, %dma_wait3A_887] : memref<10000x32xf32, #tpu.memory_space<vmem_shared>> -> memref<10000x32xf32, #tpu.memory_space<vmem_shared>>
    tpu.wait_indirect_dma semaphore(%arg13 : memref<!tpu.dma_semaphore, #tpu.memory_space<semaphore_mem>>) src(%dma_wait3A_888 : memref<10000x32xf32, #tpu.memory_space<vmem_shared>>) dst(%dma_wait3A_882 : memref<128x32xf32, #tpu.memory_space<vmem>>)
    %dma_start3A_889 = arith.constant 2 : i32
    %dma_start3A_890 = arith.constant 74 : i32
    %dma_start3A_891 = arith.constant 0 : i32
    %dma_start3A_892 = arith.constant 0 : i32
    %dma_start3A_893 = tpu.memref_slice %arg8[%dma_start3A_889, %dma_start3A_891, %dma_start3A_892] : memref<8x128x32xf32, #tpu.memory_space<vmem>> -> memref<1x128x32xf32, #tpu.memory_space<vmem>>
    %dma_start3A_894 = tpu.memref_squeeze %dma_start3A_893 : memref<1x128x32xf32, #tpu.memory_space<vmem>> -> memref<128x32xf32, #tpu.memory_space<vmem>>
    %dma_start3A_895 = arith.constant 0 : i32
    %dma_start3A_896 = tpu.memref_slice %arg7[%dma_start3A_890, %dma_start3A_895] : memref<79x128xi32, #tpu.memory_space<vmem>> -> memref<1x128xi32, #tpu.memory_space<vmem>>
    %dma_start3A_897 = tpu.memref_squeeze %dma_start3A_896 : memref<1x128xi32, #tpu.memory_space<vmem>> -> memref<128xi32, #tpu.memory_space<vmem>>
    %dma_start3A_898 = arith.constant 0 : i32
    %dma_start3A_899 = arith.constant 0 : i32
    %dma_start3A_900 = tpu.memref_slice %arg9[%dma_start3A_898, %dma_start3A_899] : memref<10000x32xf32, #tpu.memory_space<vmem_shared>> -> memref<10000x32xf32, #tpu.memory_space<vmem_shared>>
    tpu.enqueue_indirect_dma source(%dma_start3A_894 : memref<128x32xf32, #tpu.memory_space<vmem>>) target(%dma_start3A_900 : memref<10000x32xf32, #tpu.memory_space<vmem_shared>>) offsets(%dma_start3A_897 : memref<128xi32, #tpu.memory_space<vmem>>) semaphore(%arg21 : memref<!tpu.dma_semaphore, #tpu.memory_space<semaphore_mem>>) {add = true}
    %dma_wait3A_901 = arith.constant 75 : i32
    %dma_wait3A_902 = arith.constant 3 : i32
    %dma_wait3A_903 = arith.constant 0 : i32
    %dma_wait3A_904 = arith.constant 0 : i32
    %dma_wait3A_905 = tpu.memref_slice %arg8[%dma_wait3A_902, %dma_wait3A_903, %dma_wait3A_904] : memref<8x128x32xf32, #tpu.memory_space<vmem>> -> memref<1x128x32xf32, #tpu.memory_space<vmem>>
    %dma_wait3A_906 = tpu.memref_squeeze %dma_wait3A_905 : memref<1x128x32xf32, #tpu.memory_space<vmem>> -> memref<128x32xf32, #tpu.memory_space<vmem>>
    %dma_wait3A_907 = arith.constant 0 : i32
    %dma_wait3A_908 = tpu.memref_slice %arg6[%dma_wait3A_901, %dma_wait3A_907] : memref<79x128xi32, #tpu.memory_space<vmem>> -> memref<1x128xi32, #tpu.memory_space<vmem>>
    %dma_wait3A_909 = tpu.memref_squeeze %dma_wait3A_908 : memref<1x128xi32, #tpu.memory_space<vmem>> -> memref<128xi32, #tpu.memory_space<vmem>>
    %dma_wait3A_910 = arith.constant 0 : i32
    %dma_wait3A_911 = arith.constant 0 : i32
    %dma_wait3A_912 = tpu.memref_slice %arg10[%dma_wait3A_910, %dma_wait3A_911] : memref<10000x32xf32, #tpu.memory_space<vmem_shared>> -> memref<10000x32xf32, #tpu.memory_space<vmem_shared>>
    tpu.wait_indirect_dma semaphore(%arg14 : memref<!tpu.dma_semaphore, #tpu.memory_space<semaphore_mem>>) src(%dma_wait3A_912 : memref<10000x32xf32, #tpu.memory_space<vmem_shared>>) dst(%dma_wait3A_906 : memref<128x32xf32, #tpu.memory_space<vmem>>)
    %dma_start3A_913 = arith.constant 3 : i32
    %dma_start3A_914 = arith.constant 75 : i32
    %dma_start3A_915 = arith.constant 0 : i32
    %dma_start3A_916 = arith.constant 0 : i32
    %dma_start3A_917 = tpu.memref_slice %arg8[%dma_start3A_913, %dma_start3A_915, %dma_start3A_916] : memref<8x128x32xf32, #tpu.memory_space<vmem>> -> memref<1x128x32xf32, #tpu.memory_space<vmem>>
    %dma_start3A_918 = tpu.memref_squeeze %dma_start3A_917 : memref<1x128x32xf32, #tpu.memory_space<vmem>> -> memref<128x32xf32, #tpu.memory_space<vmem>>
    %dma_start3A_919 = arith.constant 0 : i32
    %dma_start3A_920 = tpu.memref_slice %arg7[%dma_start3A_914, %dma_start3A_919] : memref<79x128xi32, #tpu.memory_space<vmem>> -> memref<1x128xi32, #tpu.memory_space<vmem>>
    %dma_start3A_921 = tpu.memref_squeeze %dma_start3A_920 : memref<1x128xi32, #tpu.memory_space<vmem>> -> memref<128xi32, #tpu.memory_space<vmem>>
    %dma_start3A_922 = arith.constant 0 : i32
    %dma_start3A_923 = arith.constant 0 : i32
    %dma_start3A_924 = tpu.memref_slice %arg9[%dma_start3A_922, %dma_start3A_923] : memref<10000x32xf32, #tpu.memory_space<vmem_shared>> -> memref<10000x32xf32, #tpu.memory_space<vmem_shared>>
    tpu.enqueue_indirect_dma source(%dma_start3A_918 : memref<128x32xf32, #tpu.memory_space<vmem>>) target(%dma_start3A_924 : memref<10000x32xf32, #tpu.memory_space<vmem_shared>>) offsets(%dma_start3A_921 : memref<128xi32, #tpu.memory_space<vmem>>) semaphore(%arg22 : memref<!tpu.dma_semaphore, #tpu.memory_space<semaphore_mem>>) {add = true}
    %dma_wait3A_925 = arith.constant 76 : i32
    %dma_wait3A_926 = arith.constant 4 : i32
    %dma_wait3A_927 = arith.constant 0 : i32
    %dma_wait3A_928 = arith.constant 0 : i32
    %dma_wait3A_929 = tpu.memref_slice %arg8[%dma_wait3A_926, %dma_wait3A_927, %dma_wait3A_928] : memref<8x128x32xf32, #tpu.memory_space<vmem>> -> memref<1x128x32xf32, #tpu.memory_space<vmem>>
    %dma_wait3A_930 = tpu.memref_squeeze %dma_wait3A_929 : memref<1x128x32xf32, #tpu.memory_space<vmem>> -> memref<128x32xf32, #tpu.memory_space<vmem>>
    %dma_wait3A_931 = arith.constant 0 : i32
    %dma_wait3A_932 = tpu.memref_slice %arg6[%dma_wait3A_925, %dma_wait3A_931] : memref<79x128xi32, #tpu.memory_space<vmem>> -> memref<1x128xi32, #tpu.memory_space<vmem>>
    %dma_wait3A_933 = tpu.memref_squeeze %dma_wait3A_932 : memref<1x128xi32, #tpu.memory_space<vmem>> -> memref<128xi32, #tpu.memory_space<vmem>>
    %dma_wait3A_934 = arith.constant 0 : i32
    %dma_wait3A_935 = arith.constant 0 : i32
    %dma_wait3A_936 = tpu.memref_slice %arg10[%dma_wait3A_934, %dma_wait3A_935] : memref<10000x32xf32, #tpu.memory_space<vmem_shared>> -> memref<10000x32xf32, #tpu.memory_space<vmem_shared>>
    tpu.wait_indirect_dma semaphore(%arg15 : memref<!tpu.dma_semaphore, #tpu.memory_space<semaphore_mem>>) src(%dma_wait3A_936 : memref<10000x32xf32, #tpu.memory_space<vmem_shared>>) dst(%dma_wait3A_930 : memref<128x32xf32, #tpu.memory_space<vmem>>)
    %dma_start3A_937 = arith.constant 4 : i32
    %dma_start3A_938 = arith.constant 76 : i32
    %dma_start3A_939 = arith.constant 0 : i32
    %dma_start3A_940 = arith.constant 0 : i32
    %dma_start3A_941 = tpu.memref_slice %arg8[%dma_start3A_937, %dma_start3A_939, %dma_start3A_940] : memref<8x128x32xf32, #tpu.memory_space<vmem>> -> memref<1x128x32xf32, #tpu.memory_space<vmem>>
    %dma_start3A_942 = tpu.memref_squeeze %dma_start3A_941 : memref<1x128x32xf32, #tpu.memory_space<vmem>> -> memref<128x32xf32, #tpu.memory_space<vmem>>
    %dma_start3A_943 = arith.constant 0 : i32
    %dma_start3A_944 = tpu.memref_slice %arg7[%dma_start3A_938, %dma_start3A_943] : memref<79x128xi32, #tpu.memory_space<vmem>> -> memref<1x128xi32, #tpu.memory_space<vmem>>
    %dma_start3A_945 = tpu.memref_squeeze %dma_start3A_944 : memref<1x128xi32, #tpu.memory_space<vmem>> -> memref<128xi32, #tpu.memory_space<vmem>>
    %dma_start3A_946 = arith.constant 0 : i32
    %dma_start3A_947 = arith.constant 0 : i32
    %dma_start3A_948 = tpu.memref_slice %arg9[%dma_start3A_946, %dma_start3A_947] : memref<10000x32xf32, #tpu.memory_space<vmem_shared>> -> memref<10000x32xf32, #tpu.memory_space<vmem_shared>>
    tpu.enqueue_indirect_dma source(%dma_start3A_942 : memref<128x32xf32, #tpu.memory_space<vmem>>) target(%dma_start3A_948 : memref<10000x32xf32, #tpu.memory_space<vmem_shared>>) offsets(%dma_start3A_945 : memref<128xi32, #tpu.memory_space<vmem>>) semaphore(%arg23 : memref<!tpu.dma_semaphore, #tpu.memory_space<semaphore_mem>>) {add = true}
    %dma_wait3A_949 = arith.constant 77 : i32
    %dma_wait3A_950 = arith.constant 5 : i32
    %dma_wait3A_951 = arith.constant 0 : i32
    %dma_wait3A_952 = arith.constant 0 : i32
    %dma_wait3A_953 = tpu.memref_slice %arg8[%dma_wait3A_950, %dma_wait3A_951, %dma_wait3A_952] : memref<8x128x32xf32, #tpu.memory_space<vmem>> -> memref<1x128x32xf32, #tpu.memory_space<vmem>>
    %dma_wait3A_954 = tpu.memref_squeeze %dma_wait3A_953 : memref<1x128x32xf32, #tpu.memory_space<vmem>> -> memref<128x32xf32, #tpu.memory_space<vmem>>
    %dma_wait3A_955 = arith.constant 0 : i32
    %dma_wait3A_956 = tpu.memref_slice %arg6[%dma_wait3A_949, %dma_wait3A_955] : memref<79x128xi32, #tpu.memory_space<vmem>> -> memref<1x128xi32, #tpu.memory_space<vmem>>
    %dma_wait3A_957 = tpu.memref_squeeze %dma_wait3A_956 : memref<1x128xi32, #tpu.memory_space<vmem>> -> memref<128xi32, #tpu.memory_space<vmem>>
    %dma_wait3A_958 = arith.constant 0 : i32
    %dma_wait3A_959 = arith.constant 0 : i32
    %dma_wait3A_960 = tpu.memref_slice %arg10[%dma_wait3A_958, %dma_wait3A_959] : memref<10000x32xf32, #tpu.memory_space<vmem_shared>> -> memref<10000x32xf32, #tpu.memory_space<vmem_shared>>
    tpu.wait_indirect_dma semaphore(%arg16 : memref<!tpu.dma_semaphore, #tpu.memory_space<semaphore_mem>>) src(%dma_wait3A_960 : memref<10000x32xf32, #tpu.memory_space<vmem_shared>>) dst(%dma_wait3A_954 : memref<128x32xf32, #tpu.memory_space<vmem>>)
    %dma_start3A_961 = arith.constant 5 : i32
    %dma_start3A_962 = arith.constant 77 : i32
    %dma_start3A_963 = arith.constant 0 : i32
    %dma_start3A_964 = arith.constant 0 : i32
    %dma_start3A_965 = tpu.memref_slice %arg8[%dma_start3A_961, %dma_start3A_963, %dma_start3A_964] : memref<8x128x32xf32, #tpu.memory_space<vmem>> -> memref<1x128x32xf32, #tpu.memory_space<vmem>>
    %dma_start3A_966 = tpu.memref_squeeze %dma_start3A_965 : memref<1x128x32xf32, #tpu.memory_space<vmem>> -> memref<128x32xf32, #tpu.memory_space<vmem>>
    %dma_start3A_967 = arith.constant 0 : i32
    %dma_start3A_968 = tpu.memref_slice %arg7[%dma_start3A_962, %dma_start3A_967] : memref<79x128xi32, #tpu.memory_space<vmem>> -> memref<1x128xi32, #tpu.memory_space<vmem>>
    %dma_start3A_969 = tpu.memref_squeeze %dma_start3A_968 : memref<1x128xi32, #tpu.memory_space<vmem>> -> memref<128xi32, #tpu.memory_space<vmem>>
    %dma_start3A_970 = arith.constant 0 : i32
    %dma_start3A_971 = arith.constant 0 : i32
    %dma_start3A_972 = tpu.memref_slice %arg9[%dma_start3A_970, %dma_start3A_971] : memref<10000x32xf32, #tpu.memory_space<vmem_shared>> -> memref<10000x32xf32, #tpu.memory_space<vmem_shared>>
    tpu.enqueue_indirect_dma source(%dma_start3A_966 : memref<128x32xf32, #tpu.memory_space<vmem>>) target(%dma_start3A_972 : memref<10000x32xf32, #tpu.memory_space<vmem_shared>>) offsets(%dma_start3A_969 : memref<128xi32, #tpu.memory_space<vmem>>) semaphore(%arg24 : memref<!tpu.dma_semaphore, #tpu.memory_space<semaphore_mem>>) {add = true}
    %dma_wait3A_973 = arith.constant 6 : i32
    %dma_wait3A_974 = arith.constant 70 : i32
    %dma_wait3A_975 = arith.constant 0 : i32
    %dma_wait3A_976 = arith.constant 0 : i32
    %dma_wait3A_977 = tpu.memref_slice %arg8[%dma_wait3A_973, %dma_wait3A_975, %dma_wait3A_976] : memref<8x128x32xf32, #tpu.memory_space<vmem>> -> memref<1x128x32xf32, #tpu.memory_space<vmem>>
    %dma_wait3A_978 = tpu.memref_squeeze %dma_wait3A_977 : memref<1x128x32xf32, #tpu.memory_space<vmem>> -> memref<128x32xf32, #tpu.memory_space<vmem>>
    %dma_wait3A_979 = arith.constant 0 : i32
    %dma_wait3A_980 = tpu.memref_slice %arg7[%dma_wait3A_974, %dma_wait3A_979] : memref<79x128xi32, #tpu.memory_space<vmem>> -> memref<1x128xi32, #tpu.memory_space<vmem>>
    %dma_wait3A_981 = tpu.memref_squeeze %dma_wait3A_980 : memref<1x128xi32, #tpu.memory_space<vmem>> -> memref<128xi32, #tpu.memory_space<vmem>>
    %dma_wait3A_982 = arith.constant 0 : i32
    %dma_wait3A_983 = arith.constant 0 : i32
    %dma_wait3A_984 = tpu.memref_slice %arg9[%dma_wait3A_982, %dma_wait3A_983] : memref<10000x32xf32, #tpu.memory_space<vmem_shared>> -> memref<10000x32xf32, #tpu.memory_space<vmem_shared>>
    tpu.wait_indirect_dma semaphore(%arg25 : memref<!tpu.dma_semaphore, #tpu.memory_space<semaphore_mem>>) src(%dma_wait3A_978 : memref<128x32xf32, #tpu.memory_space<vmem>>) dst(%dma_wait3A_984 : memref<10000x32xf32, #tpu.memory_space<vmem_shared>>)
    %dma_wait3A_985 = arith.constant 7 : i32
    %dma_wait3A_986 = arith.constant 71 : i32
    %dma_wait3A_987 = arith.constant 0 : i32
    %dma_wait3A_988 = arith.constant 0 : i32
    %dma_wait3A_989 = tpu.memref_slice %arg8[%dma_wait3A_985, %dma_wait3A_987, %dma_wait3A_988] : memref<8x128x32xf32, #tpu.memory_space<vmem>> -> memref<1x128x32xf32, #tpu.memory_space<vmem>>
    %dma_wait3A_990 = tpu.memref_squeeze %dma_wait3A_989 : memref<1x128x32xf32, #tpu.memory_space<vmem>> -> memref<128x32xf32, #tpu.memory_space<vmem>>
    %dma_wait3A_991 = arith.constant 0 : i32
    %dma_wait3A_992 = tpu.memref_slice %arg7[%dma_wait3A_986, %dma_wait3A_991] : memref<79x128xi32, #tpu.memory_space<vmem>> -> memref<1x128xi32, #tpu.memory_space<vmem>>
    %dma_wait3A_993 = tpu.memref_squeeze %dma_wait3A_992 : memref<1x128xi32, #tpu.memory_space<vmem>> -> memref<128xi32, #tpu.memory_space<vmem>>
    %dma_wait3A_994 = arith.constant 0 : i32
    %dma_wait3A_995 = arith.constant 0 : i32
    %dma_wait3A_996 = tpu.memref_slice %arg9[%dma_wait3A_994, %dma_wait3A_995] : memref<10000x32xf32, #tpu.memory_space<vmem_shared>> -> memref<10000x32xf32, #tpu.memory_space<vmem_shared>>
    tpu.wait_indirect_dma semaphore(%arg26 : memref<!tpu.dma_semaphore, #tpu.memory_space<semaphore_mem>>) src(%dma_wait3A_990 : memref<128x32xf32, #tpu.memory_space<vmem>>) dst(%dma_wait3A_996 : memref<10000x32xf32, #tpu.memory_space<vmem_shared>>)
    %dma_wait3A_997 = arith.constant 0 : i32
    %dma_wait3A_998 = arith.constant 72 : i32
    %dma_wait3A_999 = arith.constant 0 : i32
    %dma_wait3A_1000 = arith.constant 0 : i32
    %dma_wait3A_1001 = tpu.memref_slice %arg8[%dma_wait3A_997, %dma_wait3A_999, %dma_wait3A_1000] : memref<8x128x32xf32, #tpu.memory_space<vmem>> -> memref<1x128x32xf32, #tpu.memory_space<vmem>>
    %dma_wait3A_1002 = tpu.memref_squeeze %dma_wait3A_1001 : memref<1x128x32xf32, #tpu.memory_space<vmem>> -> memref<128x32xf32, #tpu.memory_space<vmem>>
    %dma_wait3A_1003 = arith.constant 0 : i32
    %dma_wait3A_1004 = tpu.memref_slice %arg7[%dma_wait3A_998, %dma_wait3A_1003] : memref<79x128xi32, #tpu.memory_space<vmem>> -> memref<1x128xi32, #tpu.memory_space<vmem>>
    %dma_wait3A_1005 = tpu.memref_squeeze %dma_wait3A_1004 : memref<1x128xi32, #tpu.memory_space<vmem>> -> memref<128xi32, #tpu.memory_space<vmem>>
    %dma_wait3A_1006 = arith.constant 0 : i32
    %dma_wait3A_1007 = arith.constant 0 : i32
    %dma_wait3A_1008 = tpu.memref_slice %arg9[%dma_wait3A_1006, %dma_wait3A_1007] : memref<10000x32xf32, #tpu.memory_space<vmem_shared>> -> memref<10000x32xf32, #tpu.memory_space<vmem_shared>>
    tpu.wait_indirect_dma semaphore(%arg19 : memref<!tpu.dma_semaphore, #tpu.memory_space<semaphore_mem>>) src(%dma_wait3A_1002 : memref<128x32xf32, #tpu.memory_space<vmem>>) dst(%dma_wait3A_1008 : memref<10000x32xf32, #tpu.memory_space<vmem_shared>>)
    %dma_wait3A_1009 = arith.constant 1 : i32
    %dma_wait3A_1010 = arith.constant 73 : i32
    %dma_wait3A_1011 = arith.constant 0 : i32
    %dma_wait3A_1012 = arith.constant 0 : i32
    %dma_wait3A_1013 = tpu.memref_slice %arg8[%dma_wait3A_1009, %dma_wait3A_1011, %dma_wait3A_1012] : memref<8x128x32xf32, #tpu.memory_space<vmem>> -> memref<1x128x32xf32, #tpu.memory_space<vmem>>
    %dma_wait3A_1014 = tpu.memref_squeeze %dma_wait3A_1013 : memref<1x128x32xf32, #tpu.memory_space<vmem>> -> memref<128x32xf32, #tpu.memory_space<vmem>>
    %dma_wait3A_1015 = arith.constant 0 : i32
    %dma_wait3A_1016 = tpu.memref_slice %arg7[%dma_wait3A_1010, %dma_wait3A_1015] : memref<79x128xi32, #tpu.memory_space<vmem>> -> memref<1x128xi32, #tpu.memory_space<vmem>>
    %dma_wait3A_1017 = tpu.memref_squeeze %dma_wait3A_1016 : memref<1x128xi32, #tpu.memory_space<vmem>> -> memref<128xi32, #tpu.memory_space<vmem>>
    %dma_wait3A_1018 = arith.constant 0 : i32
    %dma_wait3A_1019 = arith.constant 0 : i32
    %dma_wait3A_1020 = tpu.memref_slice %arg9[%dma_wait3A_1018, %dma_wait3A_1019] : memref<10000x32xf32, #tpu.memory_space<vmem_shared>> -> memref<10000x32xf32, #tpu.memory_space<vmem_shared>>
    tpu.wait_indirect_dma semaphore(%arg20 : memref<!tpu.dma_semaphore, #tpu.memory_space<semaphore_mem>>) src(%dma_wait3A_1014 : memref<128x32xf32, #tpu.memory_space<vmem>>) dst(%dma_wait3A_1020 : memref<10000x32xf32, #tpu.memory_space<vmem_shared>>)
    %dma_wait3A_1021 = arith.constant 2 : i32
    %dma_wait3A_1022 = arith.constant 74 : i32
    %dma_wait3A_1023 = arith.constant 0 : i32
    %dma_wait3A_1024 = arith.constant 0 : i32
    %dma_wait3A_1025 = tpu.memref_slice %arg8[%dma_wait3A_1021, %dma_wait3A_1023, %dma_wait3A_1024] : memref<8x128x32xf32, #tpu.memory_space<vmem>> -> memref<1x128x32xf32, #tpu.memory_space<vmem>>
    %dma_wait3A_1026 = tpu.memref_squeeze %dma_wait3A_1025 : memref<1x128x32xf32, #tpu.memory_space<vmem>> -> memref<128x32xf32, #tpu.memory_space<vmem>>
    %dma_wait3A_1027 = arith.constant 0 : i32
    %dma_wait3A_1028 = tpu.memref_slice %arg7[%dma_wait3A_1022, %dma_wait3A_1027] : memref<79x128xi32, #tpu.memory_space<vmem>> -> memref<1x128xi32, #tpu.memory_space<vmem>>
    %dma_wait3A_1029 = tpu.memref_squeeze %dma_wait3A_1028 : memref<1x128xi32, #tpu.memory_space<vmem>> -> memref<128xi32, #tpu.memory_space<vmem>>
    %dma_wait3A_1030 = arith.constant 0 : i32
    %dma_wait3A_1031 = arith.constant 0 : i32
    %dma_wait3A_1032 = tpu.memref_slice %arg9[%dma_wait3A_1030, %dma_wait3A_1031] : memref<10000x32xf32, #tpu.memory_space<vmem_shared>> -> memref<10000x32xf32, #tpu.memory_space<vmem_shared>>
    tpu.wait_indirect_dma semaphore(%arg21 : memref<!tpu.dma_semaphore, #tpu.memory_space<semaphore_mem>>) src(%dma_wait3A_1026 : memref<128x32xf32, #tpu.memory_space<vmem>>) dst(%dma_wait3A_1032 : memref<10000x32xf32, #tpu.memory_space<vmem_shared>>)
    %dma_wait3A_1033 = arith.constant 3 : i32
    %dma_wait3A_1034 = arith.constant 75 : i32
    %dma_wait3A_1035 = arith.constant 0 : i32
    %dma_wait3A_1036 = arith.constant 0 : i32
    %dma_wait3A_1037 = tpu.memref_slice %arg8[%dma_wait3A_1033, %dma_wait3A_1035, %dma_wait3A_1036] : memref<8x128x32xf32, #tpu.memory_space<vmem>> -> memref<1x128x32xf32, #tpu.memory_space<vmem>>
    %dma_wait3A_1038 = tpu.memref_squeeze %dma_wait3A_1037 : memref<1x128x32xf32, #tpu.memory_space<vmem>> -> memref<128x32xf32, #tpu.memory_space<vmem>>
    %dma_wait3A_1039 = arith.constant 0 : i32
    %dma_wait3A_1040 = tpu.memref_slice %arg7[%dma_wait3A_1034, %dma_wait3A_1039] : memref<79x128xi32, #tpu.memory_space<vmem>> -> memref<1x128xi32, #tpu.memory_space<vmem>>
    %dma_wait3A_1041 = tpu.memref_squeeze %dma_wait3A_1040 : memref<1x128xi32, #tpu.memory_space<vmem>> -> memref<128xi32, #tpu.memory_space<vmem>>
    %dma_wait3A_1042 = arith.constant 0 : i32
    %dma_wait3A_1043 = arith.constant 0 : i32
    %dma_wait3A_1044 = tpu.memref_slice %arg9[%dma_wait3A_1042, %dma_wait3A_1043] : memref<10000x32xf32, #tpu.memory_space<vmem_shared>> -> memref<10000x32xf32, #tpu.memory_space<vmem_shared>>
    tpu.wait_indirect_dma semaphore(%arg22 : memref<!tpu.dma_semaphore, #tpu.memory_space<semaphore_mem>>) src(%dma_wait3A_1038 : memref<128x32xf32, #tpu.memory_space<vmem>>) dst(%dma_wait3A_1044 : memref<10000x32xf32, #tpu.memory_space<vmem_shared>>)
    %dma_wait3A_1045 = arith.constant 4 : i32
    %dma_wait3A_1046 = arith.constant 76 : i32
    %dma_wait3A_1047 = arith.constant 0 : i32
    %dma_wait3A_1048 = arith.constant 0 : i32
    %dma_wait3A_1049 = tpu.memref_slice %arg8[%dma_wait3A_1045, %dma_wait3A_1047, %dma_wait3A_1048] : memref<8x128x32xf32, #tpu.memory_space<vmem>> -> memref<1x128x32xf32, #tpu.memory_space<vmem>>
    %dma_wait3A_1050 = tpu.memref_squeeze %dma_wait3A_1049 : memref<1x128x32xf32, #tpu.memory_space<vmem>> -> memref<128x32xf32, #tpu.memory_space<vmem>>
    %dma_wait3A_1051 = arith.constant 0 : i32
    %dma_wait3A_1052 = tpu.memref_slice %arg7[%dma_wait3A_1046, %dma_wait3A_1051] : memref<79x128xi32, #tpu.memory_space<vmem>> -> memref<1x128xi32, #tpu.memory_space<vmem>>
    %dma_wait3A_1053 = tpu.memref_squeeze %dma_wait3A_1052 : memref<1x128xi32, #tpu.memory_space<vmem>> -> memref<128xi32, #tpu.memory_space<vmem>>
    %dma_wait3A_1054 = arith.constant 0 : i32
    %dma_wait3A_1055 = arith.constant 0 : i32
    %dma_wait3A_1056 = tpu.memref_slice %arg9[%dma_wait3A_1054, %dma_wait3A_1055] : memref<10000x32xf32, #tpu.memory_space<vmem_shared>> -> memref<10000x32xf32, #tpu.memory_space<vmem_shared>>
    tpu.wait_indirect_dma semaphore(%arg23 : memref<!tpu.dma_semaphore, #tpu.memory_space<semaphore_mem>>) src(%dma_wait3A_1050 : memref<128x32xf32, #tpu.memory_space<vmem>>) dst(%dma_wait3A_1056 : memref<10000x32xf32, #tpu.memory_space<vmem_shared>>)
    %dma_wait3A_1057 = arith.constant 5 : i32
    %dma_wait3A_1058 = arith.constant 77 : i32
    %dma_wait3A_1059 = arith.constant 0 : i32
    %dma_wait3A_1060 = arith.constant 0 : i32
    %dma_wait3A_1061 = tpu.memref_slice %arg8[%dma_wait3A_1057, %dma_wait3A_1059, %dma_wait3A_1060] : memref<8x128x32xf32, #tpu.memory_space<vmem>> -> memref<1x128x32xf32, #tpu.memory_space<vmem>>
    %dma_wait3A_1062 = tpu.memref_squeeze %dma_wait3A_1061 : memref<1x128x32xf32, #tpu.memory_space<vmem>> -> memref<128x32xf32, #tpu.memory_space<vmem>>
    %dma_wait3A_1063 = arith.constant 0 : i32
    %dma_wait3A_1064 = tpu.memref_slice %arg7[%dma_wait3A_1058, %dma_wait3A_1063] : memref<79x128xi32, #tpu.memory_space<vmem>> -> memref<1x128xi32, #tpu.memory_space<vmem>>
    %dma_wait3A_1065 = tpu.memref_squeeze %dma_wait3A_1064 : memref<1x128xi32, #tpu.memory_space<vmem>> -> memref<128xi32, #tpu.memory_space<vmem>>
    %dma_wait3A_1066 = arith.constant 0 : i32
    %dma_wait3A_1067 = arith.constant 0 : i32
    %dma_wait3A_1068 = tpu.memref_slice %arg9[%dma_wait3A_1066, %dma_wait3A_1067] : memref<10000x32xf32, #tpu.memory_space<vmem_shared>> -> memref<10000x32xf32, #tpu.memory_space<vmem_shared>>
    tpu.wait_indirect_dma semaphore(%arg24 : memref<!tpu.dma_semaphore, #tpu.memory_space<semaphore_mem>>) src(%dma_wait3A_1062 : memref<128x32xf32, #tpu.memory_space<vmem>>) dst(%dma_wait3A_1068 : memref<10000x32xf32, #tpu.memory_space<vmem_shared>>)
    %lt3A_1069 = arith.constant 4 : i32
    %lt3A_1070 = arith.cmpi slt, %add3A, %lt3A_1069 : i32
    %convert_element_type3A_1071 = arith.extui %lt3A_1070 : i1 to i32
    %cond3A_1072 = arith.constant 0 : i32
    %cond3A_1073 = arith.cmpi ne, %convert_element_type3A_1071, %cond3A_1072 : i32
    scf.if %cond3A_1073 {
      %dma_start3A_1075 = arith.constant 78 : i32
      %dma_start3A_1076 = arith.constant 0 : i32
      %dma_start3A_1077 = arith.constant 0 : i32
      %dma_start3A_1078 = arith.constant 0 : i32
      %dma_start3A_1079 = tpu.memref_slice %arg8[%dma_start3A_1076, %dma_start3A_1077, %dma_start3A_1078] : memref<8x128x32xf32, #tpu.memory_space<vmem>> -> memref<1x128x32xf32, #tpu.memory_space<vmem>>
      %dma_start3A_1080 = tpu.memref_squeeze %dma_start3A_1079 : memref<1x128x32xf32, #tpu.memory_space<vmem>> -> memref<128x32xf32, #tpu.memory_space<vmem>>
      %dma_start3A_1081 = arith.constant 0 : i32
      %dma_start3A_1082 = tpu.memref_slice %arg6[%dma_start3A_1075, %dma_start3A_1081] : memref<79x128xi32, #tpu.memory_space<vmem>> -> memref<1x128xi32, #tpu.memory_space<vmem>>
      %dma_start3A_1083 = tpu.memref_squeeze %dma_start3A_1082 : memref<1x128xi32, #tpu.memory_space<vmem>> -> memref<128xi32, #tpu.memory_space<vmem>>
      %dma_start3A_1084 = arith.constant 0 : i32
      %dma_start3A_1085 = arith.constant 0 : i32
      %dma_start3A_1086 = tpu.memref_slice %arg10[%dma_start3A_1084, %dma_start3A_1085] : memref<10000x32xf32, #tpu.memory_space<vmem_shared>> -> memref<10000x32xf32, #tpu.memory_space<vmem_shared>>
      tpu.enqueue_indirect_dma source(%dma_start3A_1086 : memref<10000x32xf32, #tpu.memory_space<vmem_shared>>) target(%dma_start3A_1080 : memref<128x32xf32, #tpu.memory_space<vmem>>) offsets(%dma_start3A_1083 : memref<128xi32, #tpu.memory_space<vmem>>) semaphore(%arg11 : memref<!tpu.dma_semaphore, #tpu.memory_space<semaphore_mem>>)
      %dma_wait3A_1087 = arith.constant 78 : i32
      %dma_wait3A_1088 = arith.constant 0 : i32
      %dma_wait3A_1089 = arith.constant 0 : i32
      %dma_wait3A_1090 = arith.constant 0 : i32
      %dma_wait3A_1091 = tpu.memref_slice %arg8[%dma_wait3A_1088, %dma_wait3A_1089, %dma_wait3A_1090] : memref<8x128x32xf32, #tpu.memory_space<vmem>> -> memref<1x128x32xf32, #tpu.memory_space<vmem>>
      %dma_wait3A_1092 = tpu.memref_squeeze %dma_wait3A_1091 : memref<1x128x32xf32, #tpu.memory_space<vmem>> -> memref<128x32xf32, #tpu.memory_space<vmem>>
      %dma_wait3A_1093 = arith.constant 0 : i32
      %dma_wait3A_1094 = tpu.memref_slice %arg6[%dma_wait3A_1087, %dma_wait3A_1093] : memref<79x128xi32, #tpu.memory_space<vmem>> -> memref<1x128xi32, #tpu.memory_space<vmem>>
      %dma_wait3A_1095 = tpu.memref_squeeze %dma_wait3A_1094 : memref<1x128xi32, #tpu.memory_space<vmem>> -> memref<128xi32, #tpu.memory_space<vmem>>
      %dma_wait3A_1096 = arith.constant 0 : i32
      %dma_wait3A_1097 = arith.constant 0 : i32
      %dma_wait3A_1098 = tpu.memref_slice %arg10[%dma_wait3A_1096, %dma_wait3A_1097] : memref<10000x32xf32, #tpu.memory_space<vmem_shared>> -> memref<10000x32xf32, #tpu.memory_space<vmem_shared>>
      tpu.wait_indirect_dma semaphore(%arg11 : memref<!tpu.dma_semaphore, #tpu.memory_space<semaphore_mem>>) src(%dma_wait3A_1098 : memref<10000x32xf32, #tpu.memory_space<vmem_shared>>) dst(%dma_wait3A_1092 : memref<128x32xf32, #tpu.memory_space<vmem>>)
      %run_scoped3A_1099 = arith.constant 0 : i32
      %run_scoped3A_1100 = arith.constant 78 : i32
      "tpu.region"() ({
        %run_scoped3A_1101 = tpu.sem_alloc : memref<!tpu.dma_semaphore, #tpu.memory_space<semaphore_mem>>
        %dma_start3A_1102 = arith.constant 0 : i32
        %dma_start3A_1103 = arith.constant 0 : i32
        %dma_start3A_1104 = tpu.memref_slice %arg8[%run_scoped3A_1099, %dma_start3A_1102, %dma_start3A_1103] : memref<8x128x32xf32, #tpu.memory_space<vmem>> -> memref<1x128x32xf32, #tpu.memory_space<vmem>>
        %dma_start3A_1105 = tpu.memref_squeeze %dma_start3A_1104 : memref<1x128x32xf32, #tpu.memory_space<vmem>> -> memref<128x32xf32, #tpu.memory_space<vmem>>
        %dma_start3A_1106 = arith.constant 0 : i32
        %dma_start3A_1107 = tpu.memref_slice %arg7[%run_scoped3A_1100, %dma_start3A_1106] : memref<79x128xi32, #tpu.memory_space<vmem>> -> memref<1x128xi32, #tpu.memory_space<vmem>>
        %dma_start3A_1108 = tpu.memref_squeeze %dma_start3A_1107 : memref<1x128xi32, #tpu.memory_space<vmem>> -> memref<128xi32, #tpu.memory_space<vmem>>
        %dma_start3A_1109 = arith.constant 0 : i32
        %dma_start3A_1110 = arith.constant 0 : i32
        %dma_start3A_1111 = tpu.memref_slice %arg9[%dma_start3A_1109, %dma_start3A_1110] : memref<10000x32xf32, #tpu.memory_space<vmem_shared>> -> memref<10000x32xf32, #tpu.memory_space<vmem_shared>>
        tpu.enqueue_indirect_dma source(%dma_start3A_1105 : memref<128x32xf32, #tpu.memory_space<vmem>>) target(%dma_start3A_1111 : memref<10000x32xf32, #tpu.memory_space<vmem_shared>>) offsets(%dma_start3A_1108 : memref<128xi32, #tpu.memory_space<vmem>>) semaphore(%run_scoped3A_1101 : memref<!tpu.dma_semaphore, #tpu.memory_space<semaphore_mem>>) {add = true}
        %dma_wait3A_1112 = arith.constant 0 : i32
        %dma_wait3A_1113 = arith.constant 0 : i32
        %dma_wait3A_1114 = tpu.memref_slice %arg8[%run_scoped3A_1099, %dma_wait3A_1112, %dma_wait3A_1113] : memref<8x128x32xf32, #tpu.memory_space<vmem>> -> memref<1x128x32xf32, #tpu.memory_space<vmem>>
        %dma_wait3A_1115 = tpu.memref_squeeze %dma_wait3A_1114 : memref<1x128x32xf32, #tpu.memory_space<vmem>> -> memref<128x32xf32, #tpu.memory_space<vmem>>
        %dma_wait3A_1116 = arith.constant 0 : i32
        %dma_wait3A_1117 = tpu.memref_slice %arg7[%run_scoped3A_1100, %dma_wait3A_1116] : memref<79x128xi32, #tpu.memory_space<vmem>> -> memref<1x128xi32, #tpu.memory_space<vmem>>
        %dma_wait3A_1118 = tpu.memref_squeeze %dma_wait3A_1117 : memref<1x128xi32, #tpu.memory_space<vmem>> -> memref<128xi32, #tpu.memory_space<vmem>>
        %dma_wait3A_1119 = arith.constant 0 : i32
        %dma_wait3A_1120 = arith.constant 0 : i32
        %dma_wait3A_1121 = tpu.memref_slice %arg9[%dma_wait3A_1119, %dma_wait3A_1120] : memref<10000x32xf32, #tpu.memory_space<vmem_shared>> -> memref<10000x32xf32, #tpu.memory_space<vmem_shared>>
        tpu.wait_indirect_dma semaphore(%run_scoped3A_1101 : memref<!tpu.dma_semaphore, #tpu.memory_space<semaphore_mem>>) src(%dma_wait3A_1115 : memref<128x32xf32, #tpu.memory_space<vmem>>) dst(%dma_wait3A_1121 : memref<10000x32xf32, #tpu.memory_space<vmem_shared>>)
        tpu.yield
      }) : () -> ()
    } else {
    }
    %barrier3A_1074 = arith.constant 0 : index
    tpu.barrier barrier_id(%barrier3A_1074)
    "tpu.region"() ({
      %run_scoped3A_1075 = tpu.sem_alloc : memref<!tpu.dma_semaphore, #tpu.memory_space<semaphore_mem>>
      %dma_start3A_1076 = arith.constant 0 : i32
      %dma_start3A_1077 = tpu.memref_slice %arg5[%arg0, %mul3A_2, %dma_start3A_1076] : memref<2x10000x32xf32, #tpu.memory_space<hbm>> -> memref<1x625x32xf32, #tpu.memory_space<hbm>>
      %dma_start3A_1078 = tpu.memref_squeeze %dma_start3A_1077 : memref<1x625x32xf32, #tpu.memory_space<hbm>> -> memref<625x32xf32, #tpu.memory_space<hbm>>
      %dma_start3A_1079 = arith.constant 0 : i32
      %dma_start3A_1080 = tpu.memref_slice %arg9[%mul3A_2, %dma_start3A_1079] : memref<10000x32xf32, #tpu.memory_space<vmem_shared>> -> memref<625x32xf32, #tpu.memory_space<vmem_shared>>
      tpu.enqueue_dma source(%dma_start3A_1080 : memref<625x32xf32, #tpu.memory_space<vmem_shared>>) target(%dma_start3A_1078 : memref<625x32xf32, #tpu.memory_space<hbm>>) target_semaphore(%run_scoped3A_1075 : memref<!tpu.dma_semaphore, #tpu.memory_space<semaphore_mem>>)
      %dma_wait3A_1081 = arith.constant 0 : i32
      %dma_wait3A_1082 = tpu.memref_slice %arg5[%arg0, %mul3A_2, %dma_wait3A_1081] : memref<2x10000x32xf32, #tpu.memory_space<hbm>> -> memref<1x625x32xf32, #tpu.memory_space<hbm>>
      %dma_wait3A_1083 = tpu.memref_squeeze %dma_wait3A_1082 : memref<1x625x32xf32, #tpu.memory_space<hbm>> -> memref<625x32xf32, #tpu.memory_space<hbm>>
      %dma_wait3A_1084 = arith.constant 0 : i32
      %dma_wait3A_1085 = tpu.memref_slice %arg9[%mul3A_2, %dma_wait3A_1084] : memref<10000x32xf32, #tpu.memory_space<vmem_shared>> -> memref<625x32xf32, #tpu.memory_space<vmem_shared>>
      tpu.wait_dma2 semaphore(%run_scoped3A_1075 : memref<!tpu.dma_semaphore, #tpu.memory_space<semaphore_mem>>) src(%dma_wait3A_1085 : memref<625x32xf32, #tpu.memory_space<vmem_shared>>) dst(%dma_wait3A_1083 : memref<625x32xf32, #tpu.memory_space<hbm>>)
      tpu.yield
    }) : () -> ()
    return
  }
}

module attributes {stable_mosaic.version = 14 : i64} {
  func.func @_enc_body(%arg0: i32, %arg1: memref<2000x128xf32, #tpu.memory_space<vmem>>, %arg2: memref<128x32xf32, #tpu.memory_space<vmem>>, %arg3: memref<2000x32xf32, #tpu.memory_space<vmem>>) attributes {dimension_semantics = [#tpu.dimension_semantics<arbitrary>], iteration_bounds = array<i64: 5>, scalar_prefetch = 0 : i64, scratch_operands = 0 : i64, tpu.core_type = #tpu.core_type<tc>, window_params = [{transform_indices = @transform_0, window_bounds = array<i64: 2000, 128>}, {pipeline_mode = #tpu.pipeline_mode<synchronous>, transform_indices = @transform_1, window_bounds = array<i64: 128, 32>}, {transform_indices = @transform_2, window_bounds = array<i64: 2000, 32>}]} {
    %get3A = arith.constant 0 : index
    %get3A_0 = arith.constant 0 : index
    %get3A_1 = vector.load %arg1[%get3A, %get3A_0] : memref<2000x128xf32, #tpu.memory_space<vmem>>, vector<2000x128xf32>
    %get3A_2 = arith.constant 0 : index
    %get3A_3 = arith.constant 0 : index
    %get3A_4 = vector.load %arg2[%get3A_2, %get3A_3] : memref<128x32xf32, #tpu.memory_space<vmem>>, vector<128x32xf32>
    %dot_general3A = arith.constant dense<0.000000e+00> : vector<2000x32xf32>
    %dot_general3A_5 = tpu.matmul %get3A_1, %get3A_4, %dot_general3A {dimension_numbers = #tpu.dot_dimension_numbers<[1], [0], [0], [1], [0, 0, 1, 1], [], []>, transpose_lhs_hint = false} : vector<2000x128xf32>, vector<128x32xf32>, vector<2000x32xf32> -> vector<2000x32xf32>
    %swap3A = arith.constant 0 : index
    %swap3A_6 = arith.constant 0 : index
    %swap3A_7 = vector.load %arg3[%swap3A, %swap3A_6] : memref<2000x32xf32, #tpu.memory_space<vmem>>, vector<2000x32xf32>
    tpu.vector_store %arg3[%swap3A, %swap3A_6], %dot_general3A_5 {strides = array<i32>} : memref<2000x32xf32, #tpu.memory_space<vmem>>, vector<2000x32xf32>,
    return
  }
  func.func @transform_0(%arg0: i32) -> (i32, i32) {
    %c0_i32 = arith.constant 0 : i32
    %c0_i32_0 = arith.constant 0 : i32
    return %arg0, %c0_i32 : i32, i32
  }
  func.func @transform_1(%arg0: i32) -> (i32, i32) {
    %c0_i32 = arith.constant 0 : i32
    %c0_i32_0 = arith.constant 0 : i32
    %c0_i32_1 = arith.constant 0 : i32
    return %c0_i32, %c0_i32_0 : i32, i32
  }
  func.func @transform_2(%arg0: i32) -> (i32, i32) {
    %c0_i32 = arith.constant 0 : i32
    %c0_i32_0 = arith.constant 0 : i32
    return %arg0, %c0_i32 : i32, i32
  }
}

module attributes {stable_mosaic.version = 14 : i64} {
  func.func @_tail_body(%arg0: i32, %arg1: memref<2x2000x32xf32, #tpu.memory_space<vmem>>, %arg2: memref<1x32xf32, #tpu.memory_space<vmem>>, %arg3: memref<32x128xf32, #tpu.memory_space<vmem>>, %arg4: memref<1x128xf32, #tpu.memory_space<vmem>>, %arg5: memref<128x1xf32, #tpu.memory_space<vmem>>, %arg6: memref<2000x32xf32, #tpu.memory_space<vmem>>, %arg7: memref<2000x128xf32, #tpu.memory_space<vmem>>, %arg8: memref<2000x1xf32, #tpu.memory_space<vmem>>, %arg9: memref<2000x128xf32, #tpu.memory_space<vmem>>) attributes {dimension_semantics = [#tpu.dimension_semantics<arbitrary>], iteration_bounds = array<i64: 5>, scalar_prefetch = 0 : i64, scratch_operands = 0 : i64, tpu.core_type = #tpu.core_type<tc>, window_params = [{transform_indices = @transform_0, window_bounds = array<i64: 2, 2000, 32>}, {pipeline_mode = #tpu.pipeline_mode<synchronous>, transform_indices = @transform_1, window_bounds = array<i64: 1, 32>}, {pipeline_mode = #tpu.pipeline_mode<synchronous>, transform_indices = @transform_2, window_bounds = array<i64: 32, 128>}, {pipeline_mode = #tpu.pipeline_mode<synchronous>, transform_indices = @transform_3, window_bounds = array<i64: 1, 128>}, {pipeline_mode = #tpu.pipeline_mode<synchronous>, transform_indices = @transform_4, window_bounds = array<i64: 128, 1>}, {transform_indices = @transform_5, window_bounds = array<i64: 2000, 32>}, {transform_indices = @transform_6, window_bounds = array<i64: 2000, 128>}, {transform_indices = @transform_7, window_bounds = array<i64: 2000, 1>}, {transform_indices = @transform_8, window_bounds = array<i64: 2000, 128>}]} {
    %get3A = arith.constant 0 : index
    %get3A_0 = arith.constant 0 : index
    %get3A_1 = arith.constant 0 : index
    %get3A_2 = vector.load %arg1[%get3A, %get3A_0, %get3A_1] : memref<2x2000x32xf32, #tpu.memory_space<vmem>>, vector<1x2000x32xf32>
    %get3A_3 = vector.shape_cast %get3A_2 : vector<1x2000x32xf32> to vector<2000x32xf32>
    %get3A_4 = arith.constant 1 : index
    %get3A_5 = arith.constant 0 : index
    %get3A_6 = arith.constant 0 : index
    %get3A_7 = vector.load %arg1[%get3A_4, %get3A_5, %get3A_6] : memref<2x2000x32xf32, #tpu.memory_space<vmem>>, vector<1x2000x32xf32>
    %get3A_8 = vector.shape_cast %get3A_7 : vector<1x2000x32xf32> to vector<2000x32xf32>
    %add3A = arith.addf %get3A_3, %get3A_8 : vector<2000x32xf32>
    %get3A_9 = arith.constant 0 : index
    %get3A_10 = arith.constant 0 : index
    %get3A_11 = vector.load %arg2[%get3A_9, %get3A_10] : memref<1x32xf32, #tpu.memory_space<vmem>>, vector<1x32xf32>
    %add3A_12 = vector.broadcast %get3A_11 : vector<1x32xf32> to vector<2000x32xf32>
    %add3A_13 = arith.addf %add3A, %add3A_12 : vector<2000x32xf32>
    %max3A = arith.constant 0.000000e+00 : f32
    %max3A_14 = vector.broadcast %max3A : f32 to vector<2000x32xf32>
    %max3A_15 = arith.maximumf %add3A_13, %max3A_14 : vector<2000x32xf32>
    %swap3A = arith.constant 0 : index
    %swap3A_16 = arith.constant 0 : index
    %swap3A_17 = vector.load %arg6[%swap3A, %swap3A_16] : memref<2000x32xf32, #tpu.memory_space<vmem>>, vector<2000x32xf32>
    tpu.vector_store %arg6[%swap3A, %swap3A_16], %max3A_15 {strides = array<i32>} : memref<2000x32xf32, #tpu.memory_space<vmem>>, vector<2000x32xf32>,
    %get3A_18 = arith.constant 0 : index
    %get3A_19 = arith.constant 0 : index
    %get3A_20 = vector.load %arg3[%get3A_18, %get3A_19] : memref<32x128xf32, #tpu.memory_space<vmem>>, vector<32x128xf32>
    %dot_general3A = arith.constant dense<0.000000e+00> : vector<2000x128xf32>
    %dot_general3A_21 = tpu.matmul %max3A_15, %get3A_20, %dot_general3A {dimension_numbers = #tpu.dot_dimension_numbers<[1], [0], [0], [1], [0, 0, 1, 1], [], []>, transpose_lhs_hint = false} : vector<2000x32xf32>, vector<32x128xf32>, vector<2000x128xf32> -> vector<2000x128xf32>
    %get3A_22 = arith.constant 0 : index
    %get3A_23 = arith.constant 0 : index
    %get3A_24 = vector.load %arg4[%get3A_22, %get3A_23] : memref<1x128xf32, #tpu.memory_space<vmem>>, vector<1x128xf32>
    %add3A_25 = vector.broadcast %get3A_24 : vector<1x128xf32> to vector<2000x128xf32>
    %add3A_26 = arith.addf %dot_general3A_21, %add3A_25 : vector<2000x128xf32>
    %swap3A_27 = arith.constant 0 : index
    %swap3A_28 = arith.constant 0 : index
    %swap3A_29 = vector.load %arg7[%swap3A_27, %swap3A_28] : memref<2000x128xf32, #tpu.memory_space<vmem>>, vector<2000x128xf32>
    tpu.vector_store %arg7[%swap3A_27, %swap3A_28], %add3A_26 {strides = array<i32>} : memref<2000x128xf32, #tpu.memory_space<vmem>>, vector<2000x128xf32>,
    %get3A_30 = arith.constant 0 : index
    %get3A_31 = arith.constant 0 : index
    %get3A_32 = vector.load %arg5[%get3A_30, %get3A_31] : memref<128x1xf32, #tpu.memory_space<vmem>>, vector<128x1xf32>
    %dot_general3A_33 = arith.constant dense<0.000000e+00> : vector<2000x1xf32>
    %dot_general3A_34 = tpu.matmul %add3A_26, %get3A_32, %dot_general3A_33 {dimension_numbers = #tpu.dot_dimension_numbers<[1], [0], [0], [1], [0, 0, 1, 1], [], []>, transpose_lhs_hint = false} : vector<2000x128xf32>, vector<128x1xf32>, vector<2000x1xf32> -> vector<2000x1xf32>
    %swap3A_35 = arith.constant 0 : index
    %swap3A_36 = arith.constant 0 : index
    %swap3A_37 = vector.load %arg8[%swap3A_35, %swap3A_36] : memref<2000x1xf32, #tpu.memory_space<vmem>>, vector<2000x1xf32>
    tpu.vector_store %arg8[%swap3A_35, %swap3A_36], %dot_general3A_34 {strides = array<i32>} : memref<2000x1xf32, #tpu.memory_space<vmem>>, vector<2000x1xf32>,
    %exp3A = math.exp %add3A_26 : vector<2000x128xf32>
    %reduce_sum3A = arith.constant dense<0.000000e+00> : vector<2000xf32>
    %reduce_sum3A_38 = vector.multi_reduction <add>, %exp3A, %reduce_sum3A [1] : vector<2000x128xf32> to vector<2000xf32>
    %broadcast_in_dim3A = vector.shape_cast %reduce_sum3A_38 : vector<2000xf32> to vector<2000x1xf32>
    %div3A = vector.broadcast %broadcast_in_dim3A : vector<2000x1xf32> to vector<2000x128xf32>
    %div3A_39 = arith.divf %exp3A, %div3A : vector<2000x128xf32>
    %swap3A_40 = arith.constant 0 : index
    %swap3A_41 = arith.constant 0 : index
    %swap3A_42 = vector.load %arg9[%swap3A_40, %swap3A_41] : memref<2000x128xf32, #tpu.memory_space<vmem>>, vector<2000x128xf32>
    tpu.vector_store %arg9[%swap3A_40, %swap3A_41], %div3A_39 {strides = array<i32>} : memref<2000x128xf32, #tpu.memory_space<vmem>>, vector<2000x128xf32>,
    return
  }
  func.func @transform_0(%arg0: i32) -> (i32, i32, i32) {
    %c0_i32 = arith.constant 0 : i32
    %c0_i32_0 = arith.constant 0 : i32
    %c0_i32_1 = arith.constant 0 : i32
    return %c0_i32, %arg0, %c0_i32_0 : i32, i32, i32
  }
  func.func @transform_1(%arg0: i32) -> (i32, i32) {
    %c0_i32 = arith.constant 0 : i32
    %c0_i32_0 = arith.constant 0 : i32
    %c0_i32_1 = arith.constant 0 : i32
    return %c0_i32, %c0_i32_0 : i32, i32
  }
  func.func @transform_2(%arg0: i32) -> (i32, i32) {
    %c0_i32 = arith.constant 0 : i32
    %c0_i32_0 = arith.constant 0 : i32
    %c0_i32_1 = arith.constant 0 : i32
    return %c0_i32, %c0_i32_0 : i32, i32
  }
  func.func @transform_3(%arg0: i32) -> (i32, i32) {
    %c0_i32 = arith.constant 0 : i32
    %c0_i32_0 = arith.constant 0 : i32
    %c0_i32_1 = arith.constant 0 : i32
    return %c0_i32, %c0_i32_0 : i32, i32
  }
  func.func @transform_4(%arg0: i32) -> (i32, i32) {
    %c0_i32 = arith.constant 0 : i32
    %c0_i32_0 = arith.constant 0 : i32
    %c0_i32_1 = arith.constant 0 : i32
    return %c0_i32, %c0_i32_0 : i32, i32
  }
  func.func @transform_5(%arg0: i32) -> (i32, i32) {
    %c0_i32 = arith.constant 0 : i32
    %c0_i32_0 = arith.constant 0 : i32
    return %arg0, %c0_i32 : i32, i32
  }
  func.func @transform_6(%arg0: i32) -> (i32, i32) {
    %c0_i32 = arith.constant 0 : i32
    %c0_i32_0 = arith.constant 0 : i32
    return %arg0, %c0_i32 : i32, i32
  }
  func.func @transform_7(%arg0: i32) -> (i32, i32) {
    %c0_i32 = arith.constant 0 : i32
    %c0_i32_0 = arith.constant 0 : i32
    return %arg0, %c0_i32 : i32, i32
  }
  func.func @transform_8(%arg0: i32) -> (i32, i32) {
    %c0_i32 = arith.constant 0 : i32
    %c0_i32_0 = arith.constant 0 : i32
    return %arg0, %c0_i32 : i32, i32
  }
}

</mosaic_0001>

<sc_bundles>
// kernel: kernel.5.cloned.1.call-start
scs
__scs_entry_jumppad:
0x0: {  	(pc) =	sbr.rel $0x88, $3  }
0x1: {  	(tag) =	ssettag $0x0;
	lr =	simm.s32 $0x1  }
0x2: {  	[smem:$0x3F9A] =	sst lr;
	_ =	strace $0xD0000000  }
0x3: {  	_ = 	snop  }
0x4: {  	_ = 	snop  }
0x5: {  	_ = 	snop  }
0x6: {  	_ = 	snop  }
0x7: {  	_ = 	snop  }
__scs_overlays_trampoline_lowered:
0x8: {  	[smem:$0x3FA9] =	sst s0  }
0x9: {  	[smem:$0x3FAA] =	sst s1  }
0xa: {  	[smem:$0x3FAB] =	sst s2  }
0xb: {  	[smem:$0x3FAC] =	sst s3  }
0xc: {  	[smem:$0x3FAD] =	sst s4  }
0xd: {  	[smem:$0x3FAE] =	sst s5  }
0xe: {  	[smem:$0x3FAF] =	sst s6  }
0xf: {  	[smem:$0x3FB0] =	sst s7  }
0x10: {  	[smem:$0x3FB1] =	sst s8  }
0x11: {  	[smem:$0x3FB2] =	sst s9;
	s0 =	simm.s32 @!p0 $0x0  }
0x12: {  	s1 =	sld [smem:$0x3F98];
	s0 =	simm.s32 @p0 $0x1  }
0x13: {  	[smem:$0x3FB3] =	sst s0;
	s0 =	simm.s32 @!p1 $0x0  }
0x14: {  	s2 =	sld [smem:$0x3F97];
	s0 =	simm.s32 @p1 $0x1  }
0x15: {  	[smem:$0x3FB4] =	sst s0;
	s0 =	simm.s32 @!p2 $0x0  }
0x16: {  	s3 =	sld [smem:$0x3FDB];
	s0 =	simm.s32 @p2 $0x1  }
0x17: {  	s4 =	simm.s32 $0x1BF5;
	[smem:$0x3FB6] =	sst s0  }
0x18: {  	s0 =	sld [smem:$0x3F99];
	_ =	swait.ge [sflag:s4], $0x0  }
0x19: {  	s7 =	sld [smem:$0x3F9A]  }
0x1a: {  	s8 =	sadd.s32 $0xFFFFE003, lr  }
0x1b: {  	s9 =	sadd.s32 $0xFFFFFEF7, lr;
	s5 =	simm.s32 $0xFFFFFFFF;
	p2 =	slt.u32 s8, $0xFFFFF086  }
0x1c: {  	p1 =	slt.u32 s9, $0xF7A;
	s5 =	simm.s32 @!p2 $0x0  }
0x1d: {  	s5 =	simm.s32 @p1 $0x1;
	p0 =	seq.s32 s7, s2  }
0x1e: {  	s7 =	smul.u32 @!p0 $0xF7A, s2;
	p2 =	seq.s32 @!p0 s5, $0x0  }
0x1f: {  	s9 =	smul.u32 $0xF7A, s1;
	s8 =	simm.s32 @!p0 $0x1BF5;
	p2 =	por !p2, p0  }
0x20: {  	[sflag:s8] =	ssyncset.s32 @!p0 $0xFFFFF086;
	s6 =	sadd.s32 @!p0 s3, s7;
	s7 =	simm.s32 @!p0 $0x108  }
0x21: {  	s3 =	sadd.s32 s3, s9;
	s6 =	sadd.s32 @!p0 $0x88, s6;
	s7 =	simm.s32 @p2 $0x1082  }
0x22: {  	[simem:s7], [sflag:s8] =	dma.local @!p0 [hbm:s6], $0xF7A  }
0x23: {  	s9 =	sor.u32 $0xD0000000, s2;
	s6 =	simm.s32 $0x108;
	_ =	swait.ge @!p0 [sflag:s8], $0x0  }
0x24: {  	s3 =	sadd.s32 $0x88, s3;
	s6 =	simm.s32 @!p1 $0x1082;
	[sflag:s4] =	ssyncset.s32 $0xFFFFF086  }
0x25: {  	[simem:s6], [sflag:s4] =	dma.local [hbm:s3], $0xF7A  }
0x26: {  	[smem:$0x3F9A] =	sst s1;
	(tag) =	ssettag s2;
	_ =	strace s9  }
0x27: {  	s1 =	sld [smem:$0x3FAA]  }
0x28: {  	s2 =	sld [smem:$0x3FAB]  }
0x29: {  	s4 =	sld [smem:$0x3FAD]  }
0x2a: {  	p0 =	seq.s32 s5, $0x0;
	s5 =	sld [smem:$0x3FAE]  }
0x2b: {  	s6 =	sld [smem:$0x3FAF]  }
0x2c: {  	s7 =	sld [smem:$0x3FB0]  }
0x2d: {  	s3 =	simm.s32 $0x108;
	s8 =	sld [smem:$0x3FB1]  }
0x2e: {  	s3 =	simm.s32 @!p0 $0x1082;
	s9 =	sld [smem:$0x3FB2]  }
0x2f: {  	lr =	sadd.s32 s0, s3;
	s0 =	sld [smem:$0x3FA9]  }
0x30: {  	s3 =	sld [smem:$0x3FAC]  }
0x31: {  	[smem:$0x3FB5] =	sst s10  }
0x32: {  	s10 =	sld [smem:$0x3FB3];
	_ =	sdelay $0x3  }
0x33: {  	p0 =	seq.s32 s10, $0x1;
	s10 =	sld [smem:$0x3FB5];
	_ =	sdelay $0x3  }
0x34: {  	[smem:$0x3FB5] =	sst s10  }
0x35: {  	s10 =	sld [smem:$0x3FB4];
	_ =	sdelay $0x3  }
0x36: {  	p1 =	seq.s32 s10, $0x1;
	s10 =	sld [smem:$0x3FB5];
	_ =	sdelay $0x3  }
0x37: {  	[smem:$0x3FB5] =	sst s10  }
0x38: {  	s10 =	sld [smem:$0x3FB6]  }
0x39: {  	_ = 	snop;
	(pc) =	sbr.ind lr, $3  }
0x3a: {  	_ = 	snop  }
0x3b: {  	_ = 	snop  }
0x3c: {  	p2 =	seq.s32 s10, $0x1;
	s10 =	sld [smem:$0x3FB5]  }
0x3d: {  	_ =	shalt  }
0x3e: {  	_ =	shalt  }
0x3f: {  	_ =	shalt  }
0x40: {  	_ =	shalt  }
0x41: {  	_ =	shalt  }
0x42: {  	_ =	shalt  }
0x43: {  	_ =	shalt  }
0x44: {  	_ =	shalt  }
0x45: {  	_ =	shalt  }
0x46: {  	_ =	shalt  }
0x47: {  	_ =	shalt  }
0x48: {  	_ =	shalt  }
0x49: {  	_ =	shalt  }
0x4a: {  	_ =	shalt  }
0x4b: {  	_ =	shalt  }
0x4c: {  	_ =	shalt  }
0x4d: {  	_ =	shalt  }
0x4e: {  	_ =	shalt  }
0x4f: {  	_ =	shalt  }
0x50: {  	_ =	shalt  }
0x51: {  	_ =	shalt  }
0x52: {  	_ =	shalt  }
0x53: {  	_ =	shalt  }
0x54: {  	_ =	shalt  }
0x55: {  	_ =	shalt  }
0x56: {  	_ =	shalt  }
0x57: {  	_ =	shalt  }
0x58: {  	_ =	shalt  }
0x59: {  	_ =	shalt  }
0x5a: {  	_ =	shalt  }
0x5b: {  	_ =	shalt  }
0x5c: {  	_ =	shalt  }
0x5d: {  	_ =	shalt  }
0x5e: {  	_ =	shalt  }
0x5f: {  	_ =	shalt  }
0x60: {  	_ =	shalt  }
0x61: {  	_ =	shalt  }
0x62: {  	_ =	shalt  }
0x63: {  	_ =	shalt  }
0x64: {  	_ =	shalt  }
0x65: {  	_ =	shalt  }
0x66: {  	_ =	shalt  }
0x67: {  	_ =	shalt  }
0x68: {  	_ =	shalt  }
0x69: {  	_ =	shalt  }
0x6a: {  	_ =	shalt  }
0x6b: {  	_ =	shalt  }
0x6c: {  	_ =	shalt  }
0x6d: {  	_ =	shalt  }
0x6e: {  	_ =	shalt  }
0x6f: {  	_ =	shalt  }
0x70: {  	_ =	shalt  }
0x71: {  	_ =	shalt  }
0x72: {  	_ =	shalt  }
0x73: {  	_ =	shalt  }
0x74: {  	_ =	shalt  }
0x75: {  	_ =	shalt  }
0x76: {  	_ =	shalt  }
0x77: {  	_ =	shalt  }
0x78: {  	_ =	shalt  }
0x79: {  	_ =	shalt  }
0x7a: {  	_ =	shalt  }
0x7b: {  	_ =	shalt  }
0x7c: {  	_ =	shalt  }
0x7d: {  	_ =	shalt  }
0x7e: {  	_ =	shalt  }
0x7f: {  	_ =	shalt  }
0x80: {  	_ =	shalt  }
0x81: {  	_ =	shalt  }
0x82: {  	_ =	shalt  }
0x83: {  	_ =	shalt  }
0x84: {  	_ =	shalt  }
0x85: {  	_ =	shalt  }
0x86: {  	_ =	shalt  }
0x87: {  	_ =	shalt  }
.Lfunc_end0:
.L_simem_size_0:
called_computation_lowered:
.L_overlay_start_0:
0x88: {  	s2 =	sld [smem:$0x3FD9]  }
0x89: {  	s3 =	sld [smem:$0x3FFE];
	_ =	sdelay $0x1  }
0x8a: {  	s1 =	srdreg.scid  }
0x8b: {  	s0 =	sand.u32 $0x1, s1  }
0x8c: {  	s14 =	sshll.u32 s0, $0xA;
	s2 =	sadd.s32 s3, s2  }
0x8d: {  	s2 =	sadd.s32 s2, s14  }
0x8e: {  	[smem:$0x3FC1] =	sst s2  }
0x8f: {  	_ = 	snop  }
0x90: {  	s2 =	sld [smem:$0x3FD0];
	_ =	sdelay $0x2  }
0x91: {  	s15 =	simm.s32 $0xA;
	s4 =	simm.s32 $0x10  }
0x92: {  	[smem:s4], [sflag:s15] =	dma.local [hbm:s2], $0x1  }
0x93: {  	_ =	swait.eq [sflag:s15], $0x1  }
0x94: {  	s16 =	sld [smem:$0x10];
	[sflag:s15] =	ssyncset.done $0x0  }
0x95: {  	s17 =	sld [smem:$0x11];
	[sflag:s15] =	ssyncadd.s32 $0xFFFFFFFF  }
0x96: {  	s18 =	sld [smem:$0x13];
	(tm) =	ssettm $0x1  }
0x97: {  	s5 =	sld [smem:$0x3FFB];
	_ =	sdelay $0x3  }
0x98: {  	_ =	strace s5  }
0x99: {  	s5 =	sld [smem:$0x3FFC];
	_ =	sdelay $0x3  }
0x9a: {  	_ =	strace s5  }
0x9b: {  	s5 =	sld [smem:$0x3FFD];
	_ =	sdelay $0x3  }
0x9c: {  	_ =	strace s5  }
0x9d: {  	_ =	strace $0x8FFFFFFF  }
0x9e: {  	s19 =	sld [smem:$0x3FDB];
	_ =	sdelay $0x1  }
0x9f: {  	s6 =	simm.s32 $_scs_section_size  }
0xa0: {  	s7 =	simm.s32 $_size__tile_overlayer_lowered;
	s8 =	simm.s32 $_tile_overlayer_lowered  }
0xa1: {  	s22 =	simm.s32 $0x1BFF;
	s21 =	sshll.u32 s8, $0x1;
	s5 =	sadd.s32 s6, s19  }
0xa2: {  	s9 =	simm.s32 $0x0;
	s20 =	sshll.u32 s7, $0x1;
	s7 =	sadd.s32 s21, s5  }
0xa3: {  	[timem:s9], [sflag:s22] =	dma.local [hbm:s7], s20  }
0xa4: {  	_ =	swait.ge [sflag:s22], s20  }
0xa5: {  	s6 =	ssub.s32 $0x0, s20;
	[sflag:s22] =	ssyncset.done $0x0  }
0xa6: {  	[sflag:s22] =	ssyncadd.s32 s6;
	_ =	sdelay $0x1  }
0xa7: {  	s23 =	simm.s32 $0x1B8B  }
0xa8: {  	_ =	swait.ge [sflag:s23], $0x1  }
0xa9: {  	[sflag:s23] =	ssyncset.done $0x0  }
0xaa: {  	s25 =	simm.s32 $0x1B8E;
	s24 =	sld [smem:$0x3FFE];
	[sflag:s23] =	ssyncadd.s32 $0xFFFFFFFF  }
0xab: {  	s26 =	simm.s32 $execute0_lowered;
	[smem:$0x3FD2] =	sst s25  }
0xac: {  	s7 =	sshll.u32 s26, $0x1;
	_ =	strace $0x80000046;
	[dreg:$0x1] =	wrdreg $0xFFFFFFFF  }
0xad: {  	s28 =	simm.s32 $_size_execute0_lowered;
	s5 =	sadd.s32 s5, s7;
	[dreg:$0x0] =	wrdreg $0x0  }
0xae: {  	s7 =	sshll.u32 s28, $0x1;
	[dreg:$0x2] =	wrdreg s5  }
0xaf: {  	[dreg:$0x3] =	wrdreg s7  }
0xb0: {  	[dreg:$0x4] =	wrdreg $0xC0  }
0xb1: {  	_ =	task [dreg:s9], $0x5FFFF  }
0xb2: {  	[dreg:$0x1] =	wrdreg $0xFFFFFFFF  }
0xb3: {  	[dreg:$0x0] =	wrdreg $0x60  }
0xb4: {  	[dreg:$0x2] =	wrdreg s16  }
0xb5: {  	[dreg:$0x3] =	wrdreg s18  }
0xb6: {  	[dreg:$0x4] =	wrdreg s24  }
0xb7: {  	[dreg:$0x5] =	wrdreg s17  }
0xb8: {  	[dreg:$0x6] =	wrdreg $0xCF000  }
0xb9: {  	[dreg:$0x7] =	wrdreg $0x11D200  }
0xba: {  	[dreg:$0x8] =	wrdreg $0x9  }
0xbb: {  	_ =	task.clear_ibuf [dreg:s9], $0x9FFFF;
	_ =	strace $0x90000046  }
0xbc: {  	s29 =	simm.s32 $0x9;
	_ =	strace $0x80000048  }
0xbd: {  	_ =	swait.ge [sflag:s29], $0x1  }
0xbe: {  	[sflag:s29] =	ssyncadd.s32 $0xFFFFFFFF  }
0xbf: {  	_ =	strace $0x90000048  }
0xc0: {  	_ =	sfence  }
0xc1: {  	s30 =	sld [smem:$0x0];
	_ =	sdelay $0x2  }
0xc2: {  	s31 =	sshll.u32 s1, $0xD;
	s1 =	sshrl.u32 s1, $0x2  }
0xc3: {  	s3 =	sand.u32 $0x4000, s31;
	s1 =	sadd.s32 s1, s30  }
0xc4: {  	s0 =	sor.u32 s3, s0;
	s1 =	sshll.u32 s1, $0x11  }
0xc5: {  	s0 =	sor.u32 s1, s0  }
0xc6: {  	s0 =	sadd.s32 $0x8F2B, s0  }
0xc7: {  	[sflag:s0] =	ssyncadd.remote.s32 $0x1  }
0xc8: {  	_ =	sfence.sel $0xFFFF  }
0xc9: {  	[dreg:$0x0] =	wrdreg $0xFFFFFFFF;
	(pc) =	sbr.abs _section_cstart, $3  }
0xca: {  	[dreg:$0x1] =	wrdreg $0xFFFFFFFF  }
0xcb: {  	_ =	task.clear_ibuf [dreg:s9], $0x2FFFF;
	_ =	strace $0x9FFFFFFF  }
0xcc: {  	(tm) =	ssettm $0x7FFFFFFF  }
0xcd: {  	_ =	shalt  }
tec
execute0_lowered:
.L_overlay_start_1:
0x0: {  	(tag) =	ssettag $0x1  }
0x1: {  	s0 =	rddreg [dreg:$0x0]  }
0x2: {  	s1 =	rddreg [dreg:$0x1]  }
0x3: {  	s4 =	rddreg [dreg:$0x2]  }
0x4: {  	s5 =	rddreg [dreg:$0x3]  }
0x5: {  	s2 =	rddreg [dreg:$0x4]  }
0x6: {  	s3 =	rddreg [dreg:$0x5]  }
0x7: {  	s13 =	stileid.u32;
	s8 =	simm.s32 $0x0;
	s7 =	srdreg.scid  }
0x8: {  	s29 =	simm.s32 $0x9F00;
	s31 =	simm.s32 $0xAF00;
	s28 =	simm.s32 $0x9  }
0x9: {  	s30 =	simm.s32 $0xA;
	s6 =	smul.u32 $0x4E20, s13;
	[smem:$0x7FF] =	sst s8  }
0xa: {  	s7 =	sand.u32 $0x1, s7;
	s16 =	sshll.u32 s13, $0x6;
	s19 =	sshll.u32 s13, $0x4  }
0xb: {  	s8 =	simm.s32 $0x10;
	_ =	strace $0x80000047;
	s9 =	ssub.s32 $0x2, s7  }
0xc: {  	s11 =	sshll.u32 s7, $0x4;
	s14 =	sor.u32 $0x1C11, s16;
	s7 =	smul.u32 $0x4E200, s7  }
0xd: {  	s20 =	sadd.s32 s19, s1;
	s19 =	simm.s32 $0x4F00;
	s16 =	simm.s32 $0xF  }
0xe: {  	s26 =	sshrl.u32 s6, $0x3;
	s10 =	sshrl.u32 s9, $0x1;
	s11 =	sor.u32 s13, s11  }
0xf: {  	s15 =	sadd.s32 s6, s2;
	s17 =	sadd.s32 s6, s3;
	s23 =	sadd.s32 $0x9C00, s20  }
0x10: {  	s13 =	simm.s32 $0x8;
	[dreg:$0x8] =	wrdreg s14;
	s4 =	sadd.s32 s26, s4  }
0x11: {  	s9 =	ssub.s32 s9, s10;
	s12 =	smul.u32 $0x2700, s11;
	s0 =	sadd.s32 s0, s26  }
0x12: {  	s21 =	sadd.s32 s6, s7;
	[dreg:$0xc] =	wrdreg s23;
	p0 =	sgt.u32 s11, $0x3  }
0x13: {  	s6 =	sshrl.u32 s15, $0x3;
	s15 =	simm.s32 $0x11;
	s26 =	sshrl.u32 s17, $0x3  }
0x14: {  	s23 =	simm.s32 $0x2;
	s7 =	simm.s32 $0x5;
	[dreg:$0x9] =	wrdreg s0  }
0x15: {  	s10 =	simm.s32 $0x6;
	s17 =	simm.s32 $0xD;
	[dreg:$0x11] =	wrdreg s26  }
0x16: {  	s11 =	simm.s32 $0x7;
	s4 =	sadd.s32 $0xC00, s4;
	[dreg:$0x10] =	wrdreg s6  }
0x17: {  	s0 =	sadd.s32 $0x13840, s20;
	s25 =	smax.u32 s9, $0x1;
	[dreg:$0x7] =	wrdreg s4  }
0x18: {  	s20 =	simm.s32 $0x5F00;
	s26 =	simm.s32 $0x8F00;
	[dreg:$0xd] =	wrdreg s0  }
0x19: {  	s9 =	simm.s32 $0xC;
	s18 =	sshrl.u32 s12, $0x3;
	[dreg:$0xf] =	wrdreg s25  }
0x1a: {  	s0 =	simm.s32 $0x1;
	s25 =	simm.s32 $0x4;
	s4 =	simm.s32 $0x0  }
0x1b: {  	s12 =	sadd.s32 s1, s18;
	s1 =	sshrl.u32 s21, $0x3;
	[dreg:$0x12] =	wrdreg s4  }
0x1c: {  	s18 =	simm.s32 $0x80;
	s21 =	simm.s32 $0xBF00;
	[dreg:$0xa] =	wrdreg s12  }
0x1d: {  	s22 =	sadd.s32 $0x9C40, s12;
	s24 =	sadd.s32 s5, s1;
	s1 =	simm.s32 $0x3  }
0x1e: {  	s5 =	simm.s32 $0xB;
	s12 =	simm.s32 $0xE;
	[dreg:$0xb] =	wrdreg s22  }
0x1f: {  	[dreg:$0xe] =	wrdreg s24;
	s22 =	simm.s32 $0x6F00;
	s24 =	simm.s32 $0x7F00  }
.LBB2_1:
0x20: {  	s4 =	rddreg [dreg:$0x7]  }
0x21: {  	[spmem:s6], [sflag:s14] =	dma.local [hbm:s4], $0x9C4  }
0x22: {  	_ =	swait.ge [sflag:s15], $0x9C4  }
0x23: {  	[sflag:s15] =	ssyncset.done $0x0;
	s4 =	rddreg [dreg:$0x9]  }
0x24: {  	s6 =	rddreg [dreg:$0x11];
	[sflag:s15] =	ssyncadd.s32 $0xFFFFF63C  }
0x25: {  	[spmem:s6], [sflag:s14] =	dma.local [hbm:s4], $0x9C4  }
0x26: {  	_ =	swait.ge [sflag:s15], $0x9C4  }
0x27: {  	[sflag:s15] =	ssyncset.done $0x0  }
0x28: {  	s14 =	simm.s32 $0x0;
	s4 =	rddreg [dreg:$0xa];
	[sflag:s15] =	ssyncadd.s32 $0xFFFFF63C  }
0x29: {  	[tilespmem:s14], [sflag:$0x11] =	stream.linear.gather [hbm4b:s4+s14], $0x2700, $0x38;
	[tilespmem:$0x16B40] =	vst v63  }
0x2a: {  	_ =	swait.ge [sflag:s15], $0x2700  }
0x2b: {  	[sflag:s15] =	ssyncset.done $0x0  }
0x2c: {  	s4 =	simm.s32 $0x2780;
	s6 =	rddreg [dreg:$0xb];
	[sflag:s15] =	ssyncadd.s32 $0xFFFFD900  }
0x2d: {  	[tilespmem:s4], [sflag:$0x11] =	stream.linear.gather [hbm4b:s6+s14], $0x2700, $0x38;
	[tilespmem:$0x16B40] =	vst v63  }
0x2e: {  	_ =	swait.ge [sflag:s15], $0x2700  }
0x2f: {  	s6 =	simm.s32 @!p0 $0x0;
	[sflag:s15] =	ssyncset.done $0x0  }
0x30: {  	s14 =	simm.s32 @!p0 $0x2700;
	[sflag:s15] =	ssyncadd.s32 $0xFFFFD900;
	s15 =	rddreg [dreg:$0xc]  }
0x31: {  	[tilespmem:s14], [sflag:$0x11] =	stream.linear.gather @!p0 [hbm4b:s15+s6], $0x80, $0x38;
	[tilespmem:$0x16B40] =	vst v63  }
0x32: {  	s14 =	simm.s32 @!p0 $0x11  }
0x33: {  	_ =	swait.ge @!p0 [sflag:s14], $0x80  }
0x34: {  	[sflag:s14] =	ssyncset.done @!p0 $0x0  }
0x35: {  	s15 =	simm.s32 @!p0 $0x4E80;
	s4 =	rddreg [dreg:$0xd];
	[sflag:s14] =	ssyncadd.s32 @!p0 $0xFFFFFF80  }
0x36: {  	[tilespmem:s15], [sflag:$0x11] =	stream.linear.gather @!p0 [hbm4b:s4+s6], $0x80, $0x38;
	[tilespmem:$0x16B40] =	vst v63  }
0x37: {  	_ =	swait.ge @!p0 [sflag:s14], $0x80  }
0x38: {  	[sflag:s14] =	ssyncset.done @!p0 $0x0  }
0x39: {  	[sflag:s14] =	ssyncadd.s32 @!p0 $0xFFFFFF80  }
0x3a: {  	s15 =	simm.s32 $0x0;
	[bflag:$0x0] =	sbarrier.arrive $0xFFFF  }
0x3b: {  	[tilespmem:s19], [sflag:$0x1] =	stream.indirect.gather [spmem:s3], $0x20, s15, s18, $0xb8;
	[tilespmem:$0x16B40] =	vst v63  }
0x3c: {  	_ = 	snop  }
0x3d: {  	[tilespmem:s20], [sflag:$0x2] =	stream.indirect.gather [spmem:s3], $0x20, s18, s18, $0xb8;
	[tilespmem:$0x16B40] =	vst v63  }
0x3e: {  	s6 =	simm.s32 $0x100  }
0x3f: {  	[tilespmem:s22], [sflag:$0x3] =	stream.indirect.gather [spmem:s3], $0x20, s6, s18, $0xb8;
	[tilespmem:$0x16B40] =	vst v63  }
0x40: {  	s14 =	simm.s32 $0x180  }
0x41: {  	[tilespmem:s24], [sflag:$0x4] =	stream.indirect.gather [spmem:s3], $0x20, s14, s18, $0xb8;
	[tilespmem:$0x16B40] =	vst v63  }
0x42: {  	s15 =	simm.s32 $0x200  }
0x43: {  	[tilespmem:s26], [sflag:$0x5] =	stream.indirect.gather [spmem:s3], $0x20, s15, s18, $0xb8;
	[tilespmem:$0x16B40] =	vst v63  }
0x44: {  	s6 =	simm.s32 $0x280  }
0x45: {  	[tilespmem:s29], [sflag:$0x6] =	stream.indirect.gather [spmem:s3], $0x20, s6, s18, $0xb8;
	[tilespmem:$0x16B40] =	vst v63  }
0x46: {  	s14 =	simm.s32 $0x300  }
0x47: {  	[tilespmem:s31], [sflag:$0x7] =	stream.indirect.gather [spmem:s3], $0x20, s14, s18, $0xb8;
	[tilespmem:$0x16B40] =	vst v63  }
0x48: {  	_ =	swait.ge [sflag:s0], $0x1000  }
0x49: {  	[sflag:s0] =	ssyncset.done $0x0  }
0x4a: {  	s15 =	simm.s32 $0x2780;
	[sflag:s0] =	ssyncadd.s32 $0xFFFFF000  }
0x4b: {  	[spmem:s2] =	stream.indirect.scatter.add.f32 [tilespmem:s19], [sflag:$0x9], $0x20, s15, s18, $0xb8;
	[tilespmem:$0x16B40] =	vst v63  }
0x4c: {  	s6 =	simm.s32 $0x380  }
0x4d: {  	[tilespmem:s21], [sflag:$0x8] =	stream.indirect.gather [spmem:s3], $0x20, s6, s18, $0xb8;
	[tilespmem:$0x16B40] =	vst v63  }
0x4e: {  	_ =	swait.ge [sflag:s23], $0x1000  }
0x4f: {  	[sflag:s23] =	ssyncset.done $0x0  }
0x50: {  	s14 =	simm.s32 $0x2800;
	[sflag:s23] =	ssyncadd.s32 $0xFFFFF000  }
0x51: {  	[spmem:s2] =	stream.indirect.scatter.add.f32 [tilespmem:s20], [sflag:$0xA], $0x20, s14, s18, $0xb8;
	[tilespmem:$0x16B40] =	vst v63  }
0x52: {  	_ =	swait.ge [sflag:s28], $0x1000  }
0x53: {  	[sflag:s28] =	ssyncset.done $0x0  }
0x54: {  	s15 =	simm.s32 $0x400;
	[sflag:s28] =	ssyncadd.s32 $0xFFFFF000  }
0x55: {  	[tilespmem:s19], [sflag:$0x1] =	stream.indirect.gather [spmem:s3], $0x20, s15, s18, $0xb8;
	[tilespmem:$0x16B40] =	vst v63  }
0x56: {  	_ =	swait.ge [sflag:s1], $0x1000  }
0x57: {  	[sflag:s1] =	ssyncset.done $0x0  }
0x58: {  	s6 =	simm.s32 $0x2880;
	[sflag:s1] =	ssyncadd.s32 $0xFFFFF000  }
0x59: {  	[spmem:s2] =	stream.indirect.scatter.add.f32 [tilespmem:s22], [sflag:$0xB], $0x20, s6, s18, $0xb8;
	[tilespmem:$0x16B40] =	vst v63  }
0x5a: {  	_ =	swait.ge [sflag:s30], $0x1000  }
0x5b: {  	[sflag:s30] =	ssyncset.done $0x0  }
0x5c: {  	s14 =	simm.s32 $0x480;
	[sflag:s30] =	ssyncadd.s32 $0xFFFFF000  }
0x5d: {  	[tilespmem:s20], [sflag:$0x2] =	stream.indirect.gather [spmem:s3], $0x20, s14, s18, $0xb8;
	[tilespmem:$0x16B40] =	vst v63  }
0x5e: {  	_ =	swait.ge [sflag:s25], $0x1000  }
0x5f: {  	[sflag:s25] =	ssyncset.done $0x0  }
0x60: {  	s15 =	simm.s32 $0x2900;
	[sflag:s25] =	ssyncadd.s32 $0xFFFFF000  }
0x61: {  	[spmem:s2] =	stream.indirect.scatter.add.f32 [tilespmem:s24], [sflag:$0xC], $0x20, s15, s18, $0xb8;
	[tilespmem:$0x16B40] =	vst v63  }
0x62: {  	_ =	swait.ge [sflag:s5], $0x1000  }
0x63: {  	[sflag:s5] =	ssyncset.done $0x0  }
0x64: {  	s6 =	simm.s32 $0x500;
	[sflag:s5] =	ssyncadd.s32 $0xFFFFF000  }
0x65: {  	[tilespmem:s22], [sflag:$0x3] =	stream.indirect.gather [spmem:s3], $0x20, s6, s18, $0xb8;
	[tilespmem:$0x16B40] =	vst v63  }
0x66: {  	_ =	swait.ge [sflag:s7], $0x1000  }
0x67: {  	[sflag:s7] =	ssyncset.done $0x0  }
0x68: {  	s14 =	simm.s32 $0x2980;
	[sflag:s7] =	ssyncadd.s32 $0xFFFFF000  }
0x69: {  	[spmem:s2] =	stream.indirect.scatter.add.f32 [tilespmem:s26], [sflag:$0xD], $0x20, s14, s18, $0xb8;
	[tilespmem:$0x16B40] =	vst v63  }
0x6a: {  	_ =	swait.ge [sflag:s9], $0x1000  }
0x6b: {  	[sflag:s9] =	ssyncset.done $0x0  }
0x6c: {  	s15 =	simm.s32 $0x580;
	[sflag:s9] =	ssyncadd.s32 $0xFFFFF000  }
0x6d: {  	[tilespmem:s24], [sflag:$0x4] =	stream.indirect.gather [spmem:s3], $0x20, s15, s18, $0xb8;
	[tilespmem:$0x16B40] =	vst v63  }
0x6e: {  	_ =	swait.ge [sflag:s10], $0x1000  }
0x6f: {  	[sflag:s10] =	ssyncset.done $0x0  }
0x70: {  	s6 =	simm.s32 $0x2A00;
	[sflag:s10] =	ssyncadd.s32 $0xFFFFF000  }
0x71: {  	[spmem:s2] =	stream.indirect.scatter.add.f32 [tilespmem:s29], [sflag:$0xE], $0x20, s6, s18, $0xb8;
	[tilespmem:$0x16B40] =	vst v63  }
0x72: {  	_ =	swait.ge [sflag:s17], $0x1000  }
0x73: {  	[sflag:s17] =	ssyncset.done $0x0  }
0x74: {  	s14 =	simm.s32 $0x600;
	[sflag:s17] =	ssyncadd.s32 $0xFFFFF000  }
0x75: {  	[tilespmem:s26], [sflag:$0x5] =	stream.indirect.gather [spmem:s3], $0x20, s14, s18, $0xb8;
	[tilespmem:$0x16B40] =	vst v63  }
0x76: {  	_ =	swait.ge [sflag:s11], $0x1000  }
0x77: {  	[sflag:s11] =	ssyncset.done $0x0  }
0x78: {  	s15 =	simm.s32 $0x2A80;
	[sflag:s11] =	ssyncadd.s32 $0xFFFFF000  }
0x79: {  	[spmem:s2] =	stream.indirect.scatter.add.f32 [tilespmem:s31], [sflag:$0xF], $0x20, s15, s18, $0xb8;
	[tilespmem:$0x16B40] =	vst v63  }
0x7a: {  	_ =	swait.ge [sflag:s12], $0x1000  }
0x7b: {  	[sflag:s12] =	ssyncset.done $0x0  }
0x7c: {  	s6 =	simm.s32 $0x680;
	[sflag:s12] =	ssyncadd.s32 $0xFFFFF000  }
0x7d: {  	[tilespmem:s29], [sflag:$0x6] =	stream.indirect.gather [spmem:s3], $0x20, s6, s18, $0xb8;
	[tilespmem:$0x16B40] =	vst v63  }
0x7e: {  	_ =	swait.ge [sflag:s13], $0x1000  }
0x7f: {  	[sflag:s13] =	ssyncset.done $0x0  }
0x80: {  	s14 =	simm.s32 $0x2B00;
	[sflag:s13] =	ssyncadd.s32 $0xFFFFF000  }
0x81: {  	[spmem:s2] =	stream.indirect.scatter.add.f32 [tilespmem:s21], [sflag:$0x10], $0x20, s14, s18, $0xb8;
	[tilespmem:$0x16B40] =	vst v63  }
0x82: {  	_ =	swait.ge [sflag:s16], $0x1000  }
0x83: {  	[sflag:s16] =	ssyncset.done $0x0  }
0x84: {  	s15 =	simm.s32 $0x700;
	[sflag:s16] =	ssyncadd.s32 $0xFFFFF000  }
0x85: {  	[tilespmem:s31], [sflag:$0x7] =	stream.indirect.gather [spmem:s3], $0x20, s15, s18, $0xb8;
	[tilespmem:$0x16B40] =	vst v63  }
0x86: {  	_ =	swait.ge [sflag:s0], $0x1000  }
0x87: {  	[sflag:s0] =	ssyncset.done $0x0  }
0x88: {  	s4 =	simm.s32 $0x2B80;
	[sflag:s0] =	ssyncadd.s32 $0xFFFFF000  }
0x89: {  	[spmem:s2] =	stream.indirect.scatter.add.f32 [tilespmem:s19], [sflag:$0x9], $0x20, s4, s18, $0xb8;
	[tilespmem:$0x16B40] =	vst v63  }
0x8a: {  	_ =	swait.ge [sflag:s8], $0x1000  }
0x8b: {  	[sflag:s8] =	ssyncset.done $0x0  }
0x8c: {  	s14 =	simm.s32 $0x780;
	[sflag:s8] =	ssyncadd.s32 $0xFFFFF000  }
0x8d: {  	[tilespmem:s21], [sflag:$0x8] =	stream.indirect.gather [spmem:s3], $0x20, s14, s18, $0xb8;
	[tilespmem:$0x16B40] =	vst v63  }
0x8e: {  	_ =	swait.ge [sflag:s23], $0x1000  }
0x8f: {  	[sflag:s23] =	ssyncset.done $0x0  }
0x90: {  	s15 =	simm.s32 $0x2C00;
	[sflag:s23] =	ssyncadd.s32 $0xFFFFF000  }
0x91: {  	[spmem:s2] =	stream.indirect.scatter.add.f32 [tilespmem:s20], [sflag:$0xA], $0x20, s15, s18, $0xb8;
	[tilespmem:$0x16B40] =	vst v63  }
0x92: {  	_ =	swait.ge [sflag:s28], $0x1000  }
0x93: {  	[sflag:s28] =	ssyncset.done $0x0  }
0x94: {  	s4 =	simm.s32 $0x800;
	[sflag:s28] =	ssyncadd.s32 $0xFFFFF000  }
0x95: {  	[tilespmem:s19], [sflag:$0x1] =	stream.indirect.gather [spmem:s3], $0x20, s4, s18, $0xb8;
	[tilespmem:$0x16B40] =	vst v63  }
0x96: {  	_ =	swait.ge [sflag:s1], $0x1000  }
0x97: {  	[sflag:s1] =	ssyncset.done $0x0  }
0x98: {  	s14 =	simm.s32 $0x2C80;
	[sflag:s1] =	ssyncadd.s32 $0xFFFFF000  }
0x99: {  	[spmem:s2] =	stream.indirect.scatter.add.f32 [tilespmem:s22], [sflag:$0xB], $0x20, s14, s18, $0xb8;
	[tilespmem:$0x16B40] =	vst v63  }
0x9a: {  	_ =	swait.ge [sflag:s30], $0x1000  }
0x9b: {  	[sflag:s30] =	ssyncset.done $0x0  }
0x9c: {  	s15 =	simm.s32 $0x880;
	[sflag:s30] =	ssyncadd.s32 $0xFFFFF000  }
0x9d: {  	[tilespmem:s20], [sflag:$0x2] =	stream.indirect.gather [spmem:s3], $0x20, s15, s18, $0xb8;
	[tilespmem:$0x16B40] =	vst v63  }
0x9e: {  	_ =	swait.ge [sflag:s25], $0x1000  }
0x9f: {  	[sflag:s25] =	ssyncset.done $0x0  }
0xa0: {  	s4 =	simm.s32 $0x2D00;
	[sflag:s25] =	ssyncadd.s32 $0xFFFFF000  }
0xa1: {  	[spmem:s2] =	stream.indirect.scatter.add.f32 [tilespmem:s24], [sflag:$0xC], $0x20, s4, s18, $0xb8;
	[tilespmem:$0x16B40] =	vst v63  }
0xa2: {  	_ =	swait.ge [sflag:s5], $0x1000  }
0xa3: {  	[sflag:s5] =	ssyncset.done $0x0  }
0xa4: {  	s14 =	simm.s32 $0x900;
	[sflag:s5] =	ssyncadd.s32 $0xFFFFF000  }
0xa5: {  	[tilespmem:s22], [sflag:$0x3] =	stream.indirect.gather [spmem:s3], $0x20, s14, s18, $0xb8;
	[tilespmem:$0x16B40] =	vst v63  }
0xa6: {  	_ =	swait.ge [sflag:s7], $0x1000  }
0xa7: {  	[sflag:s7] =	ssyncset.done $0x0  }
0xa8: {  	s15 =	simm.s32 $0x2D80;
	[sflag:s7] =	ssyncadd.s32 $0xFFFFF000  }
0xa9: {  	[spmem:s2] =	stream.indirect.scatter.add.f32 [tilespmem:s26], [sflag:$0xD], $0x20, s15, s18, $0xb8;
	[tilespmem:$0x16B40] =	vst v63  }
0xaa: {  	_ =	swait.ge [sflag:s9], $0x1000  }
0xab: {  	[sflag:s9] =	ssyncset.done $0x0  }
0xac: {  	s4 =	simm.s32 $0x980;
	[sflag:s9] =	ssyncadd.s32 $0xFFFFF000  }
0xad: {  	[tilespmem:s24], [sflag:$0x4] =	stream.indirect.gather [spmem:s3], $0x20, s4, s18, $0xb8;
	[tilespmem:$0x16B40] =	vst v63  }
0xae: {  	_ =	swait.ge [sflag:s10], $0x1000  }
0xaf: {  	[sflag:s10] =	ssyncset.done $0x0  }
0xb0: {  	s14 =	simm.s32 $0x2E00;
	[sflag:s10] =	ssyncadd.s32 $0xFFFFF000  }
0xb1: {  	[spmem:s2] =	stream.indirect.scatter.add.f32 [tilespmem:s29], [sflag:$0xE], $0x20, s14, s18, $0xb8;
	[tilespmem:$0x16B40] =	vst v63  }
0xb2: {  	_ =	swait.ge [sflag:s17], $0x1000  }
0xb3: {  	[sflag:s17] =	ssyncset.done $0x0  }
0xb4: {  	s15 =	simm.s32 $0xA00;
	[sflag:s17] =	ssyncadd.s32 $0xFFFFF000  }
0xb5: {  	[tilespmem:s26], [sflag:$0x5] =	stream.indirect.gather [spmem:s3], $0x20, s15, s18, $0xb8;
	[tilespmem:$0x16B40] =	vst v63  }
0xb6: {  	_ =	swait.ge [sflag:s11], $0x1000  }
0xb7: {  	[sflag:s11] =	ssyncset.done $0x0  }
0xb8: {  	s4 =	simm.s32 $0x2E80;
	[sflag:s11] =	ssyncadd.s32 $0xFFFFF000  }
0xb9: {  	[spmem:s2] =	stream.indirect.scatter.add.f32 [tilespmem:s31], [sflag:$0xF], $0x20, s4, s18, $0xb8;
	[tilespmem:$0x16B40] =	vst v63  }
0xba: {  	_ =	swait.ge [sflag:s12], $0x1000  }
0xbb: {  	[sflag:s12] =	ssyncset.done $0x0  }
0xbc: {  	s14 =	simm.s32 $0xA80;
	[sflag:s12] =	ssyncadd.s32 $0xFFFFF000  }
0xbd: {  	[tilespmem:s29], [sflag:$0x6] =	stream.indirect.gather [spmem:s3], $0x20, s14, s18, $0xb8;
	[tilespmem:$0x16B40] =	vst v63  }
0xbe: {  	_ =	swait.ge [sflag:s13], $0x1000  }
0xbf: {  	[sflag:s13] =	ssyncset.done $0x0  }
0xc0: {  	s15 =	simm.s32 $0x2F00;
	[sflag:s13] =	ssyncadd.s32 $0xFFFFF000  }
0xc1: {  	[spmem:s2] =	stream.indirect.scatter.add.f32 [tilespmem:s21], [sflag:$0x10], $0x20, s15, s18, $0xb8;
	[tilespmem:$0x16B40] =	vst v63  }
0xc2: {  	_ =	swait.ge [sflag:s16], $0x1000  }
0xc3: {  	[sflag:s16] =	ssyncset.done $0x0  }
0xc4: {  	s6 =	simm.s32 $0xB00;
	s14 =	simm.s32 $0x1000;
	[sflag:s16] =	ssyncadd.s32 $0xFFFFF000  }
.LBB2_2:
0xc5: {  	[tilespmem:s31], [sflag:$0x7] =	stream.indirect.gather [spmem:s3], $0x20, s6, s18, $0xb8;
	[tilespmem:$0x16B40] =	vst v63  }
0xc6: {  	s6 =	smov.u32 s14  }
0xc7: {  	p1 =	sne.s32 s14, $0x6000;
	s14 =	sadd.s32 $0x1000, s14;
	_ =	swait.ge [sflag:s0], $0x1000  }
0xc8: {  	s6 =	sshra.s32 s6, $0x2;
	[sflag:s0] =	ssyncset.done $0x0  }
0xc9: {  	s15 =	sadd.s32 $0x2B80, s6;
	[sflag:s0] =	ssyncadd.s32 $0xFFFFF000  }
0xca: {  	[spmem:s2] =	stream.indirect.scatter.add.f32 [tilespmem:s19], [sflag:$0x9], $0x20, s15, s18, $0xb8;
	[tilespmem:$0x16B40] =	vst v63  }
0xcb: {  	_ =	swait.ge [sflag:s8], $0x1000  }
0xcc: {  	[sflag:s8] =	ssyncset.done $0x0  }
0xcd: {  	s15 =	sadd.s32 $0x780, s6;
	[sflag:s8] =	ssyncadd.s32 $0xFFFFF000  }
0xce: {  	[tilespmem:s21], [sflag:$0x8] =	stream.indirect.gather [spmem:s3], $0x20, s15, s18, $0xb8;
	[tilespmem:$0x16B40] =	vst v63  }
0xcf: {  	_ =	swait.ge [sflag:s23], $0x1000  }
0xd0: {  	[sflag:s23] =	ssyncset.done $0x0  }
0xd1: {  	s15 =	sadd.s32 $0x2C00, s6;
	[sflag:s23] =	ssyncadd.s32 $0xFFFFF000  }
0xd2: {  	[spmem:s2] =	stream.indirect.scatter.add.f32 [tilespmem:s20], [sflag:$0xA], $0x20, s15, s18, $0xb8;
	[tilespmem:$0x16B40] =	vst v63  }
0xd3: {  	_ =	swait.ge [sflag:s28], $0x1000  }
0xd4: {  	[sflag:s28] =	ssyncset.done $0x0  }
0xd5: {  	s15 =	sadd.s32 $0x800, s6;
	[sflag:s28] =	ssyncadd.s32 $0xFFFFF000  }
0xd6: {  	[tilespmem:s19], [sflag:$0x1] =	stream.indirect.gather [spmem:s3], $0x20, s15, s18, $0xb8;
	[tilespmem:$0x16B40] =	vst v63  }
0xd7: {  	_ =	swait.ge [sflag:s1], $0x1000  }
0xd8: {  	[sflag:s1] =	ssyncset.done $0x0  }
0xd9: {  	s15 =	sadd.s32 $0x2C80, s6;
	[sflag:s1] =	ssyncadd.s32 $0xFFFFF000  }
0xda: {  	[spmem:s2] =	stream.indirect.scatter.add.f32 [tilespmem:s22], [sflag:$0xB], $0x20, s15, s18, $0xb8;
	[tilespmem:$0x16B40] =	vst v63  }
0xdb: {  	_ =	swait.ge [sflag:s30], $0x1000  }
0xdc: {  	[sflag:s30] =	ssyncset.done $0x0  }
0xdd: {  	s15 =	sadd.s32 $0x880, s6;
	[sflag:s30] =	ssyncadd.s32 $0xFFFFF000  }
0xde: {  	[tilespmem:s20], [sflag:$0x2] =	stream.indirect.gather [spmem:s3], $0x20, s15, s18, $0xb8;
	[tilespmem:$0x16B40] =	vst v63  }
0xdf: {  	_ =	swait.ge [sflag:s25], $0x1000  }
0xe0: {  	[sflag:s25] =	ssyncset.done $0x0  }
0xe1: {  	s15 =	sadd.s32 $0x2D00, s6;
	[sflag:s25] =	ssyncadd.s32 $0xFFFFF000  }
0xe2: {  	[spmem:s2] =	stream.indirect.scatter.add.f32 [tilespmem:s24], [sflag:$0xC], $0x20, s15, s18, $0xb8;
	[tilespmem:$0x16B40] =	vst v63  }
0xe3: {  	_ =	swait.ge [sflag:s5], $0x1000  }
0xe4: {  	[sflag:s5] =	ssyncset.done $0x0  }
0xe5: {  	s15 =	sadd.s32 $0x900, s6;
	[sflag:s5] =	ssyncadd.s32 $0xFFFFF000  }
0xe6: {  	[tilespmem:s22], [sflag:$0x3] =	stream.indirect.gather [spmem:s3], $0x20, s15, s18, $0xb8;
	[tilespmem:$0x16B40] =	vst v63  }
0xe7: {  	_ =	swait.ge [sflag:s7], $0x1000  }
0xe8: {  	[sflag:s7] =	ssyncset.done $0x0  }
0xe9: {  	s15 =	sadd.s32 $0x2D80, s6;
	[sflag:s7] =	ssyncadd.s32 $0xFFFFF000  }
0xea: {  	[spmem:s2] =	stream.indirect.scatter.add.f32 [tilespmem:s26], [sflag:$0xD], $0x20, s15, s18, $0xb8;
	[tilespmem:$0x16B40] =	vst v63  }
0xeb: {  	_ =	swait.ge [sflag:s9], $0x1000  }
0xec: {  	[sflag:s9] =	ssyncset.done $0x0  }
0xed: {  	s15 =	sadd.s32 $0x980, s6;
	[sflag:s9] =	ssyncadd.s32 $0xFFFFF000  }
0xee: {  	[tilespmem:s24], [sflag:$0x4] =	stream.indirect.gather [spmem:s3], $0x20, s15, s18, $0xb8;
	[tilespmem:$0x16B40] =	vst v63  }
0xef: {  	_ =	swait.ge [sflag:s10], $0x1000  }
0xf0: {  	[sflag:s10] =	ssyncset.done $0x0  }
0xf1: {  	s15 =	sadd.s32 $0x2E00, s6;
	[sflag:s10] =	ssyncadd.s32 $0xFFFFF000  }
0xf2: {  	[spmem:s2] =	stream.indirect.scatter.add.f32 [tilespmem:s29], [sflag:$0xE], $0x20, s15, s18, $0xb8;
	[tilespmem:$0x16B40] =	vst v63  }
0xf3: {  	_ =	swait.ge [sflag:s17], $0x1000  }
0xf4: {  	[sflag:s17] =	ssyncset.done $0x0  }
0xf5: {  	s15 =	sadd.s32 $0xA00, s6;
	[sflag:s17] =	ssyncadd.s32 $0xFFFFF000  }
0xf6: {  	[tilespmem:s26], [sflag:$0x5] =	stream.indirect.gather [spmem:s3], $0x20, s15, s18, $0xb8;
	[tilespmem:$0x16B40] =	vst v63  }
0xf7: {  	_ =	swait.ge [sflag:s11], $0x1000  }
0xf8: {  	[sflag:s11] =	ssyncset.done $0x0  }
0xf9: {  	s15 =	sadd.s32 $0x2E80, s6;
	[sflag:s11] =	ssyncadd.s32 $0xFFFFF000  }
0xfa: {  	[spmem:s2] =	stream.indirect.scatter.add.f32 [tilespmem:s31], [sflag:$0xF], $0x20, s15, s18, $0xb8;
	[tilespmem:$0x16B40] =	vst v63  }
0xfb: {  	_ =	swait.ge [sflag:s12], $0x1000  }
0xfc: {  	[sflag:s12] =	ssyncset.done $0x0  }
0xfd: {  	s15 =	sadd.s32 $0xA80, s6;
	[sflag:s12] =	ssyncadd.s32 $0xFFFFF000  }
0xfe: {  	[tilespmem:s29], [sflag:$0x6] =	stream.indirect.gather [spmem:s3], $0x20, s15, s18, $0xb8;
	[tilespmem:$0x16B40] =	vst v63  }
0xff: {  	_ =	swait.ge [sflag:s13], $0x1000  }
0x100: {  	[sflag:s13] =	ssyncset.done $0x0  }
.Ltmp0:
0x101: {  	s15 =	sadd.s32 $0x2F00, s6;
	[sflag:s13] =	ssyncadd.s32 $0xFFFFF000;
	(pc) =	sbr.rel @p1 .LBB2_2-.Ltmp0, $4  }
0x102: {  	[spmem:s2] =	stream.indirect.scatter.add.f32 [tilespmem:s21], [sflag:$0x10], $0x20, s15, s18, $0xb8;
	[tilespmem:$0x16B40] =	vst v63  }
0x103: {  	_ =	swait.ge [sflag:s16], $0x1000  }
0x104: {  	[sflag:s16] =	ssyncset.done $0x0  }
0x105: {  	s6 =	sadd.s32 $0xB00, s6;
	[sflag:s16] =	ssyncadd.s32 $0xFFFFF000  }
0x106: {  	[tilespmem:s31], [sflag:$0x7] =	stream.indirect.gather [spmem:s3], $0x20, s6, s18, $0xb8;
	[tilespmem:$0x16B40] =	vst v63  }
0x107: {  	_ =	swait.ge [sflag:s0], $0x1000  }
0x108: {  	[sflag:s0] =	ssyncset.done $0x0  }
0x109: {  	s4 =	simm.s32 $0x4780;
	[sflag:s0] =	ssyncadd.s32 $0xFFFFF000  }
0x10a: {  	[spmem:s2] =	stream.indirect.scatter.add.f32 [tilespmem:s19], [sflag:$0x9], $0x20, s4, s18, $0xb8;
	[tilespmem:$0x16B40] =	vst v63  }
0x10b: {  	_ =	swait.ge [sflag:s8], $0x1000  }
0x10c: {  	[sflag:s8] =	ssyncset.done $0x0  }
0x10d: {  	s14 =	simm.s32 $0x2380;
	[sflag:s8] =	ssyncadd.s32 $0xFFFFF000  }
0x10e: {  	[tilespmem:s21], [sflag:$0x8] =	stream.indirect.gather [spmem:s3], $0x20, s14, s18, $0xb8;
	[tilespmem:$0x16B40] =	vst v63  }
0x10f: {  	_ =	swait.ge [sflag:s23], $0x1000  }
0x110: {  	[sflag:s23] =	ssyncset.done $0x0  }
0x111: {  	s15 =	simm.s32 $0x4800;
	[sflag:s23] =	ssyncadd.s32 $0xFFFFF000  }
0x112: {  	[spmem:s2] =	stream.indirect.scatter.add.f32 [tilespmem:s20], [sflag:$0xA], $0x20, s15, s18, $0xb8;
	[tilespmem:$0x16B40] =	vst v63  }
0x113: {  	_ =	swait.ge [sflag:s28], $0x1000  }
0x114: {  	[sflag:s28] =	ssyncset.done $0x0  }
0x115: {  	s6 =	simm.s32 $0x2400;
	[sflag:s28] =	ssyncadd.s32 $0xFFFFF000  }
0x116: {  	[tilespmem:s19], [sflag:$0x1] =	stream.indirect.gather [spmem:s3], $0x20, s6, s18, $0xb8;
	[tilespmem:$0x16B40] =	vst v63  }
0x117: {  	_ =	swait.ge [sflag:s1], $0x1000  }
0x118: {  	[sflag:s1] =	ssyncset.done $0x0  }
0x119: {  	s14 =	simm.s32 $0x4880;
	[sflag:s1] =	ssyncadd.s32 $0xFFFFF000  }
0x11a: {  	[spmem:s2] =	stream.indirect.scatter.add.f32 [tilespmem:s22], [sflag:$0xB], $0x20, s14, s18, $0xb8;
	[tilespmem:$0x16B40] =	vst v63  }
0x11b: {  	_ =	swait.ge [sflag:s30], $0x1000  }
0x11c: {  	[sflag:s30] =	ssyncset.done $0x0  }
0x11d: {  	s15 =	simm.s32 $0x2480;
	[sflag:s30] =	ssyncadd.s32 $0xFFFFF000  }
0x11e: {  	[tilespmem:s20], [sflag:$0x2] =	stream.indirect.gather [spmem:s3], $0x20, s15, s18, $0xb8;
	[tilespmem:$0x16B40] =	vst v63  }
0x11f: {  	_ =	swait.ge [sflag:s25], $0x1000  }
0x120: {  	[sflag:s25] =	ssyncset.done $0x0  }
0x121: {  	s6 =	simm.s32 $0x4900;
	[sflag:s25] =	ssyncadd.s32 $0xFFFFF000  }
0x122: {  	[spmem:s2] =	stream.indirect.scatter.add.f32 [tilespmem:s24], [sflag:$0xC], $0x20, s6, s18, $0xb8;
	[tilespmem:$0x16B40] =	vst v63  }
0x123: {  	_ =	swait.ge [sflag:s5], $0x1000  }
0x124: {  	[sflag:s5] =	ssyncset.done $0x0  }
0x125: {  	s14 =	simm.s32 $0x2500;
	[sflag:s5] =	ssyncadd.s32 $0xFFFFF000  }
0x126: {  	[tilespmem:s22], [sflag:$0x3] =	stream.indirect.gather [spmem:s3], $0x20, s14, s18, $0xb8;
	[tilespmem:$0x16B40] =	vst v63  }
0x127: {  	_ =	swait.ge [sflag:s7], $0x1000  }
0x128: {  	[sflag:s7] =	ssyncset.done $0x0  }
0x129: {  	s15 =	simm.s32 $0x4980;
	[sflag:s7] =	ssyncadd.s32 $0xFFFFF000  }
0x12a: {  	[spmem:s2] =	stream.indirect.scatter.add.f32 [tilespmem:s26], [sflag:$0xD], $0x20, s15, s18, $0xb8;
	[tilespmem:$0x16B40] =	vst v63  }
0x12b: {  	_ =	swait.ge [sflag:s9], $0x1000  }
0x12c: {  	[sflag:s9] =	ssyncset.done $0x0  }
0x12d: {  	s6 =	simm.s32 $0x2580;
	[sflag:s9] =	ssyncadd.s32 $0xFFFFF000  }
0x12e: {  	[tilespmem:s24], [sflag:$0x4] =	stream.indirect.gather [spmem:s3], $0x20, s6, s18, $0xb8;
	[tilespmem:$0x16B40] =	vst v63  }
0x12f: {  	_ =	swait.ge [sflag:s10], $0x1000  }
0x130: {  	[sflag:s10] =	ssyncset.done $0x0  }
0x131: {  	s14 =	simm.s32 $0x4A00;
	[sflag:s10] =	ssyncadd.s32 $0xFFFFF000  }
0x132: {  	[spmem:s2] =	stream.indirect.scatter.add.f32 [tilespmem:s29], [sflag:$0xE], $0x20, s14, s18, $0xb8;
	[tilespmem:$0x16B40] =	vst v63  }
0x133: {  	_ =	swait.ge [sflag:s17], $0x1000  }
0x134: {  	[sflag:s17] =	ssyncset.done $0x0  }
0x135: {  	s15 =	simm.s32 $0x2600;
	[sflag:s17] =	ssyncadd.s32 $0xFFFFF000  }
0x136: {  	[tilespmem:s26], [sflag:$0x5] =	stream.indirect.gather [spmem:s3], $0x20, s15, s18, $0xb8;
	[tilespmem:$0x16B40] =	vst v63  }
0x137: {  	_ =	swait.ge [sflag:s11], $0x1000  }
0x138: {  	[sflag:s11] =	ssyncset.done $0x0  }
0x139: {  	s6 =	simm.s32 $0x4A80;
	[sflag:s11] =	ssyncadd.s32 $0xFFFFF000  }
0x13a: {  	[spmem:s2] =	stream.indirect.scatter.add.f32 [tilespmem:s31], [sflag:$0xF], $0x20, s6, s18, $0xb8;
	[tilespmem:$0x16B40] =	vst v63  }
0x13b: {  	_ =	swait.ge [sflag:s12], $0x1000  }
0x13c: {  	[sflag:s12] =	ssyncset.done $0x0  }
0x13d: {  	s14 =	simm.s32 $0x2680;
	[sflag:s12] =	ssyncadd.s32 $0xFFFFF000  }
0x13e: {  	[tilespmem:s29], [sflag:$0x6] =	stream.indirect.gather [spmem:s3], $0x20, s14, s18, $0xb8;
	[tilespmem:$0x16B40] =	vst v63  }
0x13f: {  	_ =	swait.ge [sflag:s13], $0x1000  }
0x140: {  	[sflag:s13] =	ssyncset.done $0x0  }
0x141: {  	s15 =	simm.s32 $0x4B00;
	[sflag:s13] =	ssyncadd.s32 $0xFFFFF000  }
0x142: {  	[spmem:s2] =	stream.indirect.scatter.add.f32 [tilespmem:s21], [sflag:$0x10], $0x20, s15, s18, $0xb8;
	[tilespmem:$0x16B40] =	vst v63  }
0x143: {  	_ =	swait.ge [sflag:s0], $0x1000  }
0x144: {  	[sflag:s0] =	ssyncset.done $0x0  }
0x145: {  	s6 =	simm.s32 $0x4B80;
	[sflag:s0] =	ssyncadd.s32 $0xFFFFF000  }
0x146: {  	[spmem:s2] =	stream.indirect.scatter.add.f32 [tilespmem:s19], [sflag:$0x9], $0x20, s6, s18, $0xb8;
	[tilespmem:$0x16B40] =	vst v63  }
0x147: {  	_ =	swait.ge [sflag:s23], $0x1000  }
0x148: {  	[sflag:s23] =	ssyncset.done $0x0  }
0x149: {  	s14 =	simm.s32 $0x4C00;
	[sflag:s23] =	ssyncadd.s32 $0xFFFFF000  }
0x14a: {  	[spmem:s2] =	stream.indirect.scatter.add.f32 [tilespmem:s20], [sflag:$0xA], $0x20, s14, s18, $0xb8;
	[tilespmem:$0x16B40] =	vst v63  }
0x14b: {  	_ =	swait.ge [sflag:s1], $0x1000  }
0x14c: {  	[sflag:s1] =	ssyncset.done $0x0  }
0x14d: {  	s15 =	simm.s32 $0x4C80;
	[sflag:s1] =	ssyncadd.s32 $0xFFFFF000  }
0x14e: {  	[spmem:s2] =	stream.indirect.scatter.add.f32 [tilespmem:s22], [sflag:$0xB], $0x20, s15, s18, $0xb8;
	[tilespmem:$0x16B40] =	vst v63  }
0x14f: {  	_ =	swait.ge [sflag:s25], $0x1000  }
0x150: {  	[sflag:s25] =	ssyncset.done $0x0  }
0x151: {  	s6 =	simm.s32 $0x4D00;
	[sflag:s25] =	ssyncadd.s32 $0xFFFFF000  }
0x152: {  	[spmem:s2] =	stream.indirect.scatter.add.f32 [tilespmem:s24], [sflag:$0xC], $0x20, s6, s18, $0xb8;
	[tilespmem:$0x16B40] =	vst v63  }
0x153: {  	_ =	swait.ge [sflag:s7], $0x1000  }
0x154: {  	[sflag:s7] =	ssyncset.done $0x0  }
0x155: {  	s14 =	simm.s32 $0x4D80;
	[sflag:s7] =	ssyncadd.s32 $0xFFFFF000  }
0x156: {  	[spmem:s2] =	stream.indirect.scatter.add.f32 [tilespmem:s26], [sflag:$0xD], $0x20, s14, s18, $0xb8;
	[tilespmem:$0x16B40] =	vst v63  }
0x157: {  	_ =	swait.ge [sflag:s10], $0x1000  }
0x158: {  	[sflag:s10] =	ssyncset.done $0x0  }
0x159: {  	s15 =	simm.s32 $0x4E00;
	[sflag:s10] =	ssyncadd.s32 $0xFFFFF000  }
0x15a: {  	[spmem:s2] =	stream.indirect.scatter.add.f32 [tilespmem:s29], [sflag:$0xE], $0x20, s15, s18, $0xb8;
	[tilespmem:$0x16B40] =	vst v63  }
0x15b: {  	_ =	swait.ge [sflag:s16], $0x1000  }
0x15c: {  	[sflag:s16] =	ssyncset.done $0x0  }
0x15d: {  	[sflag:s16] =	ssyncadd.s32 $0xFFFFF000  }
0x15e: {  	_ =	swait.ge [sflag:s8], $0x1000  }
0x15f: {  	[sflag:s8] =	ssyncset.done $0x0  }
0x160: {  	[sflag:s8] =	ssyncadd.s32 $0xFFFFF000  }
0x161: {  	_ =	swait.ge [sflag:s28], $0x1000  }
0x162: {  	[sflag:s28] =	ssyncset.done $0x0  }
0x163: {  	[sflag:s28] =	ssyncadd.s32 $0xFFFFF000  }
0x164: {  	_ =	swait.ge [sflag:s30], $0x1000  }
0x165: {  	[sflag:s30] =	ssyncset.done $0x0  }
0x166: {  	[sflag:s30] =	ssyncadd.s32 $0xFFFFF000  }
0x167: {  	_ =	swait.ge [sflag:s5], $0x1000  }
0x168: {  	[sflag:s5] =	ssyncset.done $0x0  }
0x169: {  	[sflag:s5] =	ssyncadd.s32 $0xFFFFF000  }
0x16a: {  	_ =	swait.ge [sflag:s9], $0x1000  }
0x16b: {  	[sflag:s9] =	ssyncset.done $0x0  }
0x16c: {  	[sflag:s9] =	ssyncadd.s32 $0xFFFFF000  }
0x16d: {  	_ =	swait.ge [sflag:s17], $0x1000  }
0x16e: {  	[sflag:s17] =	ssyncset.done $0x0  }
0x16f: {  	[sflag:s17] =	ssyncadd.s32 $0xFFFFF000  }
0x170: {  	_ =	swait.ge [sflag:s12], $0x1000  }
0x171: {  	s6 =	simm.s32 @!p0 $0x80;
	[sflag:s12] =	ssyncset.done $0x0  }
0x172: {  	s14 =	simm.s32 @!p0 $0x2700;
	s15 =	simm.s32 @!p0 $0x4F00;
	[sflag:s12] =	ssyncadd.s32 $0xFFFFF000  }
0x173: {  	[tilespmem:s15], [sflag:$0x1] =	stream.indirect.gather @!p0 [spmem:s3], $0x20, s14, s6, $0xb8;
	[tilespmem:$0x16B40] =	vst v63  }
0x174: {  	s14 =	simm.s32 @!p0 $0x1  }
0x175: {  	_ =	swait.ge @!p0 [sflag:s14], $0x1000  }
0x176: {  	[sflag:s14] =	ssyncset.done @!p0 $0x0  }
0x177: {  	[sflag:s14] =	ssyncadd.s32 @!p0 $0xFFFFF000;
	s14 =	simm.s32 @!p0 $0x4E80  }
0x178: {  	[spmem:s2] =	stream.indirect.scatter.add.f32 @!p0 [tilespmem:s15], [sflag:$0x11], $0x20, s14, s6, $0xb8;
	[tilespmem:$0x16B40] =	vst v63  }
0x179: {  	s6 =	simm.s32 @!p0 $0x11  }
0x17a: {  	_ =	swait.ge @!p0 [sflag:s6], $0x1000  }
0x17b: {  	[sflag:s6] =	ssyncset.done @!p0 $0x0  }
0x17c: {  	[sflag:s6] =	ssyncadd.s32 @!p0 $0xFFFFF000  }
0x17d: {  	[bflag:$0x0] =	sbarrier.arrive $0xFFFF  }
0x17e: {  	s4 =	rddreg [dreg:$0x8]  }
0x17f: {  	s15 =	rddreg [dreg:$0xe]  }
0x180: {  	s6 =	rddreg [dreg:$0x10]  }
0x181: {  	[hbm:s15], [sflag:s4] =	dma.local [spmem:s6], $0x9C4  }
0x182: {  	s15 =	simm.s32 $0x11  }
0x183: {  	_ =	swait.ge [sflag:s15], $0x9C4  }
0x184: {  	s4 =	rddreg [dreg:$0x12]  }
0x185: {  	s14 =	sadd.s32 $0x1, s4;
	s4 =	rddreg [dreg:$0xf]  }
0x186: {  	p1 =	sne.s32 s14, s4  }
.Ltmp1:
0x187: {  	_ = 	snop;
	(pc) =	sbr.rel @p1 .LBB2_1-.Ltmp1, $3  }
0x188: {  	_ =	sdelay $0x1  }
0x189: {  	[sflag:s15] =	ssyncset.done $0x0;
	[dreg:$0x12] =	wrdreg s14  }
0x18a: {  	[sflag:s15] =	ssyncadd.s32 $0xFFFFF63C;
	s14 =	rddreg [dreg:$0x8]  }
0x18b: {  	_ =	sfence.sel $0x180000  }
0x18c: {  	[bflag:$0x0] =	sbarrier.arrive $0xFFFF  }
0x18d: {  	_ =	strace $0x90000047  }
0x18e: {  	s0 =	stileid.u32;
	[bflag:$0x2] =	sbarrier.arrive $0xFFFF  }
0x18f: {  	p0 =	sne.s32 s0, $0x0;
	s0 =	rddreg [dreg:$0x6]  }
0x190: {  	s0 =	sadd.s32 @!p0 $0x100000, s0  }
0x191: {  	[sflag:s0] =	ssyncadd.tile.s32 @!p0 $0x1;
	_ =	shalt  }
.Lfunc_end2:
_tile_overlayer_lowered:
.L_overlay_start_2:
0x192: {  	(tag) =	ssettag $0x2  }
0x193: {  	s0 =	rddreg [dreg:$0x0];
	s2 =	stileid.u32  }
0x194: {  	s1 =	rddreg [dreg:$0x1];
	p0 =	sne.s32 s2, $0x0  }
0x195: {  	s3 =	rddreg [dreg:$0x2];
	[bflag:$0x3] =	sbarrier.arrive $0xFFFF;
	s2 =	simm.s32 @!p0 $0x1C11  }
0x196: {  	[timem:s3], [sflag:s2] =	dma.local @!p0 [hbm:s0], s1  }
0x197: {  	s0 =	simm.s32 @!p0 $0x11  }
0x198: {  	_ =	swait.ge @!p0 [sflag:s0], s1  }
0x199: {  	s1 =	ssub.s32 @!p0 $0x0, s1;
	[sflag:s0] =	ssyncset.done @!p0 $0x0  }
0x19a: {  	[sflag:s0] =	ssyncadd.s32 @!p0 s1  }
0x19b: {  	[bflag:$0x3] =	sbarrier.arrive $0xFFFF  }
0x19c: {  	_ =	shalt  }

</sc_bundles>
